<compile_context>
chip_gen: v7x
topology: tpu7x:2x2x1
jax: 0.10.2.dev20260603
libtpu: 0.0.44.dev20260713+nightly
codegen_flags: <defaults>
</compile_context>

<pallas_src>
import jax
import jax.numpy as jnp
from jax import lax
from jax.experimental import pallas as pl
from jax.experimental.pallas import tpu as pltpu
from jax.experimental.pallas import tpu_sc as plsc

NT = 100000
NC = 2
NS = 16
L = 16
NW = NC * NS
B = 16384
D = 64
W = 2 * D
BPW = B // NW
CHUNK = 128
NCH = BPW // CHUNK
GPC = CHUNK // L


def _mf_body(u_hbm, i_hbm, cat_hbm, ub_hbm, ib_hbm, mu_hbm, out_hbm,
             uidx, iidx, up_rows, iq_rows, ubv, ibv, outv, muv,
             bsem, gsem0, gsem1):
    c = lax.axis_index("c")
    s = lax.axis_index("s")
    wid = s * NC + c
    base = wid * BPW

    pltpu.sync_copy(u_hbm.at[pl.ds(base, BPW)], uidx)
    pltpu.sync_copy(i_hbm.at[pl.ds(base, BPW)], iidx)
    pltpu.sync_copy(mu_hbm, muv)

    bias_copies = []
    for ci in range(NCH):
        sl = pl.ds(ci * CHUNK, CHUNK)
        bias_copies.append(
            pltpu.async_copy(ub_hbm.at[uidx.at[sl]], ubv.at[sl], bsem))
        bias_copies.append(
            pltpu.async_copy(ib_hbm.at[iidx.at[sl]], ibv.at[sl], bsem))

    mu_s = muv[...]
    lane = lax.broadcasted_iota(jnp.int32, (L,), 0)
    gsems = (gsem0, gsem1)

    def fire(ci):
        p = ci % 2
        sl = pl.ds(ci * CHUNK, CHUNK)
        return (
            pltpu.async_copy(cat_hbm.at[uidx.at[sl]], up_rows.at[p], gsems[p]),
            pltpu.async_copy(cat_hbm.at[iidx.at[sl]], iq_rows.at[p], gsems[p]),
        )

    def compute(ci):
        p = ci % 2
        upb = up_rows.at[p]
        iqb = iq_rows.at[p]

        def group_body(g, carry):
            rows = lane + g * L

            def d_body(d, acc):
                dv = jnp.full((L,), d, jnp.int32)
                upv = plsc.load_gather(upb, [rows, dv])
                iqv = plsc.load_gather(iqb, [rows, dv + D])
                return acc + upv * iqv

            acc = lax.fori_loop(0, D, d_body, jnp.zeros((L,), jnp.float32),
                                unroll=16)
            osl = pl.ds(ci * CHUNK + g * L, L)
            outv[osl] = acc + ubv[osl] + ibv[osl] + mu_s
            return carry

        lax.fori_loop(0, GPC, group_body, 0)

    inflight = fire(0)
    for ci in range(NCH):
        nxt = fire(ci + 1) if ci + 1 < NCH else None
        for cp in inflight:
            cp.wait()
        compute(ci)
        inflight = nxt

    for cp in bias_copies:
        cp.wait()
    pltpu.sync_copy(outv, out_hbm.at[pl.ds(base, BPW)])


@jax.jit
def kernel(u, i, user_p, item_q, user_b, item_b, mu):
    cat = jnp.concatenate([user_p, item_q], axis=1)
    ub1 = user_b.reshape(-1)
    ib1 = item_b.reshape(-1)
    mu16 = jnp.broadcast_to(mu, (L,))
    mesh = plsc.VectorSubcoreMesh(core_axis_name="c", subcore_axis_name="s",
                                  num_cores=NC, num_subcores=NS)
    fn = pl.kernel(
        _mf_body,
        out_type=jax.ShapeDtypeStruct((B,), jnp.float32),
        mesh=mesh,
        compiler_params=pltpu.CompilerParams(needs_layout_passes=False),
        scratch_types=[
            pltpu.VMEM((BPW,), jnp.int32),
            pltpu.VMEM((BPW,), jnp.int32),
            pltpu.VMEM((2, CHUNK, W), jnp.float32),
            pltpu.VMEM((2, CHUNK, W), jnp.float32),
            pltpu.VMEM((BPW,), jnp.float32),
            pltpu.VMEM((BPW,), jnp.float32),
            pltpu.VMEM((BPW,), jnp.float32),
            pltpu.VMEM((L,), jnp.float32),
            pltpu.SemaphoreType.DMA,
            pltpu.SemaphoreType.DMA,
            pltpu.SemaphoreType.DMA,
        ],
    )
    return fn(u, i, cat, ub1, ib1, mu16)

# --- scband reference (transcript-rebuilt; emitter-appended) ---
"""Pipeline reference for scband-mfmodel-26173530702203 (READ-ONLY COPY).

The authoritative reference and input builder live on the scoring server;
editing this copy changes nothing except your own understanding.
"""

import jax, jax.numpy as jnp
import numpy as np

N_USERS = 100000
N_ITEMS = 100000
N_LATENT = 64
BATCH = 16384

def setup_inputs(seed: int = 0) -> dict:
    key = jax.random.key(seed)
    k_u, k_i, k_up, k_iq, k_ub, k_ib = jax.random.split(key, 6)
    u = jax.random.randint(k_u, (BATCH,), 0, N_USERS, dtype=jnp.int64 if jax.config.jax_enable_x64 else jnp.int32)
    i = jax.random.randint(k_i, (BATCH,), 0, N_ITEMS, dtype=jnp.int64 if jax.config.jax_enable_x64 else jnp.int32)
    user_p = jax.random.normal(k_up, (N_USERS, N_LATENT), dtype=jnp.float32)
    item_q = jax.random.normal(k_iq, (N_ITEMS, N_LATENT), dtype=jnp.float32)
    user_b = jax.random.normal(k_ub, (N_USERS, 1), dtype=jnp.float32)
    item_b = jax.random.normal(k_ib, (N_ITEMS, 1), dtype=jnp.float32)
    mu = jnp.zeros((1,), dtype=jnp.float32)
    return {"u": u, "i": i, "user_p": user_p, "item_q": item_q, "user_b": user_b, "item_b": item_b, "mu": mu}

def reference(u, i, user_p, item_q, user_b, item_b, mu):
    # mu + user_b(u).squeeze() + item_b(i).squeeze() + (user_p(u) * item_q(i)).sum(1)
    ub = jnp.take(user_b, u, axis=0).squeeze(-1)          # [B]
    ib = jnp.take(item_b, i, axis=0).squeeze(-1)          # [B]
    up = jnp.take(user_p, u, axis=0)                      # [B, d]
    iq = jnp.take(item_q, i, axis=0)                      # [B, d]
    return mu + ub + ib + (up * iq).sum(axis=1)           # [B] (mu broadcasts)

if __name__ == "__main__":
    import jax
    _d = setup_inputs()
    print(jax.jit(kernel)(*tuple(_d.values())))

</pallas_src>

<mosaic_0001>
#map = affine_map<(d0, d1) -> (0)>
#map1 = affine_map<(d0, d1) -> (0, 0)>
module attributes {stable_mosaic.version = 14 : i64} {
  func.func @_mf_body(%arg0: i32, %arg1: i32, %arg2: memref<16384xi32, #tpu.memory_space<hbm>>, %arg3: memref<16384xi32, #tpu.memory_space<hbm>>, %arg4: memref<100000x128xf32, #tpu.memory_space<hbm>>, %arg5: memref<100000xf32, #tpu.memory_space<hbm>>, %arg6: memref<100000xf32, #tpu.memory_space<hbm>>, %arg7: memref<16xf32, #tpu.memory_space<hbm>>, %arg8: memref<16384xf32, #tpu.memory_space<hbm>>, %arg9: memref<512xi32, #tpu.memory_space<vmem>>, %arg10: memref<512xi32, #tpu.memory_space<vmem>>, %arg11: memref<2x128x128xf32, #tpu.memory_space<vmem>>, %arg12: memref<2x128x128xf32, #tpu.memory_space<vmem>>, %arg13: memref<512xf32, #tpu.memory_space<vmem>>, %arg14: memref<512xf32, #tpu.memory_space<vmem>>, %arg15: memref<512xf32, #tpu.memory_space<vmem>>, %arg16: memref<16xf32, #tpu.memory_space<vmem>>, %arg17: memref<!tpu.dma_semaphore, #tpu.memory_space<semaphore_mem>>, %arg18: memref<!tpu.dma_semaphore, #tpu.memory_space<semaphore_mem>>, %arg19: memref<!tpu.dma_semaphore, #tpu.memory_space<semaphore_mem>>) attributes {dimension_semantics = [#tpu.dimension_semantics<core_parallel>, #tpu.dimension_semantics<subcore_parallel>], iteration_bounds = array<i64: 2, 16>, scalar_prefetch = 0 : i64, scratch_operands = 11 : i64, tpu.core_type = #tpu.core_type<sc_vector_subcore>, window_params = [{transform_indices = #map}, {transform_indices = #map}, {transform_indices = #map1}, {transform_indices = #map}, {transform_indices = #map}, {transform_indices = #map}, {transform_indices = #map}]} {
    %mul3A = arith.constant 2 : i32
    %mul3A_0 = arith.muli %arg1, %mul3A : i32
    %add3A = arith.addi %mul3A_0, %arg0 : i32
    %mul3A_1 = arith.constant 512 : i32
    %mul3A_2 = arith.muli %add3A, %mul3A_1 : i32
    "tpu.region"() ({
      %run_scoped3A = tpu.sem_alloc : memref<!tpu.dma_semaphore, #tpu.memory_space<semaphore_mem>>
      %dma_start3A_289 = tpu.memref_slice %arg2[%mul3A_2] : memref<16384xi32, #tpu.memory_space<hbm>> -> memref<512xi32, #tpu.memory_space<hbm>>
      %dma_start3A_290 = tpu.memref_slice %arg2[%mul3A_2] : memref<16384xi32, #tpu.memory_space<hbm>> -> memref<512xi32, #tpu.memory_space<hbm>>
      tpu.enqueue_dma source(%dma_start3A_290 : memref<512xi32, #tpu.memory_space<hbm>>) target(%arg9 : memref<512xi32, #tpu.memory_space<vmem>>) target_semaphore(%run_scoped3A : memref<!tpu.dma_semaphore, #tpu.memory_space<semaphore_mem>>)
      %dma_wait3A_291 = tpu.memref_slice %arg2[%mul3A_2] : memref<16384xi32, #tpu.memory_space<hbm>> -> memref<512xi32, #tpu.memory_space<hbm>>
      %dma_wait3A_292 = tpu.memref_slice %arg2[%mul3A_2] : memref<16384xi32, #tpu.memory_space<hbm>> -> memref<512xi32, #tpu.memory_space<hbm>>
      tpu.wait_dma2 semaphore(%run_scoped3A : memref<!tpu.dma_semaphore, #tpu.memory_space<semaphore_mem>>) src(%dma_wait3A_292 : memref<512xi32, #tpu.memory_space<hbm>>) dst(%arg9 : memref<512xi32, #tpu.memory_space<vmem>>)
      tpu.yield
    }) : () -> ()
    "tpu.region"() ({
      %run_scoped3A = tpu.sem_alloc : memref<!tpu.dma_semaphore, #tpu.memory_space<semaphore_mem>>
      %dma_start3A_289 = tpu.memref_slice %arg3[%mul3A_2] : memref<16384xi32, #tpu.memory_space<hbm>> -> memref<512xi32, #tpu.memory_space<hbm>>
      %dma_start3A_290 = tpu.memref_slice %arg3[%mul3A_2] : memref<16384xi32, #tpu.memory_space<hbm>> -> memref<512xi32, #tpu.memory_space<hbm>>
      tpu.enqueue_dma source(%dma_start3A_290 : memref<512xi32, #tpu.memory_space<hbm>>) target(%arg10 : memref<512xi32, #tpu.memory_space<vmem>>) target_semaphore(%run_scoped3A : memref<!tpu.dma_semaphore, #tpu.memory_space<semaphore_mem>>)
      %dma_wait3A_291 = tpu.memref_slice %arg3[%mul3A_2] : memref<16384xi32, #tpu.memory_space<hbm>> -> memref<512xi32, #tpu.memory_space<hbm>>
      %dma_wait3A_292 = tpu.memref_slice %arg3[%mul3A_2] : memref<16384xi32, #tpu.memory_space<hbm>> -> memref<512xi32, #tpu.memory_space<hbm>>
      tpu.wait_dma2 semaphore(%run_scoped3A : memref<!tpu.dma_semaphore, #tpu.memory_space<semaphore_mem>>) src(%dma_wait3A_292 : memref<512xi32, #tpu.memory_space<hbm>>) dst(%arg10 : memref<512xi32, #tpu.memory_space<vmem>>)
      tpu.yield
    }) : () -> ()
    "tpu.region"() ({
      %run_scoped3A = tpu.sem_alloc : memref<!tpu.dma_semaphore, #tpu.memory_space<semaphore_mem>>
      tpu.enqueue_dma source(%arg7 : memref<16xf32, #tpu.memory_space<hbm>>) target(%arg16 : memref<16xf32, #tpu.memory_space<vmem>>) target_semaphore(%run_scoped3A : memref<!tpu.dma_semaphore, #tpu.memory_space<semaphore_mem>>)
      tpu.wait_dma2 semaphore(%run_scoped3A : memref<!tpu.dma_semaphore, #tpu.memory_space<semaphore_mem>>) src(%arg7 : memref<16xf32, #tpu.memory_space<hbm>>) dst(%arg16 : memref<16xf32, #tpu.memory_space<vmem>>)
      tpu.yield
    }) : () -> ()
    %dma_start3A = arith.constant 0 : i32
    %dma_start3A_3 = tpu.memref_slice %arg13[%dma_start3A] : memref<512xf32, #tpu.memory_space<vmem>> -> memref<128xf32, #tpu.memory_space<vmem>>
    %dma_start3A_4 = arith.constant 0 : i32
    %dma_start3A_5 = tpu.memref_slice %arg9[%dma_start3A_4] : memref<512xi32, #tpu.memory_space<vmem>> -> memref<128xi32, #tpu.memory_space<vmem>>
    %dma_start3A_6 = arith.constant 0 : i32
    %dma_start3A_7 = tpu.memref_slice %arg5[%dma_start3A_6] : memref<100000xf32, #tpu.memory_space<hbm>> -> memref<100000xf32, #tpu.memory_space<hbm>>
    tpu.enqueue_indirect_dma source(%dma_start3A_7 : memref<100000xf32, #tpu.memory_space<hbm>>) target(%dma_start3A_3 : memref<128xf32, #tpu.memory_space<vmem>>) offsets(%dma_start3A_5 : memref<128xi32, #tpu.memory_space<vmem>>) semaphore(%arg17 : memref<!tpu.dma_semaphore, #tpu.memory_space<semaphore_mem>>)
    %dma_start3A_8 = arith.constant 0 : i32
    %dma_start3A_9 = tpu.memref_slice %arg14[%dma_start3A_8] : memref<512xf32, #tpu.memory_space<vmem>> -> memref<128xf32, #tpu.memory_space<vmem>>
    %dma_start3A_10 = arith.constant 0 : i32
    %dma_start3A_11 = tpu.memref_slice %arg10[%dma_start3A_10] : memref<512xi32, #tpu.memory_space<vmem>> -> memref<128xi32, #tpu.memory_space<vmem>>
    %dma_start3A_12 = arith.constant 0 : i32
    %dma_start3A_13 = tpu.memref_slice %arg6[%dma_start3A_12] : memref<100000xf32, #tpu.memory_space<hbm>> -> memref<100000xf32, #tpu.memory_space<hbm>>
    tpu.enqueue_indirect_dma source(%dma_start3A_13 : memref<100000xf32, #tpu.memory_space<hbm>>) target(%dma_start3A_9 : memref<128xf32, #tpu.memory_space<vmem>>) offsets(%dma_start3A_11 : memref<128xi32, #tpu.memory_space<vmem>>) semaphore(%arg17 : memref<!tpu.dma_semaphore, #tpu.memory_space<semaphore_mem>>)
    %dma_start3A_14 = arith.constant 128 : i32
    %dma_start3A_15 = tpu.memref_slice %arg13[%dma_start3A_14] : memref<512xf32, #tpu.memory_space<vmem>> -> memref<128xf32, #tpu.memory_space<vmem>>
    %dma_start3A_16 = arith.constant 128 : i32
    %dma_start3A_17 = tpu.memref_slice %arg9[%dma_start3A_16] : memref<512xi32, #tpu.memory_space<vmem>> -> memref<128xi32, #tpu.memory_space<vmem>>
    %dma_start3A_18 = arith.constant 0 : i32
    %dma_start3A_19 = tpu.memref_slice %arg5[%dma_start3A_18] : memref<100000xf32, #tpu.memory_space<hbm>> -> memref<100000xf32, #tpu.memory_space<hbm>>
    tpu.enqueue_indirect_dma source(%dma_start3A_19 : memref<100000xf32, #tpu.memory_space<hbm>>) target(%dma_start3A_15 : memref<128xf32, #tpu.memory_space<vmem>>) offsets(%dma_start3A_17 : memref<128xi32, #tpu.memory_space<vmem>>) semaphore(%arg17 : memref<!tpu.dma_semaphore, #tpu.memory_space<semaphore_mem>>)
    %dma_start3A_20 = arith.constant 128 : i32
    %dma_start3A_21 = tpu.memref_slice %arg14[%dma_start3A_20] : memref<512xf32, #tpu.memory_space<vmem>> -> memref<128xf32, #tpu.memory_space<vmem>>
    %dma_start3A_22 = arith.constant 128 : i32
    %dma_start3A_23 = tpu.memref_slice %arg10[%dma_start3A_22] : memref<512xi32, #tpu.memory_space<vmem>> -> memref<128xi32, #tpu.memory_space<vmem>>
    %dma_start3A_24 = arith.constant 0 : i32
    %dma_start3A_25 = tpu.memref_slice %arg6[%dma_start3A_24] : memref<100000xf32, #tpu.memory_space<hbm>> -> memref<100000xf32, #tpu.memory_space<hbm>>
    tpu.enqueue_indirect_dma source(%dma_start3A_25 : memref<100000xf32, #tpu.memory_space<hbm>>) target(%dma_start3A_21 : memref<128xf32, #tpu.memory_space<vmem>>) offsets(%dma_start3A_23 : memref<128xi32, #tpu.memory_space<vmem>>) semaphore(%arg17 : memref<!tpu.dma_semaphore, #tpu.memory_space<semaphore_mem>>)
    %dma_start3A_26 = arith.constant 256 : i32
    %dma_start3A_27 = tpu.memref_slice %arg13[%dma_start3A_26] : memref<512xf32, #tpu.memory_space<vmem>> -> memref<128xf32, #tpu.memory_space<vmem>>
    %dma_start3A_28 = arith.constant 256 : i32
    %dma_start3A_29 = tpu.memref_slice %arg9[%dma_start3A_28] : memref<512xi32, #tpu.memory_space<vmem>> -> memref<128xi32, #tpu.memory_space<vmem>>
    %dma_start3A_30 = arith.constant 0 : i32
    %dma_start3A_31 = tpu.memref_slice %arg5[%dma_start3A_30] : memref<100000xf32, #tpu.memory_space<hbm>> -> memref<100000xf32, #tpu.memory_space<hbm>>
    tpu.enqueue_indirect_dma source(%dma_start3A_31 : memref<100000xf32, #tpu.memory_space<hbm>>) target(%dma_start3A_27 : memref<128xf32, #tpu.memory_space<vmem>>) offsets(%dma_start3A_29 : memref<128xi32, #tpu.memory_space<vmem>>) semaphore(%arg17 : memref<!tpu.dma_semaphore, #tpu.memory_space<semaphore_mem>>)
    %dma_start3A_32 = arith.constant 256 : i32
    %dma_start3A_33 = tpu.memref_slice %arg14[%dma_start3A_32] : memref<512xf32, #tpu.memory_space<vmem>> -> memref<128xf32, #tpu.memory_space<vmem>>
    %dma_start3A_34 = arith.constant 256 : i32
    %dma_start3A_35 = tpu.memref_slice %arg10[%dma_start3A_34] : memref<512xi32, #tpu.memory_space<vmem>> -> memref<128xi32, #tpu.memory_space<vmem>>
    %dma_start3A_36 = arith.constant 0 : i32
    %dma_start3A_37 = tpu.memref_slice %arg6[%dma_start3A_36] : memref<100000xf32, #tpu.memory_space<hbm>> -> memref<100000xf32, #tpu.memory_space<hbm>>
    tpu.enqueue_indirect_dma source(%dma_start3A_37 : memref<100000xf32, #tpu.memory_space<hbm>>) target(%dma_start3A_33 : memref<128xf32, #tpu.memory_space<vmem>>) offsets(%dma_start3A_35 : memref<128xi32, #tpu.memory_space<vmem>>) semaphore(%arg17 : memref<!tpu.dma_semaphore, #tpu.memory_space<semaphore_mem>>)
    %dma_start3A_38 = arith.constant 384 : i32
    %dma_start3A_39 = tpu.memref_slice %arg13[%dma_start3A_38] : memref<512xf32, #tpu.memory_space<vmem>> -> memref<128xf32, #tpu.memory_space<vmem>>
    %dma_start3A_40 = arith.constant 384 : i32
    %dma_start3A_41 = tpu.memref_slice %arg9[%dma_start3A_40] : memref<512xi32, #tpu.memory_space<vmem>> -> memref<128xi32, #tpu.memory_space<vmem>>
    %dma_start3A_42 = arith.constant 0 : i32
    %dma_start3A_43 = tpu.memref_slice %arg5[%dma_start3A_42] : memref<100000xf32, #tpu.memory_space<hbm>> -> memref<100000xf32, #tpu.memory_space<hbm>>
    tpu.enqueue_indirect_dma source(%dma_start3A_43 : memref<100000xf32, #tpu.memory_space<hbm>>) target(%dma_start3A_39 : memref<128xf32, #tpu.memory_space<vmem>>) offsets(%dma_start3A_41 : memref<128xi32, #tpu.memory_space<vmem>>) semaphore(%arg17 : memref<!tpu.dma_semaphore, #tpu.memory_space<semaphore_mem>>)
    %dma_start3A_44 = arith.constant 384 : i32
    %dma_start3A_45 = tpu.memref_slice %arg14[%dma_start3A_44] : memref<512xf32, #tpu.memory_space<vmem>> -> memref<128xf32, #tpu.memory_space<vmem>>
    %dma_start3A_46 = arith.constant 384 : i32
    %dma_start3A_47 = tpu.memref_slice %arg10[%dma_start3A_46] : memref<512xi32, #tpu.memory_space<vmem>> -> memref<128xi32, #tpu.memory_space<vmem>>
    %dma_start3A_48 = arith.constant 0 : i32
    %dma_start3A_49 = tpu.memref_slice %arg6[%dma_start3A_48] : memref<100000xf32, #tpu.memory_space<hbm>> -> memref<100000xf32, #tpu.memory_space<hbm>>
    tpu.enqueue_indirect_dma source(%dma_start3A_49 : memref<100000xf32, #tpu.memory_space<hbm>>) target(%dma_start3A_45 : memref<128xf32, #tpu.memory_space<vmem>>) offsets(%dma_start3A_47 : memref<128xi32, #tpu.memory_space<vmem>>) semaphore(%arg17 : memref<!tpu.dma_semaphore, #tpu.memory_space<semaphore_mem>>)
    %get3A = arith.constant 0 : index
    %get3A_50 = tpu.vector_load %arg16[%get3A] {strides = array<i32>} : memref<16xf32, #tpu.memory_space<vmem>>, vector<16xf32>,
    %iota3A = tpu.iota {dimensions = array<i32: 0>} : vector<16xi32>
    %dma_start3A_51 = arith.constant 0 : i32
    %dma_start3A_52 = arith.constant 0 : i32
    %dma_start3A_53 = arith.constant 0 : i32
    %dma_start3A_54 = tpu.memref_slice %arg11[%dma_start3A_51, %dma_start3A_52, %dma_start3A_53] : memref<2x128x128xf32, #tpu.memory_space<vmem>> -> memref<1x128x128xf32, #tpu.memory_space<vmem>>
    %dma_start3A_55 = tpu.memref_squeeze %dma_start3A_54 : memref<1x128x128xf32, #tpu.memory_space<vmem>> -> memref<128x128xf32, #tpu.memory_space<vmem>>
    %dma_start3A_56 = arith.constant 0 : i32
    %dma_start3A_57 = tpu.memref_slice %arg9[%dma_start3A_56] : memref<512xi32, #tpu.memory_space<vmem>> -> memref<128xi32, #tpu.memory_space<vmem>>
    %dma_start3A_58 = arith.constant 0 : i32
    %dma_start3A_59 = arith.constant 0 : i32
    %dma_start3A_60 = tpu.memref_slice %arg4[%dma_start3A_58, %dma_start3A_59] : memref<100000x128xf32, #tpu.memory_space<hbm>> -> memref<100000x128xf32, #tpu.memory_space<hbm>>
    tpu.enqueue_indirect_dma source(%dma_start3A_60 : memref<100000x128xf32, #tpu.memory_space<hbm>>) target(%dma_start3A_55 : memref<128x128xf32, #tpu.memory_space<vmem>>) offsets(%dma_start3A_57 : memref<128xi32, #tpu.memory_space<vmem>>) semaphore(%arg18 : memref<!tpu.dma_semaphore, #tpu.memory_space<semaphore_mem>>)
    %dma_start3A_61 = arith.constant 0 : i32
    %dma_start3A_62 = arith.constant 0 : i32
    %dma_start3A_63 = arith.constant 0 : i32
    %dma_start3A_64 = tpu.memref_slice %arg12[%dma_start3A_61, %dma_start3A_62, %dma_start3A_63] : memref<2x128x128xf32, #tpu.memory_space<vmem>> -> memref<1x128x128xf32, #tpu.memory_space<vmem>>
    %dma_start3A_65 = tpu.memref_squeeze %dma_start3A_64 : memref<1x128x128xf32, #tpu.memory_space<vmem>> -> memref<128x128xf32, #tpu.memory_space<vmem>>
    %dma_start3A_66 = arith.constant 0 : i32
    %dma_start3A_67 = tpu.memref_slice %arg10[%dma_start3A_66] : memref<512xi32, #tpu.memory_space<vmem>> -> memref<128xi32, #tpu.memory_space<vmem>>
    %dma_start3A_68 = arith.constant 0 : i32
    %dma_start3A_69 = arith.constant 0 : i32
    %dma_start3A_70 = tpu.memref_slice %arg4[%dma_start3A_68, %dma_start3A_69] : memref<100000x128xf32, #tpu.memory_space<hbm>> -> memref<100000x128xf32, #tpu.memory_space<hbm>>
    tpu.enqueue_indirect_dma source(%dma_start3A_70 : memref<100000x128xf32, #tpu.memory_space<hbm>>) target(%dma_start3A_65 : memref<128x128xf32, #tpu.memory_space<vmem>>) offsets(%dma_start3A_67 : memref<128xi32, #tpu.memory_space<vmem>>) semaphore(%arg18 : memref<!tpu.dma_semaphore, #tpu.memory_space<semaphore_mem>>)
    %dma_start3A_71 = arith.constant 1 : i32
    %dma_start3A_72 = arith.constant 0 : i32
    %dma_start3A_73 = arith.constant 0 : i32
    %dma_start3A_74 = tpu.memref_slice %arg11[%dma_start3A_71, %dma_start3A_72, %dma_start3A_73] : memref<2x128x128xf32, #tpu.memory_space<vmem>> -> memref<1x128x128xf32, #tpu.memory_space<vmem>>
    %dma_start3A_75 = tpu.memref_squeeze %dma_start3A_74 : memref<1x128x128xf32, #tpu.memory_space<vmem>> -> memref<128x128xf32, #tpu.memory_space<vmem>>
    %dma_start3A_76 = arith.constant 128 : i32
    %dma_start3A_77 = tpu.memref_slice %arg9[%dma_start3A_76] : memref<512xi32, #tpu.memory_space<vmem>> -> memref<128xi32, #tpu.memory_space<vmem>>
    %dma_start3A_78 = arith.constant 0 : i32
    %dma_start3A_79 = arith.constant 0 : i32
    %dma_start3A_80 = tpu.memref_slice %arg4[%dma_start3A_78, %dma_start3A_79] : memref<100000x128xf32, #tpu.memory_space<hbm>> -> memref<100000x128xf32, #tpu.memory_space<hbm>>
    tpu.enqueue_indirect_dma source(%dma_start3A_80 : memref<100000x128xf32, #tpu.memory_space<hbm>>) target(%dma_start3A_75 : memref<128x128xf32, #tpu.memory_space<vmem>>) offsets(%dma_start3A_77 : memref<128xi32, #tpu.memory_space<vmem>>) semaphore(%arg19 : memref<!tpu.dma_semaphore, #tpu.memory_space<semaphore_mem>>)
    %dma_start3A_81 = arith.constant 1 : i32
    %dma_start3A_82 = arith.constant 0 : i32
    %dma_start3A_83 = arith.constant 0 : i32
    %dma_start3A_84 = tpu.memref_slice %arg12[%dma_start3A_81, %dma_start3A_82, %dma_start3A_83] : memref<2x128x128xf32, #tpu.memory_space<vmem>> -> memref<1x128x128xf32, #tpu.memory_space<vmem>>
    %dma_start3A_85 = tpu.memref_squeeze %dma_start3A_84 : memref<1x128x128xf32, #tpu.memory_space<vmem>> -> memref<128x128xf32, #tpu.memory_space<vmem>>
    %dma_start3A_86 = arith.constant 128 : i32
    %dma_start3A_87 = tpu.memref_slice %arg10[%dma_start3A_86] : memref<512xi32, #tpu.memory_space<vmem>> -> memref<128xi32, #tpu.memory_space<vmem>>
    %dma_start3A_88 = arith.constant 0 : i32
    %dma_start3A_89 = arith.constant 0 : i32
    %dma_start3A_90 = tpu.memref_slice %arg4[%dma_start3A_88, %dma_start3A_89] : memref<100000x128xf32, #tpu.memory_space<hbm>> -> memref<100000x128xf32, #tpu.memory_space<hbm>>
    tpu.enqueue_indirect_dma source(%dma_start3A_90 : memref<100000x128xf32, #tpu.memory_space<hbm>>) target(%dma_start3A_85 : memref<128x128xf32, #tpu.memory_space<vmem>>) offsets(%dma_start3A_87 : memref<128xi32, #tpu.memory_space<vmem>>) semaphore(%arg19 : memref<!tpu.dma_semaphore, #tpu.memory_space<semaphore_mem>>)
    %dma_wait3A = arith.constant 0 : i32
    %dma_wait3A_91 = arith.constant 0 : i32
    %dma_wait3A_92 = arith.constant 0 : i32
    %dma_wait3A_93 = tpu.memref_slice %arg11[%dma_wait3A, %dma_wait3A_91, %dma_wait3A_92] : memref<2x128x128xf32, #tpu.memory_space<vmem>> -> memref<1x128x128xf32, #tpu.memory_space<vmem>>
    %dma_wait3A_94 = tpu.memref_squeeze %dma_wait3A_93 : memref<1x128x128xf32, #tpu.memory_space<vmem>> -> memref<128x128xf32, #tpu.memory_space<vmem>>
    %dma_wait3A_95 = arith.constant 0 : i32
    %dma_wait3A_96 = tpu.memref_slice %arg9[%dma_wait3A_95] : memref<512xi32, #tpu.memory_space<vmem>> -> memref<128xi32, #tpu.memory_space<vmem>>
    %dma_wait3A_97 = arith.constant 0 : i32
    %dma_wait3A_98 = arith.constant 0 : i32
    %dma_wait3A_99 = tpu.memref_slice %arg4[%dma_wait3A_97, %dma_wait3A_98] : memref<100000x128xf32, #tpu.memory_space<hbm>> -> memref<100000x128xf32, #tpu.memory_space<hbm>>
    tpu.wait_indirect_dma semaphore(%arg18 : memref<!tpu.dma_semaphore, #tpu.memory_space<semaphore_mem>>) src(%dma_wait3A_99 : memref<100000x128xf32, #tpu.memory_space<hbm>>) dst(%dma_wait3A_94 : memref<128x128xf32, #tpu.memory_space<vmem>>)
    %dma_wait3A_100 = arith.constant 0 : i32
    %dma_wait3A_101 = arith.constant 0 : i32
    %dma_wait3A_102 = arith.constant 0 : i32
    %dma_wait3A_103 = tpu.memref_slice %arg12[%dma_wait3A_100, %dma_wait3A_101, %dma_wait3A_102] : memref<2x128x128xf32, #tpu.memory_space<vmem>> -> memref<1x128x128xf32, #tpu.memory_space<vmem>>
    %dma_wait3A_104 = tpu.memref_squeeze %dma_wait3A_103 : memref<1x128x128xf32, #tpu.memory_space<vmem>> -> memref<128x128xf32, #tpu.memory_space<vmem>>
    %dma_wait3A_105 = arith.constant 0 : i32
    %dma_wait3A_106 = tpu.memref_slice %arg10[%dma_wait3A_105] : memref<512xi32, #tpu.memory_space<vmem>> -> memref<128xi32, #tpu.memory_space<vmem>>
    %dma_wait3A_107 = arith.constant 0 : i32
    %dma_wait3A_108 = arith.constant 0 : i32
    %dma_wait3A_109 = tpu.memref_slice %arg4[%dma_wait3A_107, %dma_wait3A_108] : memref<100000x128xf32, #tpu.memory_space<hbm>> -> memref<100000x128xf32, #tpu.memory_space<hbm>>
    tpu.wait_indirect_dma semaphore(%arg18 : memref<!tpu.dma_semaphore, #tpu.memory_space<semaphore_mem>>) src(%dma_wait3A_109 : memref<100000x128xf32, #tpu.memory_space<hbm>>) dst(%dma_wait3A_104 : memref<128x128xf32, #tpu.memory_space<vmem>>)
    %scan3A = arith.constant 0 : i32
    %scan3A_110 = arith.constant 0 : i32
    %scan3A_111 = arith.constant 0 : i32
    %scan3A_112 = arith.constant 0 : i32
    %scan3A_113 = arith.constant 8 : i32
    %scan3A_114 = arith.addi %scan3A_112, %scan3A_113 : i32
    %scan3A_115 = arith.constant 1 : i32
    scf.for %scan3A_289 = %scan3A_112 to %scan3A_114 step %scan3A_115  : i32 {
      %mul3A_290 = arith.constant 16 : i32
      %mul3A_291 = arith.muli %scan3A_289, %mul3A_290 : i32
      %add3A_292 = vector.broadcast %mul3A_291 : i32 to vector<16xi32>
      %add3A_293 = arith.addi %iota3A, %add3A_292 : vector<16xi32>
      %broadcast_in_dim3A = arith.constant 0.000000e+00 : f32
      %broadcast_in_dim3A_294 = vector.broadcast %broadcast_in_dim3A : f32 to vector<16xf32>
      %scan3A_295 = arith.constant 0 : i32
      %scan3A_296 = arith.constant 64 : i32
      %scan3A_297 = arith.addi %scan3A_295, %scan3A_296 : i32
      %scan3A_298 = arith.constant 16 : i32
      %scan3A_299 = scf.for %scan3A_313 = %scan3A_295 to %scan3A_297 step %scan3A_298 iter_args(%scan3A_314 = %broadcast_in_dim3A_294) -> (vector<16xf32>)  : i32 {
        %broadcast_in_dim3A_315 = vector.broadcast %scan3A_313 : i32 to vector<16xi32>
        %gather3A = arith.constant 0 : i32
        %gather3A_316 = arith.constant 0 : i32
        %gather3A_317 = tpu.memref_slice %arg11[%scan3A_110, %gather3A, %gather3A_316] : memref<2x128x128xf32, #tpu.memory_space<vmem>> -> memref<1x128x128xf32, #tpu.memory_space<vmem>>
        %gather3A_318 = tpu.memref_squeeze %gather3A_317 : memref<1x128x128xf32, #tpu.memory_space<vmem>> -> memref<128x128xf32, #tpu.memory_space<vmem>>
        %gather3A_319 = tpu.vector_load_idx %gather3A_318[%add3A_293, %broadcast_in_dim3A_315] : memref<128x128xf32, #tpu.memory_space<vmem>>[vector<16xi32>, vector<16xi32>], vector<16xf32>,
        %add3A_320 = arith.constant 64 : i32
        %add3A_321 = vector.broadcast %add3A_320 : i32 to vector<16xi32>
        %add3A_322 = arith.addi %broadcast_in_dim3A_315, %add3A_321 : vector<16xi32>
        %gather3A_323 = arith.constant 0 : i32
        %gather3A_324 = arith.constant 0 : i32
        %gather3A_325 = tpu.memref_slice %arg12[%scan3A_111, %gather3A_323, %gather3A_324] : memref<2x128x128xf32, #tpu.memory_space<vmem>> -> memref<1x128x128xf32, #tpu.memory_space<vmem>>
        %gather3A_326 = tpu.memref_squeeze %gather3A_325 : memref<1x128x128xf32, #tpu.memory_space<vmem>> -> memref<128x128xf32, #tpu.memory_space<vmem>>
        %gather3A_327 = tpu.vector_load_idx %gather3A_326[%add3A_293, %add3A_322] : memref<128x128xf32, #tpu.memory_space<vmem>>[vector<16xi32>, vector<16xi32>], vector<16xf32>,
        %mul3A_328 = arith.mulf %gather3A_319, %gather3A_327 : vector<16xf32>
        %add3A_329 = arith.addf %scan3A_314, %mul3A_328 : vector<16xf32>
        %scan3A_330 = arith.constant 1 : i32
        %scan3A_331 = arith.addi %scan3A_313, %scan3A_330 : i32
        %broadcast_in_dim3A_332 = vector.broadcast %scan3A_331 : i32 to vector<16xi32>
        %gather3A_333 = arith.constant 0 : i32
        %gather3A_334 = arith.constant 0 : i32
        %gather3A_335 = tpu.memref_slice %arg11[%scan3A_110, %gather3A_333, %gather3A_334] : memref<2x128x128xf32, #tpu.memory_space<vmem>> -> memref<1x128x128xf32, #tpu.memory_space<vmem>>
        %gather3A_336 = tpu.memref_squeeze %gather3A_335 : memref<1x128x128xf32, #tpu.memory_space<vmem>> -> memref<128x128xf32, #tpu.memory_space<vmem>>
        %gather3A_337 = tpu.vector_load_idx %gather3A_336[%add3A_293, %broadcast_in_dim3A_332] : memref<128x128xf32, #tpu.memory_space<vmem>>[vector<16xi32>, vector<16xi32>], vector<16xf32>,
        %add3A_338 = arith.constant 64 : i32
        %add3A_339 = vector.broadcast %add3A_338 : i32 to vector<16xi32>
        %add3A_340 = arith.addi %broadcast_in_dim3A_332, %add3A_339 : vector<16xi32>
        %gather3A_341 = arith.constant 0 : i32
        %gather3A_342 = arith.constant 0 : i32
        %gather3A_343 = tpu.memref_slice %arg12[%scan3A_111, %gather3A_341, %gather3A_342] : memref<2x128x128xf32, #tpu.memory_space<vmem>> -> memref<1x128x128xf32, #tpu.memory_space<vmem>>
        %gather3A_344 = tpu.memref_squeeze %gather3A_343 : memref<1x128x128xf32, #tpu.memory_space<vmem>> -> memref<128x128xf32, #tpu.memory_space<vmem>>
        %gather3A_345 = tpu.vector_load_idx %gather3A_344[%add3A_293, %add3A_340] : memref<128x128xf32, #tpu.memory_space<vmem>>[vector<16xi32>, vector<16xi32>], vector<16xf32>,
        %mul3A_346 = arith.mulf %gather3A_337, %gather3A_345 : vector<16xf32>
        %add3A_347 = arith.addf %add3A_329, %mul3A_346 : vector<16xf32>
        %scan3A_348 = arith.constant 2 : i32
        %scan3A_349 = arith.addi %scan3A_313, %scan3A_348 : i32
        %broadcast_in_dim3A_350 = vector.broadcast %scan3A_349 : i32 to vector<16xi32>
        %gather3A_351 = arith.constant 0 : i32
        %gather3A_352 = arith.constant 0 : i32
        %gather3A_353 = tpu.memref_slice %arg11[%scan3A_110, %gather3A_351, %gather3A_352] : memref<2x128x128xf32, #tpu.memory_space<vmem>> -> memref<1x128x128xf32, #tpu.memory_space<vmem>>
        %gather3A_354 = tpu.memref_squeeze %gather3A_353 : memref<1x128x128xf32, #tpu.memory_space<vmem>> -> memref<128x128xf32, #tpu.memory_space<vmem>>
        %gather3A_355 = tpu.vector_load_idx %gather3A_354[%add3A_293, %broadcast_in_dim3A_350] : memref<128x128xf32, #tpu.memory_space<vmem>>[vector<16xi32>, vector<16xi32>], vector<16xf32>,
        %add3A_356 = arith.constant 64 : i32
        %add3A_357 = vector.broadcast %add3A_356 : i32 to vector<16xi32>
        %add3A_358 = arith.addi %broadcast_in_dim3A_350, %add3A_357 : vector<16xi32>
        %gather3A_359 = arith.constant 0 : i32
        %gather3A_360 = arith.constant 0 : i32
        %gather3A_361 = tpu.memref_slice %arg12[%scan3A_111, %gather3A_359, %gather3A_360] : memref<2x128x128xf32, #tpu.memory_space<vmem>> -> memref<1x128x128xf32, #tpu.memory_space<vmem>>
        %gather3A_362 = tpu.memref_squeeze %gather3A_361 : memref<1x128x128xf32, #tpu.memory_space<vmem>> -> memref<128x128xf32, #tpu.memory_space<vmem>>
        %gather3A_363 = tpu.vector_load_idx %gather3A_362[%add3A_293, %add3A_358] : memref<128x128xf32, #tpu.memory_space<vmem>>[vector<16xi32>, vector<16xi32>], vector<16xf32>,
        %mul3A_364 = arith.mulf %gather3A_355, %gather3A_363 : vector<16xf32>
        %add3A_365 = arith.addf %add3A_347, %mul3A_364 : vector<16xf32>
        %scan3A_366 = arith.constant 3 : i32
        %scan3A_367 = arith.addi %scan3A_313, %scan3A_366 : i32
        %broadcast_in_dim3A_368 = vector.broadcast %scan3A_367 : i32 to vector<16xi32>
        %gather3A_369 = arith.constant 0 : i32
        %gather3A_370 = arith.constant 0 : i32
        %gather3A_371 = tpu.memref_slice %arg11[%scan3A_110, %gather3A_369, %gather3A_370] : memref<2x128x128xf32, #tpu.memory_space<vmem>> -> memref<1x128x128xf32, #tpu.memory_space<vmem>>
        %gather3A_372 = tpu.memref_squeeze %gather3A_371 : memref<1x128x128xf32, #tpu.memory_space<vmem>> -> memref<128x128xf32, #tpu.memory_space<vmem>>
        %gather3A_373 = tpu.vector_load_idx %gather3A_372[%add3A_293, %broadcast_in_dim3A_368] : memref<128x128xf32, #tpu.memory_space<vmem>>[vector<16xi32>, vector<16xi32>], vector<16xf32>,
        %add3A_374 = arith.constant 64 : i32
        %add3A_375 = vector.broadcast %add3A_374 : i32 to vector<16xi32>
        %add3A_376 = arith.addi %broadcast_in_dim3A_368, %add3A_375 : vector<16xi32>
        %gather3A_377 = arith.constant 0 : i32
        %gather3A_378 = arith.constant 0 : i32
        %gather3A_379 = tpu.memref_slice %arg12[%scan3A_111, %gather3A_377, %gather3A_378] : memref<2x128x128xf32, #tpu.memory_space<vmem>> -> memref<1x128x128xf32, #tpu.memory_space<vmem>>
        %gather3A_380 = tpu.memref_squeeze %gather3A_379 : memref<1x128x128xf32, #tpu.memory_space<vmem>> -> memref<128x128xf32, #tpu.memory_space<vmem>>
        %gather3A_381 = tpu.vector_load_idx %gather3A_380[%add3A_293, %add3A_376] : memref<128x128xf32, #tpu.memory_space<vmem>>[vector<16xi32>, vector<16xi32>], vector<16xf32>,
        %mul3A_382 = arith.mulf %gather3A_373, %gather3A_381 : vector<16xf32>
        %add3A_383 = arith.addf %add3A_365, %mul3A_382 : vector<16xf32>
        %scan3A_384 = arith.constant 4 : i32
        %scan3A_385 = arith.addi %scan3A_313, %scan3A_384 : i32
        %broadcast_in_dim3A_386 = vector.broadcast %scan3A_385 : i32 to vector<16xi32>
        %gather3A_387 = arith.constant 0 : i32
        %gather3A_388 = arith.constant 0 : i32
        %gather3A_389 = tpu.memref_slice %arg11[%scan3A_110, %gather3A_387, %gather3A_388] : memref<2x128x128xf32, #tpu.memory_space<vmem>> -> memref<1x128x128xf32, #tpu.memory_space<vmem>>
        %gather3A_390 = tpu.memref_squeeze %gather3A_389 : memref<1x128x128xf32, #tpu.memory_space<vmem>> -> memref<128x128xf32, #tpu.memory_space<vmem>>
        %gather3A_391 = tpu.vector_load_idx %gather3A_390[%add3A_293, %broadcast_in_dim3A_386] : memref<128x128xf32, #tpu.memory_space<vmem>>[vector<16xi32>, vector<16xi32>], vector<16xf32>,
        %add3A_392 = arith.constant 64 : i32
        %add3A_393 = vector.broadcast %add3A_392 : i32 to vector<16xi32>
        %add3A_394 = arith.addi %broadcast_in_dim3A_386, %add3A_393 : vector<16xi32>
        %gather3A_395 = arith.constant 0 : i32
        %gather3A_396 = arith.constant 0 : i32
        %gather3A_397 = tpu.memref_slice %arg12[%scan3A_111, %gather3A_395, %gather3A_396] : memref<2x128x128xf32, #tpu.memory_space<vmem>> -> memref<1x128x128xf32, #tpu.memory_space<vmem>>
        %gather3A_398 = tpu.memref_squeeze %gather3A_397 : memref<1x128x128xf32, #tpu.memory_space<vmem>> -> memref<128x128xf32, #tpu.memory_space<vmem>>
        %gather3A_399 = tpu.vector_load_idx %gather3A_398[%add3A_293, %add3A_394] : memref<128x128xf32, #tpu.memory_space<vmem>>[vector<16xi32>, vector<16xi32>], vector<16xf32>,
        %mul3A_400 = arith.mulf %gather3A_391, %gather3A_399 : vector<16xf32>
        %add3A_401 = arith.addf %add3A_383, %mul3A_400 : vector<16xf32>
        %scan3A_402 = arith.constant 5 : i32
        %scan3A_403 = arith.addi %scan3A_313, %scan3A_402 : i32
        %broadcast_in_dim3A_404 = vector.broadcast %scan3A_403 : i32 to vector<16xi32>
        %gather3A_405 = arith.constant 0 : i32
        %gather3A_406 = arith.constant 0 : i32
        %gather3A_407 = tpu.memref_slice %arg11[%scan3A_110, %gather3A_405, %gather3A_406] : memref<2x128x128xf32, #tpu.memory_space<vmem>> -> memref<1x128x128xf32, #tpu.memory_space<vmem>>
        %gather3A_408 = tpu.memref_squeeze %gather3A_407 : memref<1x128x128xf32, #tpu.memory_space<vmem>> -> memref<128x128xf32, #tpu.memory_space<vmem>>
        %gather3A_409 = tpu.vector_load_idx %gather3A_408[%add3A_293, %broadcast_in_dim3A_404] : memref<128x128xf32, #tpu.memory_space<vmem>>[vector<16xi32>, vector<16xi32>], vector<16xf32>,
        %add3A_410 = arith.constant 64 : i32
        %add3A_411 = vector.broadcast %add3A_410 : i32 to vector<16xi32>
        %add3A_412 = arith.addi %broadcast_in_dim3A_404, %add3A_411 : vector<16xi32>
        %gather3A_413 = arith.constant 0 : i32
        %gather3A_414 = arith.constant 0 : i32
        %gather3A_415 = tpu.memref_slice %arg12[%scan3A_111, %gather3A_413, %gather3A_414] : memref<2x128x128xf32, #tpu.memory_space<vmem>> -> memref<1x128x128xf32, #tpu.memory_space<vmem>>
        %gather3A_416 = tpu.memref_squeeze %gather3A_415 : memref<1x128x128xf32, #tpu.memory_space<vmem>> -> memref<128x128xf32, #tpu.memory_space<vmem>>
        %gather3A_417 = tpu.vector_load_idx %gather3A_416[%add3A_293, %add3A_412] : memref<128x128xf32, #tpu.memory_space<vmem>>[vector<16xi32>, vector<16xi32>], vector<16xf32>,
        %mul3A_418 = arith.mulf %gather3A_409, %gather3A_417 : vector<16xf32>
        %add3A_419 = arith.addf %add3A_401, %mul3A_418 : vector<16xf32>
        %scan3A_420 = arith.constant 6 : i32
        %scan3A_421 = arith.addi %scan3A_313, %scan3A_420 : i32
        %broadcast_in_dim3A_422 = vector.broadcast %scan3A_421 : i32 to vector<16xi32>
        %gather3A_423 = arith.constant 0 : i32
        %gather3A_424 = arith.constant 0 : i32
        %gather3A_425 = tpu.memref_slice %arg11[%scan3A_110, %gather3A_423, %gather3A_424] : memref<2x128x128xf32, #tpu.memory_space<vmem>> -> memref<1x128x128xf32, #tpu.memory_space<vmem>>
        %gather3A_426 = tpu.memref_squeeze %gather3A_425 : memref<1x128x128xf32, #tpu.memory_space<vmem>> -> memref<128x128xf32, #tpu.memory_space<vmem>>
        %gather3A_427 = tpu.vector_load_idx %gather3A_426[%add3A_293, %broadcast_in_dim3A_422] : memref<128x128xf32, #tpu.memory_space<vmem>>[vector<16xi32>, vector<16xi32>], vector<16xf32>,
        %add3A_428 = arith.constant 64 : i32
        %add3A_429 = vector.broadcast %add3A_428 : i32 to vector<16xi32>
        %add3A_430 = arith.addi %broadcast_in_dim3A_422, %add3A_429 : vector<16xi32>
        %gather3A_431 = arith.constant 0 : i32
        %gather3A_432 = arith.constant 0 : i32
        %gather3A_433 = tpu.memref_slice %arg12[%scan3A_111, %gather3A_431, %gather3A_432] : memref<2x128x128xf32, #tpu.memory_space<vmem>> -> memref<1x128x128xf32, #tpu.memory_space<vmem>>
        %gather3A_434 = tpu.memref_squeeze %gather3A_433 : memref<1x128x128xf32, #tpu.memory_space<vmem>> -> memref<128x128xf32, #tpu.memory_space<vmem>>
        %gather3A_435 = tpu.vector_load_idx %gather3A_434[%add3A_293, %add3A_430] : memref<128x128xf32, #tpu.memory_space<vmem>>[vector<16xi32>, vector<16xi32>], vector<16xf32>,
        %mul3A_436 = arith.mulf %gather3A_427, %gather3A_435 : vector<16xf32>
        %add3A_437 = arith.addf %add3A_419, %mul3A_436 : vector<16xf32>
        %scan3A_438 = arith.constant 7 : i32
        %scan3A_439 = arith.addi %scan3A_313, %scan3A_438 : i32
        %broadcast_in_dim3A_440 = vector.broadcast %scan3A_439 : i32 to vector<16xi32>
        %gather3A_441 = arith.constant 0 : i32
        %gather3A_442 = arith.constant 0 : i32
        %gather3A_443 = tpu.memref_slice %arg11[%scan3A_110, %gather3A_441, %gather3A_442] : memref<2x128x128xf32, #tpu.memory_space<vmem>> -> memref<1x128x128xf32, #tpu.memory_space<vmem>>
        %gather3A_444 = tpu.memref_squeeze %gather3A_443 : memref<1x128x128xf32, #tpu.memory_space<vmem>> -> memref<128x128xf32, #tpu.memory_space<vmem>>
        %gather3A_445 = tpu.vector_load_idx %gather3A_444[%add3A_293, %broadcast_in_dim3A_440] : memref<128x128xf32, #tpu.memory_space<vmem>>[vector<16xi32>, vector<16xi32>], vector<16xf32>,
        %add3A_446 = arith.constant 64 : i32
        %add3A_447 = vector.broadcast %add3A_446 : i32 to vector<16xi32>
        %add3A_448 = arith.addi %broadcast_in_dim3A_440, %add3A_447 : vector<16xi32>
        %gather3A_449 = arith.constant 0 : i32
        %gather3A_450 = arith.constant 0 : i32
        %gather3A_451 = tpu.memref_slice %arg12[%scan3A_111, %gather3A_449, %gather3A_450] : memref<2x128x128xf32, #tpu.memory_space<vmem>> -> memref<1x128x128xf32, #tpu.memory_space<vmem>>
        %gather3A_452 = tpu.memref_squeeze %gather3A_451 : memref<1x128x128xf32, #tpu.memory_space<vmem>> -> memref<128x128xf32, #tpu.memory_space<vmem>>
        %gather3A_453 = tpu.vector_load_idx %gather3A_452[%add3A_293, %add3A_448] : memref<128x128xf32, #tpu.memory_space<vmem>>[vector<16xi32>, vector<16xi32>], vector<16xf32>,
        %mul3A_454 = arith.mulf %gather3A_445, %gather3A_453 : vector<16xf32>
        %add3A_455 = arith.addf %add3A_437, %mul3A_454 : vector<16xf32>
        %scan3A_456 = arith.constant 8 : i32
        %scan3A_457 = arith.addi %scan3A_313, %scan3A_456 : i32
        %broadcast_in_dim3A_458 = vector.broadcast %scan3A_457 : i32 to vector<16xi32>
        %gather3A_459 = arith.constant 0 : i32
        %gather3A_460 = arith.constant 0 : i32
        %gather3A_461 = tpu.memref_slice %arg11[%scan3A_110, %gather3A_459, %gather3A_460] : memref<2x128x128xf32, #tpu.memory_space<vmem>> -> memref<1x128x128xf32, #tpu.memory_space<vmem>>
        %gather3A_462 = tpu.memref_squeeze %gather3A_461 : memref<1x128x128xf32, #tpu.memory_space<vmem>> -> memref<128x128xf32, #tpu.memory_space<vmem>>
        %gather3A_463 = tpu.vector_load_idx %gather3A_462[%add3A_293, %broadcast_in_dim3A_458] : memref<128x128xf32, #tpu.memory_space<vmem>>[vector<16xi32>, vector<16xi32>], vector<16xf32>,
        %add3A_464 = arith.constant 64 : i32
        %add3A_465 = vector.broadcast %add3A_464 : i32 to vector<16xi32>
        %add3A_466 = arith.addi %broadcast_in_dim3A_458, %add3A_465 : vector<16xi32>
        %gather3A_467 = arith.constant 0 : i32
        %gather3A_468 = arith.constant 0 : i32
        %gather3A_469 = tpu.memref_slice %arg12[%scan3A_111, %gather3A_467, %gather3A_468] : memref<2x128x128xf32, #tpu.memory_space<vmem>> -> memref<1x128x128xf32, #tpu.memory_space<vmem>>
        %gather3A_470 = tpu.memref_squeeze %gather3A_469 : memref<1x128x128xf32, #tpu.memory_space<vmem>> -> memref<128x128xf32, #tpu.memory_space<vmem>>
        %gather3A_471 = tpu.vector_load_idx %gather3A_470[%add3A_293, %add3A_466] : memref<128x128xf32, #tpu.memory_space<vmem>>[vector<16xi32>, vector<16xi32>], vector<16xf32>,
        %mul3A_472 = arith.mulf %gather3A_463, %gather3A_471 : vector<16xf32>
        %add3A_473 = arith.addf %add3A_455, %mul3A_472 : vector<16xf32>
        %scan3A_474 = arith.constant 9 : i32
        %scan3A_475 = arith.addi %scan3A_313, %scan3A_474 : i32
        %broadcast_in_dim3A_476 = vector.broadcast %scan3A_475 : i32 to vector<16xi32>
        %gather3A_477 = arith.constant 0 : i32
        %gather3A_478 = arith.constant 0 : i32
        %gather3A_479 = tpu.memref_slice %arg11[%scan3A_110, %gather3A_477, %gather3A_478] : memref<2x128x128xf32, #tpu.memory_space<vmem>> -> memref<1x128x128xf32, #tpu.memory_space<vmem>>
        %gather3A_480 = tpu.memref_squeeze %gather3A_479 : memref<1x128x128xf32, #tpu.memory_space<vmem>> -> memref<128x128xf32, #tpu.memory_space<vmem>>
        %gather3A_481 = tpu.vector_load_idx %gather3A_480[%add3A_293, %broadcast_in_dim3A_476] : memref<128x128xf32, #tpu.memory_space<vmem>>[vector<16xi32>, vector<16xi32>], vector<16xf32>,
        %add3A_482 = arith.constant 64 : i32
        %add3A_483 = vector.broadcast %add3A_482 : i32 to vector<16xi32>
        %add3A_484 = arith.addi %broadcast_in_dim3A_476, %add3A_483 : vector<16xi32>
        %gather3A_485 = arith.constant 0 : i32
        %gather3A_486 = arith.constant 0 : i32
        %gather3A_487 = tpu.memref_slice %arg12[%scan3A_111, %gather3A_485, %gather3A_486] : memref<2x128x128xf32, #tpu.memory_space<vmem>> -> memref<1x128x128xf32, #tpu.memory_space<vmem>>
        %gather3A_488 = tpu.memref_squeeze %gather3A_487 : memref<1x128x128xf32, #tpu.memory_space<vmem>> -> memref<128x128xf32, #tpu.memory_space<vmem>>
        %gather3A_489 = tpu.vector_load_idx %gather3A_488[%add3A_293, %add3A_484] : memref<128x128xf32, #tpu.memory_space<vmem>>[vector<16xi32>, vector<16xi32>], vector<16xf32>,
        %mul3A_490 = arith.mulf %gather3A_481, %gather3A_489 : vector<16xf32>
        %add3A_491 = arith.addf %add3A_473, %mul3A_490 : vector<16xf32>
        %scan3A_492 = arith.constant 10 : i32
        %scan3A_493 = arith.addi %scan3A_313, %scan3A_492 : i32
        %broadcast_in_dim3A_494 = vector.broadcast %scan3A_493 : i32 to vector<16xi32>
        %gather3A_495 = arith.constant 0 : i32
        %gather3A_496 = arith.constant 0 : i32
        %gather3A_497 = tpu.memref_slice %arg11[%scan3A_110, %gather3A_495, %gather3A_496] : memref<2x128x128xf32, #tpu.memory_space<vmem>> -> memref<1x128x128xf32, #tpu.memory_space<vmem>>
        %gather3A_498 = tpu.memref_squeeze %gather3A_497 : memref<1x128x128xf32, #tpu.memory_space<vmem>> -> memref<128x128xf32, #tpu.memory_space<vmem>>
        %gather3A_499 = tpu.vector_load_idx %gather3A_498[%add3A_293, %broadcast_in_dim3A_494] : memref<128x128xf32, #tpu.memory_space<vmem>>[vector<16xi32>, vector<16xi32>], vector<16xf32>,
        %add3A_500 = arith.constant 64 : i32
        %add3A_501 = vector.broadcast %add3A_500 : i32 to vector<16xi32>
        %add3A_502 = arith.addi %broadcast_in_dim3A_494, %add3A_501 : vector<16xi32>
        %gather3A_503 = arith.constant 0 : i32
        %gather3A_504 = arith.constant 0 : i32
        %gather3A_505 = tpu.memref_slice %arg12[%scan3A_111, %gather3A_503, %gather3A_504] : memref<2x128x128xf32, #tpu.memory_space<vmem>> -> memref<1x128x128xf32, #tpu.memory_space<vmem>>
        %gather3A_506 = tpu.memref_squeeze %gather3A_505 : memref<1x128x128xf32, #tpu.memory_space<vmem>> -> memref<128x128xf32, #tpu.memory_space<vmem>>
        %gather3A_507 = tpu.vector_load_idx %gather3A_506[%add3A_293, %add3A_502] : memref<128x128xf32, #tpu.memory_space<vmem>>[vector<16xi32>, vector<16xi32>], vector<16xf32>,
        %mul3A_508 = arith.mulf %gather3A_499, %gather3A_507 : vector<16xf32>
        %add3A_509 = arith.addf %add3A_491, %mul3A_508 : vector<16xf32>
        %scan3A_510 = arith.constant 11 : i32
        %scan3A_511 = arith.addi %scan3A_313, %scan3A_510 : i32
        %broadcast_in_dim3A_512 = vector.broadcast %scan3A_511 : i32 to vector<16xi32>
        %gather3A_513 = arith.constant 0 : i32
        %gather3A_514 = arith.constant 0 : i32
        %gather3A_515 = tpu.memref_slice %arg11[%scan3A_110, %gather3A_513, %gather3A_514] : memref<2x128x128xf32, #tpu.memory_space<vmem>> -> memref<1x128x128xf32, #tpu.memory_space<vmem>>
        %gather3A_516 = tpu.memref_squeeze %gather3A_515 : memref<1x128x128xf32, #tpu.memory_space<vmem>> -> memref<128x128xf32, #tpu.memory_space<vmem>>
        %gather3A_517 = tpu.vector_load_idx %gather3A_516[%add3A_293, %broadcast_in_dim3A_512] : memref<128x128xf32, #tpu.memory_space<vmem>>[vector<16xi32>, vector<16xi32>], vector<16xf32>,
        %add3A_518 = arith.constant 64 : i32
        %add3A_519 = vector.broadcast %add3A_518 : i32 to vector<16xi32>
        %add3A_520 = arith.addi %broadcast_in_dim3A_512, %add3A_519 : vector<16xi32>
        %gather3A_521 = arith.constant 0 : i32
        %gather3A_522 = arith.constant 0 : i32
        %gather3A_523 = tpu.memref_slice %arg12[%scan3A_111, %gather3A_521, %gather3A_522] : memref<2x128x128xf32, #tpu.memory_space<vmem>> -> memref<1x128x128xf32, #tpu.memory_space<vmem>>
        %gather3A_524 = tpu.memref_squeeze %gather3A_523 : memref<1x128x128xf32, #tpu.memory_space<vmem>> -> memref<128x128xf32, #tpu.memory_space<vmem>>
        %gather3A_525 = tpu.vector_load_idx %gather3A_524[%add3A_293, %add3A_520] : memref<128x128xf32, #tpu.memory_space<vmem>>[vector<16xi32>, vector<16xi32>], vector<16xf32>,
        %mul3A_526 = arith.mulf %gather3A_517, %gather3A_525 : vector<16xf32>
        %add3A_527 = arith.addf %add3A_509, %mul3A_526 : vector<16xf32>
        %scan3A_528 = arith.constant 12 : i32
        %scan3A_529 = arith.addi %scan3A_313, %scan3A_528 : i32
        %broadcast_in_dim3A_530 = vector.broadcast %scan3A_529 : i32 to vector<16xi32>
        %gather3A_531 = arith.constant 0 : i32
        %gather3A_532 = arith.constant 0 : i32
        %gather3A_533 = tpu.memref_slice %arg11[%scan3A_110, %gather3A_531, %gather3A_532] : memref<2x128x128xf32, #tpu.memory_space<vmem>> -> memref<1x128x128xf32, #tpu.memory_space<vmem>>
        %gather3A_534 = tpu.memref_squeeze %gather3A_533 : memref<1x128x128xf32, #tpu.memory_space<vmem>> -> memref<128x128xf32, #tpu.memory_space<vmem>>
        %gather3A_535 = tpu.vector_load_idx %gather3A_534[%add3A_293, %broadcast_in_dim3A_530] : memref<128x128xf32, #tpu.memory_space<vmem>>[vector<16xi32>, vector<16xi32>], vector<16xf32>,
        %add3A_536 = arith.constant 64 : i32
        %add3A_537 = vector.broadcast %add3A_536 : i32 to vector<16xi32>
        %add3A_538 = arith.addi %broadcast_in_dim3A_530, %add3A_537 : vector<16xi32>
        %gather3A_539 = arith.constant 0 : i32
        %gather3A_540 = arith.constant 0 : i32
        %gather3A_541 = tpu.memref_slice %arg12[%scan3A_111, %gather3A_539, %gather3A_540] : memref<2x128x128xf32, #tpu.memory_space<vmem>> -> memref<1x128x128xf32, #tpu.memory_space<vmem>>
        %gather3A_542 = tpu.memref_squeeze %gather3A_541 : memref<1x128x128xf32, #tpu.memory_space<vmem>> -> memref<128x128xf32, #tpu.memory_space<vmem>>
        %gather3A_543 = tpu.vector_load_idx %gather3A_542[%add3A_293, %add3A_538] : memref<128x128xf32, #tpu.memory_space<vmem>>[vector<16xi32>, vector<16xi32>], vector<16xf32>,
        %mul3A_544 = arith.mulf %gather3A_535, %gather3A_543 : vector<16xf32>
        %add3A_545 = arith.addf %add3A_527, %mul3A_544 : vector<16xf32>
        %scan3A_546 = arith.constant 13 : i32
        %scan3A_547 = arith.addi %scan3A_313, %scan3A_546 : i32
        %broadcast_in_dim3A_548 = vector.broadcast %scan3A_547 : i32 to vector<16xi32>
        %gather3A_549 = arith.constant 0 : i32
        %gather3A_550 = arith.constant 0 : i32
        %gather3A_551 = tpu.memref_slice %arg11[%scan3A_110, %gather3A_549, %gather3A_550] : memref<2x128x128xf32, #tpu.memory_space<vmem>> -> memref<1x128x128xf32, #tpu.memory_space<vmem>>
        %gather3A_552 = tpu.memref_squeeze %gather3A_551 : memref<1x128x128xf32, #tpu.memory_space<vmem>> -> memref<128x128xf32, #tpu.memory_space<vmem>>
        %gather3A_553 = tpu.vector_load_idx %gather3A_552[%add3A_293, %broadcast_in_dim3A_548] : memref<128x128xf32, #tpu.memory_space<vmem>>[vector<16xi32>, vector<16xi32>], vector<16xf32>,
        %add3A_554 = arith.constant 64 : i32
        %add3A_555 = vector.broadcast %add3A_554 : i32 to vector<16xi32>
        %add3A_556 = arith.addi %broadcast_in_dim3A_548, %add3A_555 : vector<16xi32>
        %gather3A_557 = arith.constant 0 : i32
        %gather3A_558 = arith.constant 0 : i32
        %gather3A_559 = tpu.memref_slice %arg12[%scan3A_111, %gather3A_557, %gather3A_558] : memref<2x128x128xf32, #tpu.memory_space<vmem>> -> memref<1x128x128xf32, #tpu.memory_space<vmem>>
        %gather3A_560 = tpu.memref_squeeze %gather3A_559 : memref<1x128x128xf32, #tpu.memory_space<vmem>> -> memref<128x128xf32, #tpu.memory_space<vmem>>
        %gather3A_561 = tpu.vector_load_idx %gather3A_560[%add3A_293, %add3A_556] : memref<128x128xf32, #tpu.memory_space<vmem>>[vector<16xi32>, vector<16xi32>], vector<16xf32>,
        %mul3A_562 = arith.mulf %gather3A_553, %gather3A_561 : vector<16xf32>
        %add3A_563 = arith.addf %add3A_545, %mul3A_562 : vector<16xf32>
        %scan3A_564 = arith.constant 14 : i32
        %scan3A_565 = arith.addi %scan3A_313, %scan3A_564 : i32
        %broadcast_in_dim3A_566 = vector.broadcast %scan3A_565 : i32 to vector<16xi32>
        %gather3A_567 = arith.constant 0 : i32
        %gather3A_568 = arith.constant 0 : i32
        %gather3A_569 = tpu.memref_slice %arg11[%scan3A_110, %gather3A_567, %gather3A_568] : memref<2x128x128xf32, #tpu.memory_space<vmem>> -> memref<1x128x128xf32, #tpu.memory_space<vmem>>
        %gather3A_570 = tpu.memref_squeeze %gather3A_569 : memref<1x128x128xf32, #tpu.memory_space<vmem>> -> memref<128x128xf32, #tpu.memory_space<vmem>>
        %gather3A_571 = tpu.vector_load_idx %gather3A_570[%add3A_293, %broadcast_in_dim3A_566] : memref<128x128xf32, #tpu.memory_space<vmem>>[vector<16xi32>, vector<16xi32>], vector<16xf32>,
        %add3A_572 = arith.constant 64 : i32
        %add3A_573 = vector.broadcast %add3A_572 : i32 to vector<16xi32>
        %add3A_574 = arith.addi %broadcast_in_dim3A_566, %add3A_573 : vector<16xi32>
        %gather3A_575 = arith.constant 0 : i32
        %gather3A_576 = arith.constant 0 : i32
        %gather3A_577 = tpu.memref_slice %arg12[%scan3A_111, %gather3A_575, %gather3A_576] : memref<2x128x128xf32, #tpu.memory_space<vmem>> -> memref<1x128x128xf32, #tpu.memory_space<vmem>>
        %gather3A_578 = tpu.memref_squeeze %gather3A_577 : memref<1x128x128xf32, #tpu.memory_space<vmem>> -> memref<128x128xf32, #tpu.memory_space<vmem>>
        %gather3A_579 = tpu.vector_load_idx %gather3A_578[%add3A_293, %add3A_574] : memref<128x128xf32, #tpu.memory_space<vmem>>[vector<16xi32>, vector<16xi32>], vector<16xf32>,
        %mul3A_580 = arith.mulf %gather3A_571, %gather3A_579 : vector<16xf32>
        %add3A_581 = arith.addf %add3A_563, %mul3A_580 : vector<16xf32>
        %scan3A_582 = arith.constant 15 : i32
        %scan3A_583 = arith.addi %scan3A_313, %scan3A_582 : i32
        %broadcast_in_dim3A_584 = vector.broadcast %scan3A_583 : i32 to vector<16xi32>
        %gather3A_585 = arith.constant 0 : i32
        %gather3A_586 = arith.constant 0 : i32
        %gather3A_587 = tpu.memref_slice %arg11[%scan3A_110, %gather3A_585, %gather3A_586] : memref<2x128x128xf32, #tpu.memory_space<vmem>> -> memref<1x128x128xf32, #tpu.memory_space<vmem>>
        %gather3A_588 = tpu.memref_squeeze %gather3A_587 : memref<1x128x128xf32, #tpu.memory_space<vmem>> -> memref<128x128xf32, #tpu.memory_space<vmem>>
        %gather3A_589 = tpu.vector_load_idx %gather3A_588[%add3A_293, %broadcast_in_dim3A_584] : memref<128x128xf32, #tpu.memory_space<vmem>>[vector<16xi32>, vector<16xi32>], vector<16xf32>,
        %add3A_590 = arith.constant 64 : i32
        %add3A_591 = vector.broadcast %add3A_590 : i32 to vector<16xi32>
        %add3A_592 = arith.addi %broadcast_in_dim3A_584, %add3A_591 : vector<16xi32>
        %gather3A_593 = arith.constant 0 : i32
        %gather3A_594 = arith.constant 0 : i32
        %gather3A_595 = tpu.memref_slice %arg12[%scan3A_111, %gather3A_593, %gather3A_594] : memref<2x128x128xf32, #tpu.memory_space<vmem>> -> memref<1x128x128xf32, #tpu.memory_space<vmem>>
        %gather3A_596 = tpu.memref_squeeze %gather3A_595 : memref<1x128x128xf32, #tpu.memory_space<vmem>> -> memref<128x128xf32, #tpu.memory_space<vmem>>
        %gather3A_597 = tpu.vector_load_idx %gather3A_596[%add3A_293, %add3A_592] : memref<128x128xf32, #tpu.memory_space<vmem>>[vector<16xi32>, vector<16xi32>], vector<16xf32>,
        %mul3A_598 = arith.mulf %gather3A_589, %gather3A_597 : vector<16xf32>
        %add3A_599 = arith.addf %add3A_581, %mul3A_598 : vector<16xf32>
        scf.yield %add3A_599 : vector<16xf32>
      }
      %scan3A_300 = arith.constant 64 : i32
      %mul3A_301 = arith.constant 16 : i32
      %mul3A_302 = arith.muli %scan3A_289, %mul3A_301 : i32
      %add3A_303 = arith.constant 0 : i32
      %add3A_304 = arith.addi %add3A_303, %mul3A_302 : i32
      %get3A_305 = arith.index_cast %add3A_304 : i32 to index
      %get3A_306 = tpu.vector_load %arg13[%get3A_305] {strides = array<i32>} : memref<512xf32, #tpu.memory_space<vmem>>, vector<16xf32>,
      %add3A_307 = arith.addf %scan3A_299, %get3A_306 : vector<16xf32>
      %get3A_308 = arith.index_cast %add3A_304 : i32 to index
      %get3A_309 = tpu.vector_load %arg14[%get3A_308] {strides = array<i32>} : memref<512xf32, #tpu.memory_space<vmem>>, vector<16xf32>,
      %add3A_310 = arith.addf %add3A_307, %get3A_309 : vector<16xf32>
      %add3A_311 = arith.addf %add3A_310, %get3A_50 : vector<16xf32>
      %swap3A = arith.index_cast %add3A_304 : i32 to index
      %swap3A_312 = tpu.vector_load %arg15[%swap3A] {strides = array<i32>} : memref<512xf32, #tpu.memory_space<vmem>>, vector<16xf32>,
      tpu.vector_store %arg15[%swap3A], %add3A_311 {strides = array<i32>} : memref<512xf32, #tpu.memory_space<vmem>>, vector<16xf32>,
    }
    %scan3A_116 = arith.constant 8 : i32
    %dma_start3A_117 = arith.constant 0 : i32
    %dma_start3A_118 = arith.constant 0 : i32
    %dma_start3A_119 = arith.constant 0 : i32
    %dma_start3A_120 = tpu.memref_slice %arg11[%dma_start3A_117, %dma_start3A_118, %dma_start3A_119] : memref<2x128x128xf32, #tpu.memory_space<vmem>> -> memref<1x128x128xf32, #tpu.memory_space<vmem>>
    %dma_start3A_121 = tpu.memref_squeeze %dma_start3A_120 : memref<1x128x128xf32, #tpu.memory_space<vmem>> -> memref<128x128xf32, #tpu.memory_space<vmem>>
    %dma_start3A_122 = arith.constant 256 : i32
    %dma_start3A_123 = tpu.memref_slice %arg9[%dma_start3A_122] : memref<512xi32, #tpu.memory_space<vmem>> -> memref<128xi32, #tpu.memory_space<vmem>>
    %dma_start3A_124 = arith.constant 0 : i32
    %dma_start3A_125 = arith.constant 0 : i32
    %dma_start3A_126 = tpu.memref_slice %arg4[%dma_start3A_124, %dma_start3A_125] : memref<100000x128xf32, #tpu.memory_space<hbm>> -> memref<100000x128xf32, #tpu.memory_space<hbm>>
    tpu.enqueue_indirect_dma source(%dma_start3A_126 : memref<100000x128xf32, #tpu.memory_space<hbm>>) target(%dma_start3A_121 : memref<128x128xf32, #tpu.memory_space<vmem>>) offsets(%dma_start3A_123 : memref<128xi32, #tpu.memory_space<vmem>>) semaphore(%arg18 : memref<!tpu.dma_semaphore, #tpu.memory_space<semaphore_mem>>)
    %dma_start3A_127 = arith.constant 0 : i32
    %dma_start3A_128 = arith.constant 0 : i32
    %dma_start3A_129 = arith.constant 0 : i32
    %dma_start3A_130 = tpu.memref_slice %arg12[%dma_start3A_127, %dma_start3A_128, %dma_start3A_129] : memref<2x128x128xf32, #tpu.memory_space<vmem>> -> memref<1x128x128xf32, #tpu.memory_space<vmem>>
    %dma_start3A_131 = tpu.memref_squeeze %dma_start3A_130 : memref<1x128x128xf32, #tpu.memory_space<vmem>> -> memref<128x128xf32, #tpu.memory_space<vmem>>
    %dma_start3A_132 = arith.constant 256 : i32
    %dma_start3A_133 = tpu.memref_slice %arg10[%dma_start3A_132] : memref<512xi32, #tpu.memory_space<vmem>> -> memref<128xi32, #tpu.memory_space<vmem>>
    %dma_start3A_134 = arith.constant 0 : i32
    %dma_start3A_135 = arith.constant 0 : i32
    %dma_start3A_136 = tpu.memref_slice %arg4[%dma_start3A_134, %dma_start3A_135] : memref<100000x128xf32, #tpu.memory_space<hbm>> -> memref<100000x128xf32, #tpu.memory_space<hbm>>
    tpu.enqueue_indirect_dma source(%dma_start3A_136 : memref<100000x128xf32, #tpu.memory_space<hbm>>) target(%dma_start3A_131 : memref<128x128xf32, #tpu.memory_space<vmem>>) offsets(%dma_start3A_133 : memref<128xi32, #tpu.memory_space<vmem>>) semaphore(%arg18 : memref<!tpu.dma_semaphore, #tpu.memory_space<semaphore_mem>>)
    %dma_wait3A_137 = arith.constant 1 : i32
    %dma_wait3A_138 = arith.constant 0 : i32
    %dma_wait3A_139 = arith.constant 0 : i32
    %dma_wait3A_140 = tpu.memref_slice %arg11[%dma_wait3A_137, %dma_wait3A_138, %dma_wait3A_139] : memref<2x128x128xf32, #tpu.memory_space<vmem>> -> memref<1x128x128xf32, #tpu.memory_space<vmem>>
    %dma_wait3A_141 = tpu.memref_squeeze %dma_wait3A_140 : memref<1x128x128xf32, #tpu.memory_space<vmem>> -> memref<128x128xf32, #tpu.memory_space<vmem>>
    %dma_wait3A_142 = arith.constant 128 : i32
    %dma_wait3A_143 = tpu.memref_slice %arg9[%dma_wait3A_142] : memref<512xi32, #tpu.memory_space<vmem>> -> memref<128xi32, #tpu.memory_space<vmem>>
    %dma_wait3A_144 = arith.constant 0 : i32
    %dma_wait3A_145 = arith.constant 0 : i32
    %dma_wait3A_146 = tpu.memref_slice %arg4[%dma_wait3A_144, %dma_wait3A_145] : memref<100000x128xf32, #tpu.memory_space<hbm>> -> memref<100000x128xf32, #tpu.memory_space<hbm>>
    tpu.wait_indirect_dma semaphore(%arg19 : memref<!tpu.dma_semaphore, #tpu.memory_space<semaphore_mem>>) src(%dma_wait3A_146 : memref<100000x128xf32, #tpu.memory_space<hbm>>) dst(%dma_wait3A_141 : memref<128x128xf32, #tpu.memory_space<vmem>>)
    %dma_wait3A_147 = arith.constant 1 : i32
    %dma_wait3A_148 = arith.constant 0 : i32
    %dma_wait3A_149 = arith.constant 0 : i32
    %dma_wait3A_150 = tpu.memref_slice %arg12[%dma_wait3A_147, %dma_wait3A_148, %dma_wait3A_149] : memref<2x128x128xf32, #tpu.memory_space<vmem>> -> memref<1x128x128xf32, #tpu.memory_space<vmem>>
    %dma_wait3A_151 = tpu.memref_squeeze %dma_wait3A_150 : memref<1x128x128xf32, #tpu.memory_space<vmem>> -> memref<128x128xf32, #tpu.memory_space<vmem>>
    %dma_wait3A_152 = arith.constant 128 : i32
    %dma_wait3A_153 = tpu.memref_slice %arg10[%dma_wait3A_152] : memref<512xi32, #tpu.memory_space<vmem>> -> memref<128xi32, #tpu.memory_space<vmem>>
    %dma_wait3A_154 = arith.constant 0 : i32
    %dma_wait3A_155 = arith.constant 0 : i32
    %dma_wait3A_156 = tpu.memref_slice %arg4[%dma_wait3A_154, %dma_wait3A_155] : memref<100000x128xf32, #tpu.memory_space<hbm>> -> memref<100000x128xf32, #tpu.memory_space<hbm>>
    tpu.wait_indirect_dma semaphore(%arg19 : memref<!tpu.dma_semaphore, #tpu.memory_space<semaphore_mem>>) src(%dma_wait3A_156 : memref<100000x128xf32, #tpu.memory_space<hbm>>) dst(%dma_wait3A_151 : memref<128x128xf32, #tpu.memory_space<vmem>>)
    %scan3A_157 = arith.constant 0 : i32
    %scan3A_158 = arith.constant 1 : i32
    %scan3A_159 = arith.constant 1 : i32
    %scan3A_160 = arith.constant 0 : i32
    %scan3A_161 = arith.constant 8 : i32
    %scan3A_162 = arith.addi %scan3A_160, %scan3A_161 : i32
    %scan3A_163 = arith.constant 1 : i32
    scf.for %scan3A_289 = %scan3A_160 to %scan3A_162 step %scan3A_163  : i32 {
      %mul3A_290 = arith.constant 16 : i32
      %mul3A_291 = arith.muli %scan3A_289, %mul3A_290 : i32
      %add3A_292 = vector.broadcast %mul3A_291 : i32 to vector<16xi32>
      %add3A_293 = arith.addi %iota3A, %add3A_292 : vector<16xi32>
      %broadcast_in_dim3A = arith.constant 0.000000e+00 : f32
      %broadcast_in_dim3A_294 = vector.broadcast %broadcast_in_dim3A : f32 to vector<16xf32>
      %scan3A_295 = arith.constant 0 : i32
      %scan3A_296 = arith.constant 64 : i32
      %scan3A_297 = arith.addi %scan3A_295, %scan3A_296 : i32
      %scan3A_298 = arith.constant 16 : i32
      %scan3A_299 = scf.for %scan3A_313 = %scan3A_295 to %scan3A_297 step %scan3A_298 iter_args(%scan3A_314 = %broadcast_in_dim3A_294) -> (vector<16xf32>)  : i32 {
        %broadcast_in_dim3A_315 = vector.broadcast %scan3A_313 : i32 to vector<16xi32>
        %gather3A = arith.constant 0 : i32
        %gather3A_316 = arith.constant 0 : i32
        %gather3A_317 = tpu.memref_slice %arg11[%scan3A_158, %gather3A, %gather3A_316] : memref<2x128x128xf32, #tpu.memory_space<vmem>> -> memref<1x128x128xf32, #tpu.memory_space<vmem>>
        %gather3A_318 = tpu.memref_squeeze %gather3A_317 : memref<1x128x128xf32, #tpu.memory_space<vmem>> -> memref<128x128xf32, #tpu.memory_space<vmem>>
        %gather3A_319 = tpu.vector_load_idx %gather3A_318[%add3A_293, %broadcast_in_dim3A_315] : memref<128x128xf32, #tpu.memory_space<vmem>>[vector<16xi32>, vector<16xi32>], vector<16xf32>,
        %add3A_320 = arith.constant 64 : i32
        %add3A_321 = vector.broadcast %add3A_320 : i32 to vector<16xi32>
        %add3A_322 = arith.addi %broadcast_in_dim3A_315, %add3A_321 : vector<16xi32>
        %gather3A_323 = arith.constant 0 : i32
        %gather3A_324 = arith.constant 0 : i32
        %gather3A_325 = tpu.memref_slice %arg12[%scan3A_159, %gather3A_323, %gather3A_324] : memref<2x128x128xf32, #tpu.memory_space<vmem>> -> memref<1x128x128xf32, #tpu.memory_space<vmem>>
        %gather3A_326 = tpu.memref_squeeze %gather3A_325 : memref<1x128x128xf32, #tpu.memory_space<vmem>> -> memref<128x128xf32, #tpu.memory_space<vmem>>
        %gather3A_327 = tpu.vector_load_idx %gather3A_326[%add3A_293, %add3A_322] : memref<128x128xf32, #tpu.memory_space<vmem>>[vector<16xi32>, vector<16xi32>], vector<16xf32>,
        %mul3A_328 = arith.mulf %gather3A_319, %gather3A_327 : vector<16xf32>
        %add3A_329 = arith.addf %scan3A_314, %mul3A_328 : vector<16xf32>
        %scan3A_330 = arith.constant 1 : i32
        %scan3A_331 = arith.addi %scan3A_313, %scan3A_330 : i32
        %broadcast_in_dim3A_332 = vector.broadcast %scan3A_331 : i32 to vector<16xi32>
        %gather3A_333 = arith.constant 0 : i32
        %gather3A_334 = arith.constant 0 : i32
        %gather3A_335 = tpu.memref_slice %arg11[%scan3A_158, %gather3A_333, %gather3A_334] : memref<2x128x128xf32, #tpu.memory_space<vmem>> -> memref<1x128x128xf32, #tpu.memory_space<vmem>>
        %gather3A_336 = tpu.memref_squeeze %gather3A_335 : memref<1x128x128xf32, #tpu.memory_space<vmem>> -> memref<128x128xf32, #tpu.memory_space<vmem>>
        %gather3A_337 = tpu.vector_load_idx %gather3A_336[%add3A_293, %broadcast_in_dim3A_332] : memref<128x128xf32, #tpu.memory_space<vmem>>[vector<16xi32>, vector<16xi32>], vector<16xf32>,
        %add3A_338 = arith.constant 64 : i32
        %add3A_339 = vector.broadcast %add3A_338 : i32 to vector<16xi32>
        %add3A_340 = arith.addi %broadcast_in_dim3A_332, %add3A_339 : vector<16xi32>
        %gather3A_341 = arith.constant 0 : i32
        %gather3A_342 = arith.constant 0 : i32
        %gather3A_343 = tpu.memref_slice %arg12[%scan3A_159, %gather3A_341, %gather3A_342] : memref<2x128x128xf32, #tpu.memory_space<vmem>> -> memref<1x128x128xf32, #tpu.memory_space<vmem>>
        %gather3A_344 = tpu.memref_squeeze %gather3A_343 : memref<1x128x128xf32, #tpu.memory_space<vmem>> -> memref<128x128xf32, #tpu.memory_space<vmem>>
        %gather3A_345 = tpu.vector_load_idx %gather3A_344[%add3A_293, %add3A_340] : memref<128x128xf32, #tpu.memory_space<vmem>>[vector<16xi32>, vector<16xi32>], vector<16xf32>,
        %mul3A_346 = arith.mulf %gather3A_337, %gather3A_345 : vector<16xf32>
        %add3A_347 = arith.addf %add3A_329, %mul3A_346 : vector<16xf32>
        %scan3A_348 = arith.constant 2 : i32
        %scan3A_349 = arith.addi %scan3A_313, %scan3A_348 : i32
        %broadcast_in_dim3A_350 = vector.broadcast %scan3A_349 : i32 to vector<16xi32>
        %gather3A_351 = arith.constant 0 : i32
        %gather3A_352 = arith.constant 0 : i32
        %gather3A_353 = tpu.memref_slice %arg11[%scan3A_158, %gather3A_351, %gather3A_352] : memref<2x128x128xf32, #tpu.memory_space<vmem>> -> memref<1x128x128xf32, #tpu.memory_space<vmem>>
        %gather3A_354 = tpu.memref_squeeze %gather3A_353 : memref<1x128x128xf32, #tpu.memory_space<vmem>> -> memref<128x128xf32, #tpu.memory_space<vmem>>
        %gather3A_355 = tpu.vector_load_idx %gather3A_354[%add3A_293, %broadcast_in_dim3A_350] : memref<128x128xf32, #tpu.memory_space<vmem>>[vector<16xi32>, vector<16xi32>], vector<16xf32>,
        %add3A_356 = arith.constant 64 : i32
        %add3A_357 = vector.broadcast %add3A_356 : i32 to vector<16xi32>
        %add3A_358 = arith.addi %broadcast_in_dim3A_350, %add3A_357 : vector<16xi32>
        %gather3A_359 = arith.constant 0 : i32
        %gather3A_360 = arith.constant 0 : i32
        %gather3A_361 = tpu.memref_slice %arg12[%scan3A_159, %gather3A_359, %gather3A_360] : memref<2x128x128xf32, #tpu.memory_space<vmem>> -> memref<1x128x128xf32, #tpu.memory_space<vmem>>
        %gather3A_362 = tpu.memref_squeeze %gather3A_361 : memref<1x128x128xf32, #tpu.memory_space<vmem>> -> memref<128x128xf32, #tpu.memory_space<vmem>>
        %gather3A_363 = tpu.vector_load_idx %gather3A_362[%add3A_293, %add3A_358] : memref<128x128xf32, #tpu.memory_space<vmem>>[vector<16xi32>, vector<16xi32>], vector<16xf32>,
        %mul3A_364 = arith.mulf %gather3A_355, %gather3A_363 : vector<16xf32>
        %add3A_365 = arith.addf %add3A_347, %mul3A_364 : vector<16xf32>
        %scan3A_366 = arith.constant 3 : i32
        %scan3A_367 = arith.addi %scan3A_313, %scan3A_366 : i32
        %broadcast_in_dim3A_368 = vector.broadcast %scan3A_367 : i32 to vector<16xi32>
        %gather3A_369 = arith.constant 0 : i32
        %gather3A_370 = arith.constant 0 : i32
        %gather3A_371 = tpu.memref_slice %arg11[%scan3A_158, %gather3A_369, %gather3A_370] : memref<2x128x128xf32, #tpu.memory_space<vmem>> -> memref<1x128x128xf32, #tpu.memory_space<vmem>>
        %gather3A_372 = tpu.memref_squeeze %gather3A_371 : memref<1x128x128xf32, #tpu.memory_space<vmem>> -> memref<128x128xf32, #tpu.memory_space<vmem>>
        %gather3A_373 = tpu.vector_load_idx %gather3A_372[%add3A_293, %broadcast_in_dim3A_368] : memref<128x128xf32, #tpu.memory_space<vmem>>[vector<16xi32>, vector<16xi32>], vector<16xf32>,
        %add3A_374 = arith.constant 64 : i32
        %add3A_375 = vector.broadcast %add3A_374 : i32 to vector<16xi32>
        %add3A_376 = arith.addi %broadcast_in_dim3A_368, %add3A_375 : vector<16xi32>
        %gather3A_377 = arith.constant 0 : i32
        %gather3A_378 = arith.constant 0 : i32
        %gather3A_379 = tpu.memref_slice %arg12[%scan3A_159, %gather3A_377, %gather3A_378] : memref<2x128x128xf32, #tpu.memory_space<vmem>> -> memref<1x128x128xf32, #tpu.memory_space<vmem>>
        %gather3A_380 = tpu.memref_squeeze %gather3A_379 : memref<1x128x128xf32, #tpu.memory_space<vmem>> -> memref<128x128xf32, #tpu.memory_space<vmem>>
        %gather3A_381 = tpu.vector_load_idx %gather3A_380[%add3A_293, %add3A_376] : memref<128x128xf32, #tpu.memory_space<vmem>>[vector<16xi32>, vector<16xi32>], vector<16xf32>,
        %mul3A_382 = arith.mulf %gather3A_373, %gather3A_381 : vector<16xf32>
        %add3A_383 = arith.addf %add3A_365, %mul3A_382 : vector<16xf32>
        %scan3A_384 = arith.constant 4 : i32
        %scan3A_385 = arith.addi %scan3A_313, %scan3A_384 : i32
        %broadcast_in_dim3A_386 = vector.broadcast %scan3A_385 : i32 to vector<16xi32>
        %gather3A_387 = arith.constant 0 : i32
        %gather3A_388 = arith.constant 0 : i32
        %gather3A_389 = tpu.memref_slice %arg11[%scan3A_158, %gather3A_387, %gather3A_388] : memref<2x128x128xf32, #tpu.memory_space<vmem>> -> memref<1x128x128xf32, #tpu.memory_space<vmem>>
        %gather3A_390 = tpu.memref_squeeze %gather3A_389 : memref<1x128x128xf32, #tpu.memory_space<vmem>> -> memref<128x128xf32, #tpu.memory_space<vmem>>
        %gather3A_391 = tpu.vector_load_idx %gather3A_390[%add3A_293, %broadcast_in_dim3A_386] : memref<128x128xf32, #tpu.memory_space<vmem>>[vector<16xi32>, vector<16xi32>], vector<16xf32>,
        %add3A_392 = arith.constant 64 : i32
        %add3A_393 = vector.broadcast %add3A_392 : i32 to vector<16xi32>
        %add3A_394 = arith.addi %broadcast_in_dim3A_386, %add3A_393 : vector<16xi32>
        %gather3A_395 = arith.constant 0 : i32
        %gather3A_396 = arith.constant 0 : i32
        %gather3A_397 = tpu.memref_slice %arg12[%scan3A_159, %gather3A_395, %gather3A_396] : memref<2x128x128xf32, #tpu.memory_space<vmem>> -> memref<1x128x128xf32, #tpu.memory_space<vmem>>
        %gather3A_398 = tpu.memref_squeeze %gather3A_397 : memref<1x128x128xf32, #tpu.memory_space<vmem>> -> memref<128x128xf32, #tpu.memory_space<vmem>>
        %gather3A_399 = tpu.vector_load_idx %gather3A_398[%add3A_293, %add3A_394] : memref<128x128xf32, #tpu.memory_space<vmem>>[vector<16xi32>, vector<16xi32>], vector<16xf32>,
        %mul3A_400 = arith.mulf %gather3A_391, %gather3A_399 : vector<16xf32>
        %add3A_401 = arith.addf %add3A_383, %mul3A_400 : vector<16xf32>
        %scan3A_402 = arith.constant 5 : i32
        %scan3A_403 = arith.addi %scan3A_313, %scan3A_402 : i32
        %broadcast_in_dim3A_404 = vector.broadcast %scan3A_403 : i32 to vector<16xi32>
        %gather3A_405 = arith.constant 0 : i32
        %gather3A_406 = arith.constant 0 : i32
        %gather3A_407 = tpu.memref_slice %arg11[%scan3A_158, %gather3A_405, %gather3A_406] : memref<2x128x128xf32, #tpu.memory_space<vmem>> -> memref<1x128x128xf32, #tpu.memory_space<vmem>>
        %gather3A_408 = tpu.memref_squeeze %gather3A_407 : memref<1x128x128xf32, #tpu.memory_space<vmem>> -> memref<128x128xf32, #tpu.memory_space<vmem>>
        %gather3A_409 = tpu.vector_load_idx %gather3A_408[%add3A_293, %broadcast_in_dim3A_404] : memref<128x128xf32, #tpu.memory_space<vmem>>[vector<16xi32>, vector<16xi32>], vector<16xf32>,
        %add3A_410 = arith.constant 64 : i32
        %add3A_411 = vector.broadcast %add3A_410 : i32 to vector<16xi32>
        %add3A_412 = arith.addi %broadcast_in_dim3A_404, %add3A_411 : vector<16xi32>
        %gather3A_413 = arith.constant 0 : i32
        %gather3A_414 = arith.constant 0 : i32
        %gather3A_415 = tpu.memref_slice %arg12[%scan3A_159, %gather3A_413, %gather3A_414] : memref<2x128x128xf32, #tpu.memory_space<vmem>> -> memref<1x128x128xf32, #tpu.memory_space<vmem>>
        %gather3A_416 = tpu.memref_squeeze %gather3A_415 : memref<1x128x128xf32, #tpu.memory_space<vmem>> -> memref<128x128xf32, #tpu.memory_space<vmem>>
        %gather3A_417 = tpu.vector_load_idx %gather3A_416[%add3A_293, %add3A_412] : memref<128x128xf32, #tpu.memory_space<vmem>>[vector<16xi32>, vector<16xi32>], vector<16xf32>,
        %mul3A_418 = arith.mulf %gather3A_409, %gather3A_417 : vector<16xf32>
        %add3A_419 = arith.addf %add3A_401, %mul3A_418 : vector<16xf32>
        %scan3A_420 = arith.constant 6 : i32
        %scan3A_421 = arith.addi %scan3A_313, %scan3A_420 : i32
        %broadcast_in_dim3A_422 = vector.broadcast %scan3A_421 : i32 to vector<16xi32>
        %gather3A_423 = arith.constant 0 : i32
        %gather3A_424 = arith.constant 0 : i32
        %gather3A_425 = tpu.memref_slice %arg11[%scan3A_158, %gather3A_423, %gather3A_424] : memref<2x128x128xf32, #tpu.memory_space<vmem>> -> memref<1x128x128xf32, #tpu.memory_space<vmem>>
        %gather3A_426 = tpu.memref_squeeze %gather3A_425 : memref<1x128x128xf32, #tpu.memory_space<vmem>> -> memref<128x128xf32, #tpu.memory_space<vmem>>
        %gather3A_427 = tpu.vector_load_idx %gather3A_426[%add3A_293, %broadcast_in_dim3A_422] : memref<128x128xf32, #tpu.memory_space<vmem>>[vector<16xi32>, vector<16xi32>], vector<16xf32>,
        %add3A_428 = arith.constant 64 : i32
        %add3A_429 = vector.broadcast %add3A_428 : i32 to vector<16xi32>
        %add3A_430 = arith.addi %broadcast_in_dim3A_422, %add3A_429 : vector<16xi32>
        %gather3A_431 = arith.constant 0 : i32
        %gather3A_432 = arith.constant 0 : i32
        %gather3A_433 = tpu.memref_slice %arg12[%scan3A_159, %gather3A_431, %gather3A_432] : memref<2x128x128xf32, #tpu.memory_space<vmem>> -> memref<1x128x128xf32, #tpu.memory_space<vmem>>
        %gather3A_434 = tpu.memref_squeeze %gather3A_433 : memref<1x128x128xf32, #tpu.memory_space<vmem>> -> memref<128x128xf32, #tpu.memory_space<vmem>>
        %gather3A_435 = tpu.vector_load_idx %gather3A_434[%add3A_293, %add3A_430] : memref<128x128xf32, #tpu.memory_space<vmem>>[vector<16xi32>, vector<16xi32>], vector<16xf32>,
        %mul3A_436 = arith.mulf %gather3A_427, %gather3A_435 : vector<16xf32>
        %add3A_437 = arith.addf %add3A_419, %mul3A_436 : vector<16xf32>
        %scan3A_438 = arith.constant 7 : i32
        %scan3A_439 = arith.addi %scan3A_313, %scan3A_438 : i32
        %broadcast_in_dim3A_440 = vector.broadcast %scan3A_439 : i32 to vector<16xi32>
        %gather3A_441 = arith.constant 0 : i32
        %gather3A_442 = arith.constant 0 : i32
        %gather3A_443 = tpu.memref_slice %arg11[%scan3A_158, %gather3A_441, %gather3A_442] : memref<2x128x128xf32, #tpu.memory_space<vmem>> -> memref<1x128x128xf32, #tpu.memory_space<vmem>>
        %gather3A_444 = tpu.memref_squeeze %gather3A_443 : memref<1x128x128xf32, #tpu.memory_space<vmem>> -> memref<128x128xf32, #tpu.memory_space<vmem>>
        %gather3A_445 = tpu.vector_load_idx %gather3A_444[%add3A_293, %broadcast_in_dim3A_440] : memref<128x128xf32, #tpu.memory_space<vmem>>[vector<16xi32>, vector<16xi32>], vector<16xf32>,
        %add3A_446 = arith.constant 64 : i32
        %add3A_447 = vector.broadcast %add3A_446 : i32 to vector<16xi32>
        %add3A_448 = arith.addi %broadcast_in_dim3A_440, %add3A_447 : vector<16xi32>
        %gather3A_449 = arith.constant 0 : i32
        %gather3A_450 = arith.constant 0 : i32
        %gather3A_451 = tpu.memref_slice %arg12[%scan3A_159, %gather3A_449, %gather3A_450] : memref<2x128x128xf32, #tpu.memory_space<vmem>> -> memref<1x128x128xf32, #tpu.memory_space<vmem>>
        %gather3A_452 = tpu.memref_squeeze %gather3A_451 : memref<1x128x128xf32, #tpu.memory_space<vmem>> -> memref<128x128xf32, #tpu.memory_space<vmem>>
        %gather3A_453 = tpu.vector_load_idx %gather3A_452[%add3A_293, %add3A_448] : memref<128x128xf32, #tpu.memory_space<vmem>>[vector<16xi32>, vector<16xi32>], vector<16xf32>,
        %mul3A_454 = arith.mulf %gather3A_445, %gather3A_453 : vector<16xf32>
        %add3A_455 = arith.addf %add3A_437, %mul3A_454 : vector<16xf32>
        %scan3A_456 = arith.constant 8 : i32
        %scan3A_457 = arith.addi %scan3A_313, %scan3A_456 : i32
        %broadcast_in_dim3A_458 = vector.broadcast %scan3A_457 : i32 to vector<16xi32>
        %gather3A_459 = arith.constant 0 : i32
        %gather3A_460 = arith.constant 0 : i32
        %gather3A_461 = tpu.memref_slice %arg11[%scan3A_158, %gather3A_459, %gather3A_460] : memref<2x128x128xf32, #tpu.memory_space<vmem>> -> memref<1x128x128xf32, #tpu.memory_space<vmem>>
        %gather3A_462 = tpu.memref_squeeze %gather3A_461 : memref<1x128x128xf32, #tpu.memory_space<vmem>> -> memref<128x128xf32, #tpu.memory_space<vmem>>
        %gather3A_463 = tpu.vector_load_idx %gather3A_462[%add3A_293, %broadcast_in_dim3A_458] : memref<128x128xf32, #tpu.memory_space<vmem>>[vector<16xi32>, vector<16xi32>], vector<16xf32>,
        %add3A_464 = arith.constant 64 : i32
        %add3A_465 = vector.broadcast %add3A_464 : i32 to vector<16xi32>
        %add3A_466 = arith.addi %broadcast_in_dim3A_458, %add3A_465 : vector<16xi32>
        %gather3A_467 = arith.constant 0 : i32
        %gather3A_468 = arith.constant 0 : i32
        %gather3A_469 = tpu.memref_slice %arg12[%scan3A_159, %gather3A_467, %gather3A_468] : memref<2x128x128xf32, #tpu.memory_space<vmem>> -> memref<1x128x128xf32, #tpu.memory_space<vmem>>
        %gather3A_470 = tpu.memref_squeeze %gather3A_469 : memref<1x128x128xf32, #tpu.memory_space<vmem>> -> memref<128x128xf32, #tpu.memory_space<vmem>>
        %gather3A_471 = tpu.vector_load_idx %gather3A_470[%add3A_293, %add3A_466] : memref<128x128xf32, #tpu.memory_space<vmem>>[vector<16xi32>, vector<16xi32>], vector<16xf32>,
        %mul3A_472 = arith.mulf %gather3A_463, %gather3A_471 : vector<16xf32>
        %add3A_473 = arith.addf %add3A_455, %mul3A_472 : vector<16xf32>
        %scan3A_474 = arith.constant 9 : i32
        %scan3A_475 = arith.addi %scan3A_313, %scan3A_474 : i32
        %broadcast_in_dim3A_476 = vector.broadcast %scan3A_475 : i32 to vector<16xi32>
        %gather3A_477 = arith.constant 0 : i32
        %gather3A_478 = arith.constant 0 : i32
        %gather3A_479 = tpu.memref_slice %arg11[%scan3A_158, %gather3A_477, %gather3A_478] : memref<2x128x128xf32, #tpu.memory_space<vmem>> -> memref<1x128x128xf32, #tpu.memory_space<vmem>>
        %gather3A_480 = tpu.memref_squeeze %gather3A_479 : memref<1x128x128xf32, #tpu.memory_space<vmem>> -> memref<128x128xf32, #tpu.memory_space<vmem>>
        %gather3A_481 = tpu.vector_load_idx %gather3A_480[%add3A_293, %broadcast_in_dim3A_476] : memref<128x128xf32, #tpu.memory_space<vmem>>[vector<16xi32>, vector<16xi32>], vector<16xf32>,
        %add3A_482 = arith.constant 64 : i32
        %add3A_483 = vector.broadcast %add3A_482 : i32 to vector<16xi32>
        %add3A_484 = arith.addi %broadcast_in_dim3A_476, %add3A_483 : vector<16xi32>
        %gather3A_485 = arith.constant 0 : i32
        %gather3A_486 = arith.constant 0 : i32
        %gather3A_487 = tpu.memref_slice %arg12[%scan3A_159, %gather3A_485, %gather3A_486] : memref<2x128x128xf32, #tpu.memory_space<vmem>> -> memref<1x128x128xf32, #tpu.memory_space<vmem>>
        %gather3A_488 = tpu.memref_squeeze %gather3A_487 : memref<1x128x128xf32, #tpu.memory_space<vmem>> -> memref<128x128xf32, #tpu.memory_space<vmem>>
        %gather3A_489 = tpu.vector_load_idx %gather3A_488[%add3A_293, %add3A_484] : memref<128x128xf32, #tpu.memory_space<vmem>>[vector<16xi32>, vector<16xi32>], vector<16xf32>,
        %mul3A_490 = arith.mulf %gather3A_481, %gather3A_489 : vector<16xf32>
        %add3A_491 = arith.addf %add3A_473, %mul3A_490 : vector<16xf32>
        %scan3A_492 = arith.constant 10 : i32
        %scan3A_493 = arith.addi %scan3A_313, %scan3A_492 : i32
        %broadcast_in_dim3A_494 = vector.broadcast %scan3A_493 : i32 to vector<16xi32>
        %gather3A_495 = arith.constant 0 : i32
        %gather3A_496 = arith.constant 0 : i32
        %gather3A_497 = tpu.memref_slice %arg11[%scan3A_158, %gather3A_495, %gather3A_496] : memref<2x128x128xf32, #tpu.memory_space<vmem>> -> memref<1x128x128xf32, #tpu.memory_space<vmem>>
        %gather3A_498 = tpu.memref_squeeze %gather3A_497 : memref<1x128x128xf32, #tpu.memory_space<vmem>> -> memref<128x128xf32, #tpu.memory_space<vmem>>
        %gather3A_499 = tpu.vector_load_idx %gather3A_498[%add3A_293, %broadcast_in_dim3A_494] : memref<128x128xf32, #tpu.memory_space<vmem>>[vector<16xi32>, vector<16xi32>], vector<16xf32>,
        %add3A_500 = arith.constant 64 : i32
        %add3A_501 = vector.broadcast %add3A_500 : i32 to vector<16xi32>
        %add3A_502 = arith.addi %broadcast_in_dim3A_494, %add3A_501 : vector<16xi32>
        %gather3A_503 = arith.constant 0 : i32
        %gather3A_504 = arith.constant 0 : i32
        %gather3A_505 = tpu.memref_slice %arg12[%scan3A_159, %gather3A_503, %gather3A_504] : memref<2x128x128xf32, #tpu.memory_space<vmem>> -> memref<1x128x128xf32, #tpu.memory_space<vmem>>
        %gather3A_506 = tpu.memref_squeeze %gather3A_505 : memref<1x128x128xf32, #tpu.memory_space<vmem>> -> memref<128x128xf32, #tpu.memory_space<vmem>>
        %gather3A_507 = tpu.vector_load_idx %gather3A_506[%add3A_293, %add3A_502] : memref<128x128xf32, #tpu.memory_space<vmem>>[vector<16xi32>, vector<16xi32>], vector<16xf32>,
        %mul3A_508 = arith.mulf %gather3A_499, %gather3A_507 : vector<16xf32>
        %add3A_509 = arith.addf %add3A_491, %mul3A_508 : vector<16xf32>
        %scan3A_510 = arith.constant 11 : i32
        %scan3A_511 = arith.addi %scan3A_313, %scan3A_510 : i32
        %broadcast_in_dim3A_512 = vector.broadcast %scan3A_511 : i32 to vector<16xi32>
        %gather3A_513 = arith.constant 0 : i32
        %gather3A_514 = arith.constant 0 : i32
        %gather3A_515 = tpu.memref_slice %arg11[%scan3A_158, %gather3A_513, %gather3A_514] : memref<2x128x128xf32, #tpu.memory_space<vmem>> -> memref<1x128x128xf32, #tpu.memory_space<vmem>>
        %gather3A_516 = tpu.memref_squeeze %gather3A_515 : memref<1x128x128xf32, #tpu.memory_space<vmem>> -> memref<128x128xf32, #tpu.memory_space<vmem>>
        %gather3A_517 = tpu.vector_load_idx %gather3A_516[%add3A_293, %broadcast_in_dim3A_512] : memref<128x128xf32, #tpu.memory_space<vmem>>[vector<16xi32>, vector<16xi32>], vector<16xf32>,
        %add3A_518 = arith.constant 64 : i32
        %add3A_519 = vector.broadcast %add3A_518 : i32 to vector<16xi32>
        %add3A_520 = arith.addi %broadcast_in_dim3A_512, %add3A_519 : vector<16xi32>
        %gather3A_521 = arith.constant 0 : i32
        %gather3A_522 = arith.constant 0 : i32
        %gather3A_523 = tpu.memref_slice %arg12[%scan3A_159, %gather3A_521, %gather3A_522] : memref<2x128x128xf32, #tpu.memory_space<vmem>> -> memref<1x128x128xf32, #tpu.memory_space<vmem>>
        %gather3A_524 = tpu.memref_squeeze %gather3A_523 : memref<1x128x128xf32, #tpu.memory_space<vmem>> -> memref<128x128xf32, #tpu.memory_space<vmem>>
        %gather3A_525 = tpu.vector_load_idx %gather3A_524[%add3A_293, %add3A_520] : memref<128x128xf32, #tpu.memory_space<vmem>>[vector<16xi32>, vector<16xi32>], vector<16xf32>,
        %mul3A_526 = arith.mulf %gather3A_517, %gather3A_525 : vector<16xf32>
        %add3A_527 = arith.addf %add3A_509, %mul3A_526 : vector<16xf32>
        %scan3A_528 = arith.constant 12 : i32
        %scan3A_529 = arith.addi %scan3A_313, %scan3A_528 : i32
        %broadcast_in_dim3A_530 = vector.broadcast %scan3A_529 : i32 to vector<16xi32>
        %gather3A_531 = arith.constant 0 : i32
        %gather3A_532 = arith.constant 0 : i32
        %gather3A_533 = tpu.memref_slice %arg11[%scan3A_158, %gather3A_531, %gather3A_532] : memref<2x128x128xf32, #tpu.memory_space<vmem>> -> memref<1x128x128xf32, #tpu.memory_space<vmem>>
        %gather3A_534 = tpu.memref_squeeze %gather3A_533 : memref<1x128x128xf32, #tpu.memory_space<vmem>> -> memref<128x128xf32, #tpu.memory_space<vmem>>
        %gather3A_535 = tpu.vector_load_idx %gather3A_534[%add3A_293, %broadcast_in_dim3A_530] : memref<128x128xf32, #tpu.memory_space<vmem>>[vector<16xi32>, vector<16xi32>], vector<16xf32>,
        %add3A_536 = arith.constant 64 : i32
        %add3A_537 = vector.broadcast %add3A_536 : i32 to vector<16xi32>
        %add3A_538 = arith.addi %broadcast_in_dim3A_530, %add3A_537 : vector<16xi32>
        %gather3A_539 = arith.constant 0 : i32
        %gather3A_540 = arith.constant 0 : i32
        %gather3A_541 = tpu.memref_slice %arg12[%scan3A_159, %gather3A_539, %gather3A_540] : memref<2x128x128xf32, #tpu.memory_space<vmem>> -> memref<1x128x128xf32, #tpu.memory_space<vmem>>
        %gather3A_542 = tpu.memref_squeeze %gather3A_541 : memref<1x128x128xf32, #tpu.memory_space<vmem>> -> memref<128x128xf32, #tpu.memory_space<vmem>>
        %gather3A_543 = tpu.vector_load_idx %gather3A_542[%add3A_293, %add3A_538] : memref<128x128xf32, #tpu.memory_space<vmem>>[vector<16xi32>, vector<16xi32>], vector<16xf32>,
        %mul3A_544 = arith.mulf %gather3A_535, %gather3A_543 : vector<16xf32>
        %add3A_545 = arith.addf %add3A_527, %mul3A_544 : vector<16xf32>
        %scan3A_546 = arith.constant 13 : i32
        %scan3A_547 = arith.addi %scan3A_313, %scan3A_546 : i32
        %broadcast_in_dim3A_548 = vector.broadcast %scan3A_547 : i32 to vector<16xi32>
        %gather3A_549 = arith.constant 0 : i32
        %gather3A_550 = arith.constant 0 : i32
        %gather3A_551 = tpu.memref_slice %arg11[%scan3A_158, %gather3A_549, %gather3A_550] : memref<2x128x128xf32, #tpu.memory_space<vmem>> -> memref<1x128x128xf32, #tpu.memory_space<vmem>>
        %gather3A_552 = tpu.memref_squeeze %gather3A_551 : memref<1x128x128xf32, #tpu.memory_space<vmem>> -> memref<128x128xf32, #tpu.memory_space<vmem>>
        %gather3A_553 = tpu.vector_load_idx %gather3A_552[%add3A_293, %broadcast_in_dim3A_548] : memref<128x128xf32, #tpu.memory_space<vmem>>[vector<16xi32>, vector<16xi32>], vector<16xf32>,
        %add3A_554 = arith.constant 64 : i32
        %add3A_555 = vector.broadcast %add3A_554 : i32 to vector<16xi32>
        %add3A_556 = arith.addi %broadcast_in_dim3A_548, %add3A_555 : vector<16xi32>
        %gather3A_557 = arith.constant 0 : i32
        %gather3A_558 = arith.constant 0 : i32
        %gather3A_559 = tpu.memref_slice %arg12[%scan3A_159, %gather3A_557, %gather3A_558] : memref<2x128x128xf32, #tpu.memory_space<vmem>> -> memref<1x128x128xf32, #tpu.memory_space<vmem>>
        %gather3A_560 = tpu.memref_squeeze %gather3A_559 : memref<1x128x128xf32, #tpu.memory_space<vmem>> -> memref<128x128xf32, #tpu.memory_space<vmem>>
        %gather3A_561 = tpu.vector_load_idx %gather3A_560[%add3A_293, %add3A_556] : memref<128x128xf32, #tpu.memory_space<vmem>>[vector<16xi32>, vector<16xi32>], vector<16xf32>,
        %mul3A_562 = arith.mulf %gather3A_553, %gather3A_561 : vector<16xf32>
        %add3A_563 = arith.addf %add3A_545, %mul3A_562 : vector<16xf32>
        %scan3A_564 = arith.constant 14 : i32
        %scan3A_565 = arith.addi %scan3A_313, %scan3A_564 : i32
        %broadcast_in_dim3A_566 = vector.broadcast %scan3A_565 : i32 to vector<16xi32>
        %gather3A_567 = arith.constant 0 : i32
        %gather3A_568 = arith.constant 0 : i32
        %gather3A_569 = tpu.memref_slice %arg11[%scan3A_158, %gather3A_567, %gather3A_568] : memref<2x128x128xf32, #tpu.memory_space<vmem>> -> memref<1x128x128xf32, #tpu.memory_space<vmem>>
        %gather3A_570 = tpu.memref_squeeze %gather3A_569 : memref<1x128x128xf32, #tpu.memory_space<vmem>> -> memref<128x128xf32, #tpu.memory_space<vmem>>
        %gather3A_571 = tpu.vector_load_idx %gather3A_570[%add3A_293, %broadcast_in_dim3A_566] : memref<128x128xf32, #tpu.memory_space<vmem>>[vector<16xi32>, vector<16xi32>], vector<16xf32>,
        %add3A_572 = arith.constant 64 : i32
        %add3A_573 = vector.broadcast %add3A_572 : i32 to vector<16xi32>
        %add3A_574 = arith.addi %broadcast_in_dim3A_566, %add3A_573 : vector<16xi32>
        %gather3A_575 = arith.constant 0 : i32
        %gather3A_576 = arith.constant 0 : i32
        %gather3A_577 = tpu.memref_slice %arg12[%scan3A_159, %gather3A_575, %gather3A_576] : memref<2x128x128xf32, #tpu.memory_space<vmem>> -> memref<1x128x128xf32, #tpu.memory_space<vmem>>
        %gather3A_578 = tpu.memref_squeeze %gather3A_577 : memref<1x128x128xf32, #tpu.memory_space<vmem>> -> memref<128x128xf32, #tpu.memory_space<vmem>>
        %gather3A_579 = tpu.vector_load_idx %gather3A_578[%add3A_293, %add3A_574] : memref<128x128xf32, #tpu.memory_space<vmem>>[vector<16xi32>, vector<16xi32>], vector<16xf32>,
        %mul3A_580 = arith.mulf %gather3A_571, %gather3A_579 : vector<16xf32>
        %add3A_581 = arith.addf %add3A_563, %mul3A_580 : vector<16xf32>
        %scan3A_582 = arith.constant 15 : i32
        %scan3A_583 = arith.addi %scan3A_313, %scan3A_582 : i32
        %broadcast_in_dim3A_584 = vector.broadcast %scan3A_583 : i32 to vector<16xi32>
        %gather3A_585 = arith.constant 0 : i32
        %gather3A_586 = arith.constant 0 : i32
        %gather3A_587 = tpu.memref_slice %arg11[%scan3A_158, %gather3A_585, %gather3A_586] : memref<2x128x128xf32, #tpu.memory_space<vmem>> -> memref<1x128x128xf32, #tpu.memory_space<vmem>>
        %gather3A_588 = tpu.memref_squeeze %gather3A_587 : memref<1x128x128xf32, #tpu.memory_space<vmem>> -> memref<128x128xf32, #tpu.memory_space<vmem>>
        %gather3A_589 = tpu.vector_load_idx %gather3A_588[%add3A_293, %broadcast_in_dim3A_584] : memref<128x128xf32, #tpu.memory_space<vmem>>[vector<16xi32>, vector<16xi32>], vector<16xf32>,
        %add3A_590 = arith.constant 64 : i32
        %add3A_591 = vector.broadcast %add3A_590 : i32 to vector<16xi32>
        %add3A_592 = arith.addi %broadcast_in_dim3A_584, %add3A_591 : vector<16xi32>
        %gather3A_593 = arith.constant 0 : i32
        %gather3A_594 = arith.constant 0 : i32
        %gather3A_595 = tpu.memref_slice %arg12[%scan3A_159, %gather3A_593, %gather3A_594] : memref<2x128x128xf32, #tpu.memory_space<vmem>> -> memref<1x128x128xf32, #tpu.memory_space<vmem>>
        %gather3A_596 = tpu.memref_squeeze %gather3A_595 : memref<1x128x128xf32, #tpu.memory_space<vmem>> -> memref<128x128xf32, #tpu.memory_space<vmem>>
        %gather3A_597 = tpu.vector_load_idx %gather3A_596[%add3A_293, %add3A_592] : memref<128x128xf32, #tpu.memory_space<vmem>>[vector<16xi32>, vector<16xi32>], vector<16xf32>,
        %mul3A_598 = arith.mulf %gather3A_589, %gather3A_597 : vector<16xf32>
        %add3A_599 = arith.addf %add3A_581, %mul3A_598 : vector<16xf32>
        scf.yield %add3A_599 : vector<16xf32>
      }
      %scan3A_300 = arith.constant 64 : i32
      %mul3A_301 = arith.constant 16 : i32
      %mul3A_302 = arith.muli %scan3A_289, %mul3A_301 : i32
      %add3A_303 = arith.constant 128 : i32
      %add3A_304 = arith.addi %add3A_303, %mul3A_302 : i32
      %get3A_305 = arith.index_cast %add3A_304 : i32 to index
      %get3A_306 = tpu.vector_load %arg13[%get3A_305] {strides = array<i32>} : memref<512xf32, #tpu.memory_space<vmem>>, vector<16xf32>,
      %add3A_307 = arith.addf %scan3A_299, %get3A_306 : vector<16xf32>
      %get3A_308 = arith.index_cast %add3A_304 : i32 to index
      %get3A_309 = tpu.vector_load %arg14[%get3A_308] {strides = array<i32>} : memref<512xf32, #tpu.memory_space<vmem>>, vector<16xf32>,
      %add3A_310 = arith.addf %add3A_307, %get3A_309 : vector<16xf32>
      %add3A_311 = arith.addf %add3A_310, %get3A_50 : vector<16xf32>
      %swap3A = arith.index_cast %add3A_304 : i32 to index
      %swap3A_312 = tpu.vector_load %arg15[%swap3A] {strides = array<i32>} : memref<512xf32, #tpu.memory_space<vmem>>, vector<16xf32>,
      tpu.vector_store %arg15[%swap3A], %add3A_311 {strides = array<i32>} : memref<512xf32, #tpu.memory_space<vmem>>, vector<16xf32>,
    }
    %scan3A_164 = arith.constant 8 : i32
    %dma_start3A_165 = arith.constant 1 : i32
    %dma_start3A_166 = arith.constant 0 : i32
    %dma_start3A_167 = arith.constant 0 : i32
    %dma_start3A_168 = tpu.memref_slice %arg11[%dma_start3A_165, %dma_start3A_166, %dma_start3A_167] : memref<2x128x128xf32, #tpu.memory_space<vmem>> -> memref<1x128x128xf32, #tpu.memory_space<vmem>>
    %dma_start3A_169 = tpu.memref_squeeze %dma_start3A_168 : memref<1x128x128xf32, #tpu.memory_space<vmem>> -> memref<128x128xf32, #tpu.memory_space<vmem>>
    %dma_start3A_170 = arith.constant 384 : i32
    %dma_start3A_171 = tpu.memref_slice %arg9[%dma_start3A_170] : memref<512xi32, #tpu.memory_space<vmem>> -> memref<128xi32, #tpu.memory_space<vmem>>
    %dma_start3A_172 = arith.constant 0 : i32
    %dma_start3A_173 = arith.constant 0 : i32
    %dma_start3A_174 = tpu.memref_slice %arg4[%dma_start3A_172, %dma_start3A_173] : memref<100000x128xf32, #tpu.memory_space<hbm>> -> memref<100000x128xf32, #tpu.memory_space<hbm>>
    tpu.enqueue_indirect_dma source(%dma_start3A_174 : memref<100000x128xf32, #tpu.memory_space<hbm>>) target(%dma_start3A_169 : memref<128x128xf32, #tpu.memory_space<vmem>>) offsets(%dma_start3A_171 : memref<128xi32, #tpu.memory_space<vmem>>) semaphore(%arg19 : memref<!tpu.dma_semaphore, #tpu.memory_space<semaphore_mem>>)
    %dma_start3A_175 = arith.constant 1 : i32
    %dma_start3A_176 = arith.constant 0 : i32
    %dma_start3A_177 = arith.constant 0 : i32
    %dma_start3A_178 = tpu.memref_slice %arg12[%dma_start3A_175, %dma_start3A_176, %dma_start3A_177] : memref<2x128x128xf32, #tpu.memory_space<vmem>> -> memref<1x128x128xf32, #tpu.memory_space<vmem>>
    %dma_start3A_179 = tpu.memref_squeeze %dma_start3A_178 : memref<1x128x128xf32, #tpu.memory_space<vmem>> -> memref<128x128xf32, #tpu.memory_space<vmem>>
    %dma_start3A_180 = arith.constant 384 : i32
    %dma_start3A_181 = tpu.memref_slice %arg10[%dma_start3A_180] : memref<512xi32, #tpu.memory_space<vmem>> -> memref<128xi32, #tpu.memory_space<vmem>>
    %dma_start3A_182 = arith.constant 0 : i32
    %dma_start3A_183 = arith.constant 0 : i32
    %dma_start3A_184 = tpu.memref_slice %arg4[%dma_start3A_182, %dma_start3A_183] : memref<100000x128xf32, #tpu.memory_space<hbm>> -> memref<100000x128xf32, #tpu.memory_space<hbm>>
    tpu.enqueue_indirect_dma source(%dma_start3A_184 : memref<100000x128xf32, #tpu.memory_space<hbm>>) target(%dma_start3A_179 : memref<128x128xf32, #tpu.memory_space<vmem>>) offsets(%dma_start3A_181 : memref<128xi32, #tpu.memory_space<vmem>>) semaphore(%arg19 : memref<!tpu.dma_semaphore, #tpu.memory_space<semaphore_mem>>)
    %dma_wait3A_185 = arith.constant 0 : i32
    %dma_wait3A_186 = arith.constant 0 : i32
    %dma_wait3A_187 = arith.constant 0 : i32
    %dma_wait3A_188 = tpu.memref_slice %arg11[%dma_wait3A_185, %dma_wait3A_186, %dma_wait3A_187] : memref<2x128x128xf32, #tpu.memory_space<vmem>> -> memref<1x128x128xf32, #tpu.memory_space<vmem>>
    %dma_wait3A_189 = tpu.memref_squeeze %dma_wait3A_188 : memref<1x128x128xf32, #tpu.memory_space<vmem>> -> memref<128x128xf32, #tpu.memory_space<vmem>>
    %dma_wait3A_190 = arith.constant 256 : i32
    %dma_wait3A_191 = tpu.memref_slice %arg9[%dma_wait3A_190] : memref<512xi32, #tpu.memory_space<vmem>> -> memref<128xi32, #tpu.memory_space<vmem>>
    %dma_wait3A_192 = arith.constant 0 : i32
    %dma_wait3A_193 = arith.constant 0 : i32
    %dma_wait3A_194 = tpu.memref_slice %arg4[%dma_wait3A_192, %dma_wait3A_193] : memref<100000x128xf32, #tpu.memory_space<hbm>> -> memref<100000x128xf32, #tpu.memory_space<hbm>>
    tpu.wait_indirect_dma semaphore(%arg18 : memref<!tpu.dma_semaphore, #tpu.memory_space<semaphore_mem>>) src(%dma_wait3A_194 : memref<100000x128xf32, #tpu.memory_space<hbm>>) dst(%dma_wait3A_189 : memref<128x128xf32, #tpu.memory_space<vmem>>)
    %dma_wait3A_195 = arith.constant 0 : i32
    %dma_wait3A_196 = arith.constant 0 : i32
    %dma_wait3A_197 = arith.constant 0 : i32
    %dma_wait3A_198 = tpu.memref_slice %arg12[%dma_wait3A_195, %dma_wait3A_196, %dma_wait3A_197] : memref<2x128x128xf32, #tpu.memory_space<vmem>> -> memref<1x128x128xf32, #tpu.memory_space<vmem>>
    %dma_wait3A_199 = tpu.memref_squeeze %dma_wait3A_198 : memref<1x128x128xf32, #tpu.memory_space<vmem>> -> memref<128x128xf32, #tpu.memory_space<vmem>>
    %dma_wait3A_200 = arith.constant 256 : i32
    %dma_wait3A_201 = tpu.memref_slice %arg10[%dma_wait3A_200] : memref<512xi32, #tpu.memory_space<vmem>> -> memref<128xi32, #tpu.memory_space<vmem>>
    %dma_wait3A_202 = arith.constant 0 : i32
    %dma_wait3A_203 = arith.constant 0 : i32
    %dma_wait3A_204 = tpu.memref_slice %arg4[%dma_wait3A_202, %dma_wait3A_203] : memref<100000x128xf32, #tpu.memory_space<hbm>> -> memref<100000x128xf32, #tpu.memory_space<hbm>>
    tpu.wait_indirect_dma semaphore(%arg18 : memref<!tpu.dma_semaphore, #tpu.memory_space<semaphore_mem>>) src(%dma_wait3A_204 : memref<100000x128xf32, #tpu.memory_space<hbm>>) dst(%dma_wait3A_199 : memref<128x128xf32, #tpu.memory_space<vmem>>)
    %scan3A_205 = arith.constant 0 : i32
    %scan3A_206 = arith.constant 0 : i32
    %scan3A_207 = arith.constant 0 : i32
    %scan3A_208 = arith.constant 0 : i32
    %scan3A_209 = arith.constant 8 : i32
    %scan3A_210 = arith.addi %scan3A_208, %scan3A_209 : i32
    %scan3A_211 = arith.constant 1 : i32
    scf.for %scan3A_289 = %scan3A_208 to %scan3A_210 step %scan3A_211  : i32 {
      %mul3A_290 = arith.constant 16 : i32
      %mul3A_291 = arith.muli %scan3A_289, %mul3A_290 : i32
      %add3A_292 = vector.broadcast %mul3A_291 : i32 to vector<16xi32>
      %add3A_293 = arith.addi %iota3A, %add3A_292 : vector<16xi32>
      %broadcast_in_dim3A = arith.constant 0.000000e+00 : f32
      %broadcast_in_dim3A_294 = vector.broadcast %broadcast_in_dim3A : f32 to vector<16xf32>
      %scan3A_295 = arith.constant 0 : i32
      %scan3A_296 = arith.constant 64 : i32
      %scan3A_297 = arith.addi %scan3A_295, %scan3A_296 : i32
      %scan3A_298 = arith.constant 16 : i32
      %scan3A_299 = scf.for %scan3A_313 = %scan3A_295 to %scan3A_297 step %scan3A_298 iter_args(%scan3A_314 = %broadcast_in_dim3A_294) -> (vector<16xf32>)  : i32 {
        %broadcast_in_dim3A_315 = vector.broadcast %scan3A_313 : i32 to vector<16xi32>
        %gather3A = arith.constant 0 : i32
        %gather3A_316 = arith.constant 0 : i32
        %gather3A_317 = tpu.memref_slice %arg11[%scan3A_206, %gather3A, %gather3A_316] : memref<2x128x128xf32, #tpu.memory_space<vmem>> -> memref<1x128x128xf32, #tpu.memory_space<vmem>>
        %gather3A_318 = tpu.memref_squeeze %gather3A_317 : memref<1x128x128xf32, #tpu.memory_space<vmem>> -> memref<128x128xf32, #tpu.memory_space<vmem>>
        %gather3A_319 = tpu.vector_load_idx %gather3A_318[%add3A_293, %broadcast_in_dim3A_315] : memref<128x128xf32, #tpu.memory_space<vmem>>[vector<16xi32>, vector<16xi32>], vector<16xf32>,
        %add3A_320 = arith.constant 64 : i32
        %add3A_321 = vector.broadcast %add3A_320 : i32 to vector<16xi32>
        %add3A_322 = arith.addi %broadcast_in_dim3A_315, %add3A_321 : vector<16xi32>
        %gather3A_323 = arith.constant 0 : i32
        %gather3A_324 = arith.constant 0 : i32
        %gather3A_325 = tpu.memref_slice %arg12[%scan3A_207, %gather3A_323, %gather3A_324] : memref<2x128x128xf32, #tpu.memory_space<vmem>> -> memref<1x128x128xf32, #tpu.memory_space<vmem>>
        %gather3A_326 = tpu.memref_squeeze %gather3A_325 : memref<1x128x128xf32, #tpu.memory_space<vmem>> -> memref<128x128xf32, #tpu.memory_space<vmem>>
        %gather3A_327 = tpu.vector_load_idx %gather3A_326[%add3A_293, %add3A_322] : memref<128x128xf32, #tpu.memory_space<vmem>>[vector<16xi32>, vector<16xi32>], vector<16xf32>,
        %mul3A_328 = arith.mulf %gather3A_319, %gather3A_327 : vector<16xf32>
        %add3A_329 = arith.addf %scan3A_314, %mul3A_328 : vector<16xf32>
        %scan3A_330 = arith.constant 1 : i32
        %scan3A_331 = arith.addi %scan3A_313, %scan3A_330 : i32
        %broadcast_in_dim3A_332 = vector.broadcast %scan3A_331 : i32 to vector<16xi32>
        %gather3A_333 = arith.constant 0 : i32
        %gather3A_334 = arith.constant 0 : i32
        %gather3A_335 = tpu.memref_slice %arg11[%scan3A_206, %gather3A_333, %gather3A_334] : memref<2x128x128xf32, #tpu.memory_space<vmem>> -> memref<1x128x128xf32, #tpu.memory_space<vmem>>
        %gather3A_336 = tpu.memref_squeeze %gather3A_335 : memref<1x128x128xf32, #tpu.memory_space<vmem>> -> memref<128x128xf32, #tpu.memory_space<vmem>>
        %gather3A_337 = tpu.vector_load_idx %gather3A_336[%add3A_293, %broadcast_in_dim3A_332] : memref<128x128xf32, #tpu.memory_space<vmem>>[vector<16xi32>, vector<16xi32>], vector<16xf32>,
        %add3A_338 = arith.constant 64 : i32
        %add3A_339 = vector.broadcast %add3A_338 : i32 to vector<16xi32>
        %add3A_340 = arith.addi %broadcast_in_dim3A_332, %add3A_339 : vector<16xi32>
        %gather3A_341 = arith.constant 0 : i32
        %gather3A_342 = arith.constant 0 : i32
        %gather3A_343 = tpu.memref_slice %arg12[%scan3A_207, %gather3A_341, %gather3A_342] : memref<2x128x128xf32, #tpu.memory_space<vmem>> -> memref<1x128x128xf32, #tpu.memory_space<vmem>>
        %gather3A_344 = tpu.memref_squeeze %gather3A_343 : memref<1x128x128xf32, #tpu.memory_space<vmem>> -> memref<128x128xf32, #tpu.memory_space<vmem>>
        %gather3A_345 = tpu.vector_load_idx %gather3A_344[%add3A_293, %add3A_340] : memref<128x128xf32, #tpu.memory_space<vmem>>[vector<16xi32>, vector<16xi32>], vector<16xf32>,
        %mul3A_346 = arith.mulf %gather3A_337, %gather3A_345 : vector<16xf32>
        %add3A_347 = arith.addf %add3A_329, %mul3A_346 : vector<16xf32>
        %scan3A_348 = arith.constant 2 : i32
        %scan3A_349 = arith.addi %scan3A_313, %scan3A_348 : i32
        %broadcast_in_dim3A_350 = vector.broadcast %scan3A_349 : i32 to vector<16xi32>
        %gather3A_351 = arith.constant 0 : i32
        %gather3A_352 = arith.constant 0 : i32
        %gather3A_353 = tpu.memref_slice %arg11[%scan3A_206, %gather3A_351, %gather3A_352] : memref<2x128x128xf32, #tpu.memory_space<vmem>> -> memref<1x128x128xf32, #tpu.memory_space<vmem>>
        %gather3A_354 = tpu.memref_squeeze %gather3A_353 : memref<1x128x128xf32, #tpu.memory_space<vmem>> -> memref<128x128xf32, #tpu.memory_space<vmem>>
        %gather3A_355 = tpu.vector_load_idx %gather3A_354[%add3A_293, %broadcast_in_dim3A_350] : memref<128x128xf32, #tpu.memory_space<vmem>>[vector<16xi32>, vector<16xi32>], vector<16xf32>,
        %add3A_356 = arith.constant 64 : i32
        %add3A_357 = vector.broadcast %add3A_356 : i32 to vector<16xi32>
        %add3A_358 = arith.addi %broadcast_in_dim3A_350, %add3A_357 : vector<16xi32>
        %gather3A_359 = arith.constant 0 : i32
        %gather3A_360 = arith.constant 0 : i32
        %gather3A_361 = tpu.memref_slice %arg12[%scan3A_207, %gather3A_359, %gather3A_360] : memref<2x128x128xf32, #tpu.memory_space<vmem>> -> memref<1x128x128xf32, #tpu.memory_space<vmem>>
        %gather3A_362 = tpu.memref_squeeze %gather3A_361 : memref<1x128x128xf32, #tpu.memory_space<vmem>> -> memref<128x128xf32, #tpu.memory_space<vmem>>
        %gather3A_363 = tpu.vector_load_idx %gather3A_362[%add3A_293, %add3A_358] : memref<128x128xf32, #tpu.memory_space<vmem>>[vector<16xi32>, vector<16xi32>], vector<16xf32>,
        %mul3A_364 = arith.mulf %gather3A_355, %gather3A_363 : vector<16xf32>
        %add3A_365 = arith.addf %add3A_347, %mul3A_364 : vector<16xf32>
        %scan3A_366 = arith.constant 3 : i32
        %scan3A_367 = arith.addi %scan3A_313, %scan3A_366 : i32
        %broadcast_in_dim3A_368 = vector.broadcast %scan3A_367 : i32 to vector<16xi32>
        %gather3A_369 = arith.constant 0 : i32
        %gather3A_370 = arith.constant 0 : i32
        %gather3A_371 = tpu.memref_slice %arg11[%scan3A_206, %gather3A_369, %gather3A_370] : memref<2x128x128xf32, #tpu.memory_space<vmem>> -> memref<1x128x128xf32, #tpu.memory_space<vmem>>
        %gather3A_372 = tpu.memref_squeeze %gather3A_371 : memref<1x128x128xf32, #tpu.memory_space<vmem>> -> memref<128x128xf32, #tpu.memory_space<vmem>>
        %gather3A_373 = tpu.vector_load_idx %gather3A_372[%add3A_293, %broadcast_in_dim3A_368] : memref<128x128xf32, #tpu.memory_space<vmem>>[vector<16xi32>, vector<16xi32>], vector<16xf32>,
        %add3A_374 = arith.constant 64 : i32
        %add3A_375 = vector.broadcast %add3A_374 : i32 to vector<16xi32>
        %add3A_376 = arith.addi %broadcast_in_dim3A_368, %add3A_375 : vector<16xi32>
        %gather3A_377 = arith.constant 0 : i32
        %gather3A_378 = arith.constant 0 : i32
        %gather3A_379 = tpu.memref_slice %arg12[%scan3A_207, %gather3A_377, %gather3A_378] : memref<2x128x128xf32, #tpu.memory_space<vmem>> -> memref<1x128x128xf32, #tpu.memory_space<vmem>>
        %gather3A_380 = tpu.memref_squeeze %gather3A_379 : memref<1x128x128xf32, #tpu.memory_space<vmem>> -> memref<128x128xf32, #tpu.memory_space<vmem>>
        %gather3A_381 = tpu.vector_load_idx %gather3A_380[%add3A_293, %add3A_376] : memref<128x128xf32, #tpu.memory_space<vmem>>[vector<16xi32>, vector<16xi32>], vector<16xf32>,
        %mul3A_382 = arith.mulf %gather3A_373, %gather3A_381 : vector<16xf32>
        %add3A_383 = arith.addf %add3A_365, %mul3A_382 : vector<16xf32>
        %scan3A_384 = arith.constant 4 : i32
        %scan3A_385 = arith.addi %scan3A_313, %scan3A_384 : i32
        %broadcast_in_dim3A_386 = vector.broadcast %scan3A_385 : i32 to vector<16xi32>
        %gather3A_387 = arith.constant 0 : i32
        %gather3A_388 = arith.constant 0 : i32
        %gather3A_389 = tpu.memref_slice %arg11[%scan3A_206, %gather3A_387, %gather3A_388] : memref<2x128x128xf32, #tpu.memory_space<vmem>> -> memref<1x128x128xf32, #tpu.memory_space<vmem>>
        %gather3A_390 = tpu.memref_squeeze %gather3A_389 : memref<1x128x128xf32, #tpu.memory_space<vmem>> -> memref<128x128xf32, #tpu.memory_space<vmem>>
        %gather3A_391 = tpu.vector_load_idx %gather3A_390[%add3A_293, %broadcast_in_dim3A_386] : memref<128x128xf32, #tpu.memory_space<vmem>>[vector<16xi32>, vector<16xi32>], vector<16xf32>,
        %add3A_392 = arith.constant 64 : i32
        %add3A_393 = vector.broadcast %add3A_392 : i32 to vector<16xi32>
        %add3A_394 = arith.addi %broadcast_in_dim3A_386, %add3A_393 : vector<16xi32>
        %gather3A_395 = arith.constant 0 : i32
        %gather3A_396 = arith.constant 0 : i32
        %gather3A_397 = tpu.memref_slice %arg12[%scan3A_207, %gather3A_395, %gather3A_396] : memref<2x128x128xf32, #tpu.memory_space<vmem>> -> memref<1x128x128xf32, #tpu.memory_space<vmem>>
        %gather3A_398 = tpu.memref_squeeze %gather3A_397 : memref<1x128x128xf32, #tpu.memory_space<vmem>> -> memref<128x128xf32, #tpu.memory_space<vmem>>
        %gather3A_399 = tpu.vector_load_idx %gather3A_398[%add3A_293, %add3A_394] : memref<128x128xf32, #tpu.memory_space<vmem>>[vector<16xi32>, vector<16xi32>], vector<16xf32>,
        %mul3A_400 = arith.mulf %gather3A_391, %gather3A_399 : vector<16xf32>
        %add3A_401 = arith.addf %add3A_383, %mul3A_400 : vector<16xf32>
        %scan3A_402 = arith.constant 5 : i32
        %scan3A_403 = arith.addi %scan3A_313, %scan3A_402 : i32
        %broadcast_in_dim3A_404 = vector.broadcast %scan3A_403 : i32 to vector<16xi32>
        %gather3A_405 = arith.constant 0 : i32
        %gather3A_406 = arith.constant 0 : i32
        %gather3A_407 = tpu.memref_slice %arg11[%scan3A_206, %gather3A_405, %gather3A_406] : memref<2x128x128xf32, #tpu.memory_space<vmem>> -> memref<1x128x128xf32, #tpu.memory_space<vmem>>
        %gather3A_408 = tpu.memref_squeeze %gather3A_407 : memref<1x128x128xf32, #tpu.memory_space<vmem>> -> memref<128x128xf32, #tpu.memory_space<vmem>>
        %gather3A_409 = tpu.vector_load_idx %gather3A_408[%add3A_293, %broadcast_in_dim3A_404] : memref<128x128xf32, #tpu.memory_space<vmem>>[vector<16xi32>, vector<16xi32>], vector<16xf32>,
        %add3A_410 = arith.constant 64 : i32
        %add3A_411 = vector.broadcast %add3A_410 : i32 to vector<16xi32>
        %add3A_412 = arith.addi %broadcast_in_dim3A_404, %add3A_411 : vector<16xi32>
        %gather3A_413 = arith.constant 0 : i32
        %gather3A_414 = arith.constant 0 : i32
        %gather3A_415 = tpu.memref_slice %arg12[%scan3A_207, %gather3A_413, %gather3A_414] : memref<2x128x128xf32, #tpu.memory_space<vmem>> -> memref<1x128x128xf32, #tpu.memory_space<vmem>>
        %gather3A_416 = tpu.memref_squeeze %gather3A_415 : memref<1x128x128xf32, #tpu.memory_space<vmem>> -> memref<128x128xf32, #tpu.memory_space<vmem>>
        %gather3A_417 = tpu.vector_load_idx %gather3A_416[%add3A_293, %add3A_412] : memref<128x128xf32, #tpu.memory_space<vmem>>[vector<16xi32>, vector<16xi32>], vector<16xf32>,
        %mul3A_418 = arith.mulf %gather3A_409, %gather3A_417 : vector<16xf32>
        %add3A_419 = arith.addf %add3A_401, %mul3A_418 : vector<16xf32>
        %scan3A_420 = arith.constant 6 : i32
        %scan3A_421 = arith.addi %scan3A_313, %scan3A_420 : i32
        %broadcast_in_dim3A_422 = vector.broadcast %scan3A_421 : i32 to vector<16xi32>
        %gather3A_423 = arith.constant 0 : i32
        %gather3A_424 = arith.constant 0 : i32
        %gather3A_425 = tpu.memref_slice %arg11[%scan3A_206, %gather3A_423, %gather3A_424] : memref<2x128x128xf32, #tpu.memory_space<vmem>> -> memref<1x128x128xf32, #tpu.memory_space<vmem>>
        %gather3A_426 = tpu.memref_squeeze %gather3A_425 : memref<1x128x128xf32, #tpu.memory_space<vmem>> -> memref<128x128xf32, #tpu.memory_space<vmem>>
        %gather3A_427 = tpu.vector_load_idx %gather3A_426[%add3A_293, %broadcast_in_dim3A_422] : memref<128x128xf32, #tpu.memory_space<vmem>>[vector<16xi32>, vector<16xi32>], vector<16xf32>,
        %add3A_428 = arith.constant 64 : i32
        %add3A_429 = vector.broadcast %add3A_428 : i32 to vector<16xi32>
        %add3A_430 = arith.addi %broadcast_in_dim3A_422, %add3A_429 : vector<16xi32>
        %gather3A_431 = arith.constant 0 : i32
        %gather3A_432 = arith.constant 0 : i32
        %gather3A_433 = tpu.memref_slice %arg12[%scan3A_207, %gather3A_431, %gather3A_432] : memref<2x128x128xf32, #tpu.memory_space<vmem>> -> memref<1x128x128xf32, #tpu.memory_space<vmem>>
        %gather3A_434 = tpu.memref_squeeze %gather3A_433 : memref<1x128x128xf32, #tpu.memory_space<vmem>> -> memref<128x128xf32, #tpu.memory_space<vmem>>
        %gather3A_435 = tpu.vector_load_idx %gather3A_434[%add3A_293, %add3A_430] : memref<128x128xf32, #tpu.memory_space<vmem>>[vector<16xi32>, vector<16xi32>], vector<16xf32>,
        %mul3A_436 = arith.mulf %gather3A_427, %gather3A_435 : vector<16xf32>
        %add3A_437 = arith.addf %add3A_419, %mul3A_436 : vector<16xf32>
        %scan3A_438 = arith.constant 7 : i32
        %scan3A_439 = arith.addi %scan3A_313, %scan3A_438 : i32
        %broadcast_in_dim3A_440 = vector.broadcast %scan3A_439 : i32 to vector<16xi32>
        %gather3A_441 = arith.constant 0 : i32
        %gather3A_442 = arith.constant 0 : i32
        %gather3A_443 = tpu.memref_slice %arg11[%scan3A_206, %gather3A_441, %gather3A_442] : memref<2x128x128xf32, #tpu.memory_space<vmem>> -> memref<1x128x128xf32, #tpu.memory_space<vmem>>
        %gather3A_444 = tpu.memref_squeeze %gather3A_443 : memref<1x128x128xf32, #tpu.memory_space<vmem>> -> memref<128x128xf32, #tpu.memory_space<vmem>>
        %gather3A_445 = tpu.vector_load_idx %gather3A_444[%add3A_293, %broadcast_in_dim3A_440] : memref<128x128xf32, #tpu.memory_space<vmem>>[vector<16xi32>, vector<16xi32>], vector<16xf32>,
        %add3A_446 = arith.constant 64 : i32
        %add3A_447 = vector.broadcast %add3A_446 : i32 to vector<16xi32>
        %add3A_448 = arith.addi %broadcast_in_dim3A_440, %add3A_447 : vector<16xi32>
        %gather3A_449 = arith.constant 0 : i32
        %gather3A_450 = arith.constant 0 : i32
        %gather3A_451 = tpu.memref_slice %arg12[%scan3A_207, %gather3A_449, %gather3A_450] : memref<2x128x128xf32, #tpu.memory_space<vmem>> -> memref<1x128x128xf32, #tpu.memory_space<vmem>>
        %gather3A_452 = tpu.memref_squeeze %gather3A_451 : memref<1x128x128xf32, #tpu.memory_space<vmem>> -> memref<128x128xf32, #tpu.memory_space<vmem>>
        %gather3A_453 = tpu.vector_load_idx %gather3A_452[%add3A_293, %add3A_448] : memref<128x128xf32, #tpu.memory_space<vmem>>[vector<16xi32>, vector<16xi32>], vector<16xf32>,
        %mul3A_454 = arith.mulf %gather3A_445, %gather3A_453 : vector<16xf32>
        %add3A_455 = arith.addf %add3A_437, %mul3A_454 : vector<16xf32>
        %scan3A_456 = arith.constant 8 : i32
        %scan3A_457 = arith.addi %scan3A_313, %scan3A_456 : i32
        %broadcast_in_dim3A_458 = vector.broadcast %scan3A_457 : i32 to vector<16xi32>
        %gather3A_459 = arith.constant 0 : i32
        %gather3A_460 = arith.constant 0 : i32
        %gather3A_461 = tpu.memref_slice %arg11[%scan3A_206, %gather3A_459, %gather3A_460] : memref<2x128x128xf32, #tpu.memory_space<vmem>> -> memref<1x128x128xf32, #tpu.memory_space<vmem>>
        %gather3A_462 = tpu.memref_squeeze %gather3A_461 : memref<1x128x128xf32, #tpu.memory_space<vmem>> -> memref<128x128xf32, #tpu.memory_space<vmem>>
        %gather3A_463 = tpu.vector_load_idx %gather3A_462[%add3A_293, %broadcast_in_dim3A_458] : memref<128x128xf32, #tpu.memory_space<vmem>>[vector<16xi32>, vector<16xi32>], vector<16xf32>,
        %add3A_464 = arith.constant 64 : i32
        %add3A_465 = vector.broadcast %add3A_464 : i32 to vector<16xi32>
        %add3A_466 = arith.addi %broadcast_in_dim3A_458, %add3A_465 : vector<16xi32>
        %gather3A_467 = arith.constant 0 : i32
        %gather3A_468 = arith.constant 0 : i32
        %gather3A_469 = tpu.memref_slice %arg12[%scan3A_207, %gather3A_467, %gather3A_468] : memref<2x128x128xf32, #tpu.memory_space<vmem>> -> memref<1x128x128xf32, #tpu.memory_space<vmem>>
        %gather3A_470 = tpu.memref_squeeze %gather3A_469 : memref<1x128x128xf32, #tpu.memory_space<vmem>> -> memref<128x128xf32, #tpu.memory_space<vmem>>
        %gather3A_471 = tpu.vector_load_idx %gather3A_470[%add3A_293, %add3A_466] : memref<128x128xf32, #tpu.memory_space<vmem>>[vector<16xi32>, vector<16xi32>], vector<16xf32>,
        %mul3A_472 = arith.mulf %gather3A_463, %gather3A_471 : vector<16xf32>
        %add3A_473 = arith.addf %add3A_455, %mul3A_472 : vector<16xf32>
        %scan3A_474 = arith.constant 9 : i32
        %scan3A_475 = arith.addi %scan3A_313, %scan3A_474 : i32
        %broadcast_in_dim3A_476 = vector.broadcast %scan3A_475 : i32 to vector<16xi32>
        %gather3A_477 = arith.constant 0 : i32
        %gather3A_478 = arith.constant 0 : i32
        %gather3A_479 = tpu.memref_slice %arg11[%scan3A_206, %gather3A_477, %gather3A_478] : memref<2x128x128xf32, #tpu.memory_space<vmem>> -> memref<1x128x128xf32, #tpu.memory_space<vmem>>
        %gather3A_480 = tpu.memref_squeeze %gather3A_479 : memref<1x128x128xf32, #tpu.memory_space<vmem>> -> memref<128x128xf32, #tpu.memory_space<vmem>>
        %gather3A_481 = tpu.vector_load_idx %gather3A_480[%add3A_293, %broadcast_in_dim3A_476] : memref<128x128xf32, #tpu.memory_space<vmem>>[vector<16xi32>, vector<16xi32>], vector<16xf32>,
        %add3A_482 = arith.constant 64 : i32
        %add3A_483 = vector.broadcast %add3A_482 : i32 to vector<16xi32>
        %add3A_484 = arith.addi %broadcast_in_dim3A_476, %add3A_483 : vector<16xi32>
        %gather3A_485 = arith.constant 0 : i32
        %gather3A_486 = arith.constant 0 : i32
        %gather3A_487 = tpu.memref_slice %arg12[%scan3A_207, %gather3A_485, %gather3A_486] : memref<2x128x128xf32, #tpu.memory_space<vmem>> -> memref<1x128x128xf32, #tpu.memory_space<vmem>>
        %gather3A_488 = tpu.memref_squeeze %gather3A_487 : memref<1x128x128xf32, #tpu.memory_space<vmem>> -> memref<128x128xf32, #tpu.memory_space<vmem>>
        %gather3A_489 = tpu.vector_load_idx %gather3A_488[%add3A_293, %add3A_484] : memref<128x128xf32, #tpu.memory_space<vmem>>[vector<16xi32>, vector<16xi32>], vector<16xf32>,
        %mul3A_490 = arith.mulf %gather3A_481, %gather3A_489 : vector<16xf32>
        %add3A_491 = arith.addf %add3A_473, %mul3A_490 : vector<16xf32>
        %scan3A_492 = arith.constant 10 : i32
        %scan3A_493 = arith.addi %scan3A_313, %scan3A_492 : i32
        %broadcast_in_dim3A_494 = vector.broadcast %scan3A_493 : i32 to vector<16xi32>
        %gather3A_495 = arith.constant 0 : i32
        %gather3A_496 = arith.constant 0 : i32
        %gather3A_497 = tpu.memref_slice %arg11[%scan3A_206, %gather3A_495, %gather3A_496] : memref<2x128x128xf32, #tpu.memory_space<vmem>> -> memref<1x128x128xf32, #tpu.memory_space<vmem>>
        %gather3A_498 = tpu.memref_squeeze %gather3A_497 : memref<1x128x128xf32, #tpu.memory_space<vmem>> -> memref<128x128xf32, #tpu.memory_space<vmem>>
        %gather3A_499 = tpu.vector_load_idx %gather3A_498[%add3A_293, %broadcast_in_dim3A_494] : memref<128x128xf32, #tpu.memory_space<vmem>>[vector<16xi32>, vector<16xi32>], vector<16xf32>,
        %add3A_500 = arith.constant 64 : i32
        %add3A_501 = vector.broadcast %add3A_500 : i32 to vector<16xi32>
        %add3A_502 = arith.addi %broadcast_in_dim3A_494, %add3A_501 : vector<16xi32>
        %gather3A_503 = arith.constant 0 : i32
        %gather3A_504 = arith.constant 0 : i32
        %gather3A_505 = tpu.memref_slice %arg12[%scan3A_207, %gather3A_503, %gather3A_504] : memref<2x128x128xf32, #tpu.memory_space<vmem>> -> memref<1x128x128xf32, #tpu.memory_space<vmem>>
        %gather3A_506 = tpu.memref_squeeze %gather3A_505 : memref<1x128x128xf32, #tpu.memory_space<vmem>> -> memref<128x128xf32, #tpu.memory_space<vmem>>
        %gather3A_507 = tpu.vector_load_idx %gather3A_506[%add3A_293, %add3A_502] : memref<128x128xf32, #tpu.memory_space<vmem>>[vector<16xi32>, vector<16xi32>], vector<16xf32>,
        %mul3A_508 = arith.mulf %gather3A_499, %gather3A_507 : vector<16xf32>
        %add3A_509 = arith.addf %add3A_491, %mul3A_508 : vector<16xf32>
        %scan3A_510 = arith.constant 11 : i32
        %scan3A_511 = arith.addi %scan3A_313, %scan3A_510 : i32
        %broadcast_in_dim3A_512 = vector.broadcast %scan3A_511 : i32 to vector<16xi32>
        %gather3A_513 = arith.constant 0 : i32
        %gather3A_514 = arith.constant 0 : i32
        %gather3A_515 = tpu.memref_slice %arg11[%scan3A_206, %gather3A_513, %gather3A_514] : memref<2x128x128xf32, #tpu.memory_space<vmem>> -> memref<1x128x128xf32, #tpu.memory_space<vmem>>
        %gather3A_516 = tpu.memref_squeeze %gather3A_515 : memref<1x128x128xf32, #tpu.memory_space<vmem>> -> memref<128x128xf32, #tpu.memory_space<vmem>>
        %gather3A_517 = tpu.vector_load_idx %gather3A_516[%add3A_293, %broadcast_in_dim3A_512] : memref<128x128xf32, #tpu.memory_space<vmem>>[vector<16xi32>, vector<16xi32>], vector<16xf32>,
        %add3A_518 = arith.constant 64 : i32
        %add3A_519 = vector.broadcast %add3A_518 : i32 to vector<16xi32>
        %add3A_520 = arith.addi %broadcast_in_dim3A_512, %add3A_519 : vector<16xi32>
        %gather3A_521 = arith.constant 0 : i32
        %gather3A_522 = arith.constant 0 : i32
        %gather3A_523 = tpu.memref_slice %arg12[%scan3A_207, %gather3A_521, %gather3A_522] : memref<2x128x128xf32, #tpu.memory_space<vmem>> -> memref<1x128x128xf32, #tpu.memory_space<vmem>>
        %gather3A_524 = tpu.memref_squeeze %gather3A_523 : memref<1x128x128xf32, #tpu.memory_space<vmem>> -> memref<128x128xf32, #tpu.memory_space<vmem>>
        %gather3A_525 = tpu.vector_load_idx %gather3A_524[%add3A_293, %add3A_520] : memref<128x128xf32, #tpu.memory_space<vmem>>[vector<16xi32>, vector<16xi32>], vector<16xf32>,
        %mul3A_526 = arith.mulf %gather3A_517, %gather3A_525 : vector<16xf32>
        %add3A_527 = arith.addf %add3A_509, %mul3A_526 : vector<16xf32>
        %scan3A_528 = arith.constant 12 : i32
        %scan3A_529 = arith.addi %scan3A_313, %scan3A_528 : i32
        %broadcast_in_dim3A_530 = vector.broadcast %scan3A_529 : i32 to vector<16xi32>
        %gather3A_531 = arith.constant 0 : i32
        %gather3A_532 = arith.constant 0 : i32
        %gather3A_533 = tpu.memref_slice %arg11[%scan3A_206, %gather3A_531, %gather3A_532] : memref<2x128x128xf32, #tpu.memory_space<vmem>> -> memref<1x128x128xf32, #tpu.memory_space<vmem>>
        %gather3A_534 = tpu.memref_squeeze %gather3A_533 : memref<1x128x128xf32, #tpu.memory_space<vmem>> -> memref<128x128xf32, #tpu.memory_space<vmem>>
        %gather3A_535 = tpu.vector_load_idx %gather3A_534[%add3A_293, %broadcast_in_dim3A_530] : memref<128x128xf32, #tpu.memory_space<vmem>>[vector<16xi32>, vector<16xi32>], vector<16xf32>,
        %add3A_536 = arith.constant 64 : i32
        %add3A_537 = vector.broadcast %add3A_536 : i32 to vector<16xi32>
        %add3A_538 = arith.addi %broadcast_in_dim3A_530, %add3A_537 : vector<16xi32>
        %gather3A_539 = arith.constant 0 : i32
        %gather3A_540 = arith.constant 0 : i32
        %gather3A_541 = tpu.memref_slice %arg12[%scan3A_207, %gather3A_539, %gather3A_540] : memref<2x128x128xf32, #tpu.memory_space<vmem>> -> memref<1x128x128xf32, #tpu.memory_space<vmem>>
        %gather3A_542 = tpu.memref_squeeze %gather3A_541 : memref<1x128x128xf32, #tpu.memory_space<vmem>> -> memref<128x128xf32, #tpu.memory_space<vmem>>
        %gather3A_543 = tpu.vector_load_idx %gather3A_542[%add3A_293, %add3A_538] : memref<128x128xf32, #tpu.memory_space<vmem>>[vector<16xi32>, vector<16xi32>], vector<16xf32>,
        %mul3A_544 = arith.mulf %gather3A_535, %gather3A_543 : vector<16xf32>
        %add3A_545 = arith.addf %add3A_527, %mul3A_544 : vector<16xf32>
        %scan3A_546 = arith.constant 13 : i32
        %scan3A_547 = arith.addi %scan3A_313, %scan3A_546 : i32
        %broadcast_in_dim3A_548 = vector.broadcast %scan3A_547 : i32 to vector<16xi32>
        %gather3A_549 = arith.constant 0 : i32
        %gather3A_550 = arith.constant 0 : i32
        %gather3A_551 = tpu.memref_slice %arg11[%scan3A_206, %gather3A_549, %gather3A_550] : memref<2x128x128xf32, #tpu.memory_space<vmem>> -> memref<1x128x128xf32, #tpu.memory_space<vmem>>
        %gather3A_552 = tpu.memref_squeeze %gather3A_551 : memref<1x128x128xf32, #tpu.memory_space<vmem>> -> memref<128x128xf32, #tpu.memory_space<vmem>>
        %gather3A_553 = tpu.vector_load_idx %gather3A_552[%add3A_293, %broadcast_in_dim3A_548] : memref<128x128xf32, #tpu.memory_space<vmem>>[vector<16xi32>, vector<16xi32>], vector<16xf32>,
        %add3A_554 = arith.constant 64 : i32
        %add3A_555 = vector.broadcast %add3A_554 : i32 to vector<16xi32>
        %add3A_556 = arith.addi %broadcast_in_dim3A_548, %add3A_555 : vector<16xi32>
        %gather3A_557 = arith.constant 0 : i32
        %gather3A_558 = arith.constant 0 : i32
        %gather3A_559 = tpu.memref_slice %arg12[%scan3A_207, %gather3A_557, %gather3A_558] : memref<2x128x128xf32, #tpu.memory_space<vmem>> -> memref<1x128x128xf32, #tpu.memory_space<vmem>>
        %gather3A_560 = tpu.memref_squeeze %gather3A_559 : memref<1x128x128xf32, #tpu.memory_space<vmem>> -> memref<128x128xf32, #tpu.memory_space<vmem>>
        %gather3A_561 = tpu.vector_load_idx %gather3A_560[%add3A_293, %add3A_556] : memref<128x128xf32, #tpu.memory_space<vmem>>[vector<16xi32>, vector<16xi32>], vector<16xf32>,
        %mul3A_562 = arith.mulf %gather3A_553, %gather3A_561 : vector<16xf32>
        %add3A_563 = arith.addf %add3A_545, %mul3A_562 : vector<16xf32>
        %scan3A_564 = arith.constant 14 : i32
        %scan3A_565 = arith.addi %scan3A_313, %scan3A_564 : i32
        %broadcast_in_dim3A_566 = vector.broadcast %scan3A_565 : i32 to vector<16xi32>
        %gather3A_567 = arith.constant 0 : i32
        %gather3A_568 = arith.constant 0 : i32
        %gather3A_569 = tpu.memref_slice %arg11[%scan3A_206, %gather3A_567, %gather3A_568] : memref<2x128x128xf32, #tpu.memory_space<vmem>> -> memref<1x128x128xf32, #tpu.memory_space<vmem>>
        %gather3A_570 = tpu.memref_squeeze %gather3A_569 : memref<1x128x128xf32, #tpu.memory_space<vmem>> -> memref<128x128xf32, #tpu.memory_space<vmem>>
        %gather3A_571 = tpu.vector_load_idx %gather3A_570[%add3A_293, %broadcast_in_dim3A_566] : memref<128x128xf32, #tpu.memory_space<vmem>>[vector<16xi32>, vector<16xi32>], vector<16xf32>,
        %add3A_572 = arith.constant 64 : i32
        %add3A_573 = vector.broadcast %add3A_572 : i32 to vector<16xi32>
        %add3A_574 = arith.addi %broadcast_in_dim3A_566, %add3A_573 : vector<16xi32>
        %gather3A_575 = arith.constant 0 : i32
        %gather3A_576 = arith.constant 0 : i32
        %gather3A_577 = tpu.memref_slice %arg12[%scan3A_207, %gather3A_575, %gather3A_576] : memref<2x128x128xf32, #tpu.memory_space<vmem>> -> memref<1x128x128xf32, #tpu.memory_space<vmem>>
        %gather3A_578 = tpu.memref_squeeze %gather3A_577 : memref<1x128x128xf32, #tpu.memory_space<vmem>> -> memref<128x128xf32, #tpu.memory_space<vmem>>
        %gather3A_579 = tpu.vector_load_idx %gather3A_578[%add3A_293, %add3A_574] : memref<128x128xf32, #tpu.memory_space<vmem>>[vector<16xi32>, vector<16xi32>], vector<16xf32>,
        %mul3A_580 = arith.mulf %gather3A_571, %gather3A_579 : vector<16xf32>
        %add3A_581 = arith.addf %add3A_563, %mul3A_580 : vector<16xf32>
        %scan3A_582 = arith.constant 15 : i32
        %scan3A_583 = arith.addi %scan3A_313, %scan3A_582 : i32
        %broadcast_in_dim3A_584 = vector.broadcast %scan3A_583 : i32 to vector<16xi32>
        %gather3A_585 = arith.constant 0 : i32
        %gather3A_586 = arith.constant 0 : i32
        %gather3A_587 = tpu.memref_slice %arg11[%scan3A_206, %gather3A_585, %gather3A_586] : memref<2x128x128xf32, #tpu.memory_space<vmem>> -> memref<1x128x128xf32, #tpu.memory_space<vmem>>
        %gather3A_588 = tpu.memref_squeeze %gather3A_587 : memref<1x128x128xf32, #tpu.memory_space<vmem>> -> memref<128x128xf32, #tpu.memory_space<vmem>>
        %gather3A_589 = tpu.vector_load_idx %gather3A_588[%add3A_293, %broadcast_in_dim3A_584] : memref<128x128xf32, #tpu.memory_space<vmem>>[vector<16xi32>, vector<16xi32>], vector<16xf32>,
        %add3A_590 = arith.constant 64 : i32
        %add3A_591 = vector.broadcast %add3A_590 : i32 to vector<16xi32>
        %add3A_592 = arith.addi %broadcast_in_dim3A_584, %add3A_591 : vector<16xi32>
        %gather3A_593 = arith.constant 0 : i32
        %gather3A_594 = arith.constant 0 : i32
        %gather3A_595 = tpu.memref_slice %arg12[%scan3A_207, %gather3A_593, %gather3A_594] : memref<2x128x128xf32, #tpu.memory_space<vmem>> -> memref<1x128x128xf32, #tpu.memory_space<vmem>>
        %gather3A_596 = tpu.memref_squeeze %gather3A_595 : memref<1x128x128xf32, #tpu.memory_space<vmem>> -> memref<128x128xf32, #tpu.memory_space<vmem>>
        %gather3A_597 = tpu.vector_load_idx %gather3A_596[%add3A_293, %add3A_592] : memref<128x128xf32, #tpu.memory_space<vmem>>[vector<16xi32>, vector<16xi32>], vector<16xf32>,
        %mul3A_598 = arith.mulf %gather3A_589, %gather3A_597 : vector<16xf32>
        %add3A_599 = arith.addf %add3A_581, %mul3A_598 : vector<16xf32>
        scf.yield %add3A_599 : vector<16xf32>
      }
      %scan3A_300 = arith.constant 64 : i32
      %mul3A_301 = arith.constant 16 : i32
      %mul3A_302 = arith.muli %scan3A_289, %mul3A_301 : i32
      %add3A_303 = arith.constant 256 : i32
      %add3A_304 = arith.addi %add3A_303, %mul3A_302 : i32
      %get3A_305 = arith.index_cast %add3A_304 : i32 to index
      %get3A_306 = tpu.vector_load %arg13[%get3A_305] {strides = array<i32>} : memref<512xf32, #tpu.memory_space<vmem>>, vector<16xf32>,
      %add3A_307 = arith.addf %scan3A_299, %get3A_306 : vector<16xf32>
      %get3A_308 = arith.index_cast %add3A_304 : i32 to index
      %get3A_309 = tpu.vector_load %arg14[%get3A_308] {strides = array<i32>} : memref<512xf32, #tpu.memory_space<vmem>>, vector<16xf32>,
      %add3A_310 = arith.addf %add3A_307, %get3A_309 : vector<16xf32>
      %add3A_311 = arith.addf %add3A_310, %get3A_50 : vector<16xf32>
      %swap3A = arith.index_cast %add3A_304 : i32 to index
      %swap3A_312 = tpu.vector_load %arg15[%swap3A] {strides = array<i32>} : memref<512xf32, #tpu.memory_space<vmem>>, vector<16xf32>,
      tpu.vector_store %arg15[%swap3A], %add3A_311 {strides = array<i32>} : memref<512xf32, #tpu.memory_space<vmem>>, vector<16xf32>,
    }
    %scan3A_212 = arith.constant 8 : i32
    %dma_wait3A_213 = arith.constant 1 : i32
    %dma_wait3A_214 = arith.constant 0 : i32
    %dma_wait3A_215 = arith.constant 0 : i32
    %dma_wait3A_216 = tpu.memref_slice %arg11[%dma_wait3A_213, %dma_wait3A_214, %dma_wait3A_215] : memref<2x128x128xf32, #tpu.memory_space<vmem>> -> memref<1x128x128xf32, #tpu.memory_space<vmem>>
    %dma_wait3A_217 = tpu.memref_squeeze %dma_wait3A_216 : memref<1x128x128xf32, #tpu.memory_space<vmem>> -> memref<128x128xf32, #tpu.memory_space<vmem>>
    %dma_wait3A_218 = arith.constant 384 : i32
    %dma_wait3A_219 = tpu.memref_slice %arg9[%dma_wait3A_218] : memref<512xi32, #tpu.memory_space<vmem>> -> memref<128xi32, #tpu.memory_space<vmem>>
    %dma_wait3A_220 = arith.constant 0 : i32
    %dma_wait3A_221 = arith.constant 0 : i32
    %dma_wait3A_222 = tpu.memref_slice %arg4[%dma_wait3A_220, %dma_wait3A_221] : memref<100000x128xf32, #tpu.memory_space<hbm>> -> memref<100000x128xf32, #tpu.memory_space<hbm>>
    tpu.wait_indirect_dma semaphore(%arg19 : memref<!tpu.dma_semaphore, #tpu.memory_space<semaphore_mem>>) src(%dma_wait3A_222 : memref<100000x128xf32, #tpu.memory_space<hbm>>) dst(%dma_wait3A_217 : memref<128x128xf32, #tpu.memory_space<vmem>>)
    %dma_wait3A_223 = arith.constant 1 : i32
    %dma_wait3A_224 = arith.constant 0 : i32
    %dma_wait3A_225 = arith.constant 0 : i32
    %dma_wait3A_226 = tpu.memref_slice %arg12[%dma_wait3A_223, %dma_wait3A_224, %dma_wait3A_225] : memref<2x128x128xf32, #tpu.memory_space<vmem>> -> memref<1x128x128xf32, #tpu.memory_space<vmem>>
    %dma_wait3A_227 = tpu.memref_squeeze %dma_wait3A_226 : memref<1x128x128xf32, #tpu.memory_space<vmem>> -> memref<128x128xf32, #tpu.memory_space<vmem>>
    %dma_wait3A_228 = arith.constant 384 : i32
    %dma_wait3A_229 = tpu.memref_slice %arg10[%dma_wait3A_228] : memref<512xi32, #tpu.memory_space<vmem>> -> memref<128xi32, #tpu.memory_space<vmem>>
    %dma_wait3A_230 = arith.constant 0 : i32
    %dma_wait3A_231 = arith.constant 0 : i32
    %dma_wait3A_232 = tpu.memref_slice %arg4[%dma_wait3A_230, %dma_wait3A_231] : memref<100000x128xf32, #tpu.memory_space<hbm>> -> memref<100000x128xf32, #tpu.memory_space<hbm>>
    tpu.wait_indirect_dma semaphore(%arg19 : memref<!tpu.dma_semaphore, #tpu.memory_space<semaphore_mem>>) src(%dma_wait3A_232 : memref<100000x128xf32, #tpu.memory_space<hbm>>) dst(%dma_wait3A_227 : memref<128x128xf32, #tpu.memory_space<vmem>>)
    %scan3A_233 = arith.constant 0 : i32
    %scan3A_234 = arith.constant 1 : i32
    %scan3A_235 = arith.constant 1 : i32
    %scan3A_236 = arith.constant 0 : i32
    %scan3A_237 = arith.constant 8 : i32
    %scan3A_238 = arith.addi %scan3A_236, %scan3A_237 : i32
    %scan3A_239 = arith.constant 1 : i32
    scf.for %scan3A_289 = %scan3A_236 to %scan3A_238 step %scan3A_239  : i32 {
      %mul3A_290 = arith.constant 16 : i32
      %mul3A_291 = arith.muli %scan3A_289, %mul3A_290 : i32
      %add3A_292 = vector.broadcast %mul3A_291 : i32 to vector<16xi32>
      %add3A_293 = arith.addi %iota3A, %add3A_292 : vector<16xi32>
      %broadcast_in_dim3A = arith.constant 0.000000e+00 : f32
      %broadcast_in_dim3A_294 = vector.broadcast %broadcast_in_dim3A : f32 to vector<16xf32>
      %scan3A_295 = arith.constant 0 : i32
      %scan3A_296 = arith.constant 64 : i32
      %scan3A_297 = arith.addi %scan3A_295, %scan3A_296 : i32
      %scan3A_298 = arith.constant 16 : i32
      %scan3A_299 = scf.for %scan3A_313 = %scan3A_295 to %scan3A_297 step %scan3A_298 iter_args(%scan3A_314 = %broadcast_in_dim3A_294) -> (vector<16xf32>)  : i32 {
        %broadcast_in_dim3A_315 = vector.broadcast %scan3A_313 : i32 to vector<16xi32>
        %gather3A = arith.constant 0 : i32
        %gather3A_316 = arith.constant 0 : i32
        %gather3A_317 = tpu.memref_slice %arg11[%scan3A_234, %gather3A, %gather3A_316] : memref<2x128x128xf32, #tpu.memory_space<vmem>> -> memref<1x128x128xf32, #tpu.memory_space<vmem>>
        %gather3A_318 = tpu.memref_squeeze %gather3A_317 : memref<1x128x128xf32, #tpu.memory_space<vmem>> -> memref<128x128xf32, #tpu.memory_space<vmem>>
        %gather3A_319 = tpu.vector_load_idx %gather3A_318[%add3A_293, %broadcast_in_dim3A_315] : memref<128x128xf32, #tpu.memory_space<vmem>>[vector<16xi32>, vector<16xi32>], vector<16xf32>,
        %add3A_320 = arith.constant 64 : i32
        %add3A_321 = vector.broadcast %add3A_320 : i32 to vector<16xi32>
        %add3A_322 = arith.addi %broadcast_in_dim3A_315, %add3A_321 : vector<16xi32>
        %gather3A_323 = arith.constant 0 : i32
        %gather3A_324 = arith.constant 0 : i32
        %gather3A_325 = tpu.memref_slice %arg12[%scan3A_235, %gather3A_323, %gather3A_324] : memref<2x128x128xf32, #tpu.memory_space<vmem>> -> memref<1x128x128xf32, #tpu.memory_space<vmem>>
        %gather3A_326 = tpu.memref_squeeze %gather3A_325 : memref<1x128x128xf32, #tpu.memory_space<vmem>> -> memref<128x128xf32, #tpu.memory_space<vmem>>
        %gather3A_327 = tpu.vector_load_idx %gather3A_326[%add3A_293, %add3A_322] : memref<128x128xf32, #tpu.memory_space<vmem>>[vector<16xi32>, vector<16xi32>], vector<16xf32>,
        %mul3A_328 = arith.mulf %gather3A_319, %gather3A_327 : vector<16xf32>
        %add3A_329 = arith.addf %scan3A_314, %mul3A_328 : vector<16xf32>
        %scan3A_330 = arith.constant 1 : i32
        %scan3A_331 = arith.addi %scan3A_313, %scan3A_330 : i32
        %broadcast_in_dim3A_332 = vector.broadcast %scan3A_331 : i32 to vector<16xi32>
        %gather3A_333 = arith.constant 0 : i32
        %gather3A_334 = arith.constant 0 : i32
        %gather3A_335 = tpu.memref_slice %arg11[%scan3A_234, %gather3A_333, %gather3A_334] : memref<2x128x128xf32, #tpu.memory_space<vmem>> -> memref<1x128x128xf32, #tpu.memory_space<vmem>>
        %gather3A_336 = tpu.memref_squeeze %gather3A_335 : memref<1x128x128xf32, #tpu.memory_space<vmem>> -> memref<128x128xf32, #tpu.memory_space<vmem>>
        %gather3A_337 = tpu.vector_load_idx %gather3A_336[%add3A_293, %broadcast_in_dim3A_332] : memref<128x128xf32, #tpu.memory_space<vmem>>[vector<16xi32>, vector<16xi32>], vector<16xf32>,
        %add3A_338 = arith.constant 64 : i32
        %add3A_339 = vector.broadcast %add3A_338 : i32 to vector<16xi32>
        %add3A_340 = arith.addi %broadcast_in_dim3A_332, %add3A_339 : vector<16xi32>
        %gather3A_341 = arith.constant 0 : i32
        %gather3A_342 = arith.constant 0 : i32
        %gather3A_343 = tpu.memref_slice %arg12[%scan3A_235, %gather3A_341, %gather3A_342] : memref<2x128x128xf32, #tpu.memory_space<vmem>> -> memref<1x128x128xf32, #tpu.memory_space<vmem>>
        %gather3A_344 = tpu.memref_squeeze %gather3A_343 : memref<1x128x128xf32, #tpu.memory_space<vmem>> -> memref<128x128xf32, #tpu.memory_space<vmem>>
        %gather3A_345 = tpu.vector_load_idx %gather3A_344[%add3A_293, %add3A_340] : memref<128x128xf32, #tpu.memory_space<vmem>>[vector<16xi32>, vector<16xi32>], vector<16xf32>,
        %mul3A_346 = arith.mulf %gather3A_337, %gather3A_345 : vector<16xf32>
        %add3A_347 = arith.addf %add3A_329, %mul3A_346 : vector<16xf32>
        %scan3A_348 = arith.constant 2 : i32
        %scan3A_349 = arith.addi %scan3A_313, %scan3A_348 : i32
        %broadcast_in_dim3A_350 = vector.broadcast %scan3A_349 : i32 to vector<16xi32>
        %gather3A_351 = arith.constant 0 : i32
        %gather3A_352 = arith.constant 0 : i32
        %gather3A_353 = tpu.memref_slice %arg11[%scan3A_234, %gather3A_351, %gather3A_352] : memref<2x128x128xf32, #tpu.memory_space<vmem>> -> memref<1x128x128xf32, #tpu.memory_space<vmem>>
        %gather3A_354 = tpu.memref_squeeze %gather3A_353 : memref<1x128x128xf32, #tpu.memory_space<vmem>> -> memref<128x128xf32, #tpu.memory_space<vmem>>
        %gather3A_355 = tpu.vector_load_idx %gather3A_354[%add3A_293, %broadcast_in_dim3A_350] : memref<128x128xf32, #tpu.memory_space<vmem>>[vector<16xi32>, vector<16xi32>], vector<16xf32>,
        %add3A_356 = arith.constant 64 : i32
        %add3A_357 = vector.broadcast %add3A_356 : i32 to vector<16xi32>
        %add3A_358 = arith.addi %broadcast_in_dim3A_350, %add3A_357 : vector<16xi32>
        %gather3A_359 = arith.constant 0 : i32
        %gather3A_360 = arith.constant 0 : i32
        %gather3A_361 = tpu.memref_slice %arg12[%scan3A_235, %gather3A_359, %gather3A_360] : memref<2x128x128xf32, #tpu.memory_space<vmem>> -> memref<1x128x128xf32, #tpu.memory_space<vmem>>
        %gather3A_362 = tpu.memref_squeeze %gather3A_361 : memref<1x128x128xf32, #tpu.memory_space<vmem>> -> memref<128x128xf32, #tpu.memory_space<vmem>>
        %gather3A_363 = tpu.vector_load_idx %gather3A_362[%add3A_293, %add3A_358] : memref<128x128xf32, #tpu.memory_space<vmem>>[vector<16xi32>, vector<16xi32>], vector<16xf32>,
        %mul3A_364 = arith.mulf %gather3A_355, %gather3A_363 : vector<16xf32>
        %add3A_365 = arith.addf %add3A_347, %mul3A_364 : vector<16xf32>
        %scan3A_366 = arith.constant 3 : i32
        %scan3A_367 = arith.addi %scan3A_313, %scan3A_366 : i32
        %broadcast_in_dim3A_368 = vector.broadcast %scan3A_367 : i32 to vector<16xi32>
        %gather3A_369 = arith.constant 0 : i32
        %gather3A_370 = arith.constant 0 : i32
        %gather3A_371 = tpu.memref_slice %arg11[%scan3A_234, %gather3A_369, %gather3A_370] : memref<2x128x128xf32, #tpu.memory_space<vmem>> -> memref<1x128x128xf32, #tpu.memory_space<vmem>>
        %gather3A_372 = tpu.memref_squeeze %gather3A_371 : memref<1x128x128xf32, #tpu.memory_space<vmem>> -> memref<128x128xf32, #tpu.memory_space<vmem>>
        %gather3A_373 = tpu.vector_load_idx %gather3A_372[%add3A_293, %broadcast_in_dim3A_368] : memref<128x128xf32, #tpu.memory_space<vmem>>[vector<16xi32>, vector<16xi32>], vector<16xf32>,
        %add3A_374 = arith.constant 64 : i32
        %add3A_375 = vector.broadcast %add3A_374 : i32 to vector<16xi32>
        %add3A_376 = arith.addi %broadcast_in_dim3A_368, %add3A_375 : vector<16xi32>
        %gather3A_377 = arith.constant 0 : i32
        %gather3A_378 = arith.constant 0 : i32
        %gather3A_379 = tpu.memref_slice %arg12[%scan3A_235, %gather3A_377, %gather3A_378] : memref<2x128x128xf32, #tpu.memory_space<vmem>> -> memref<1x128x128xf32, #tpu.memory_space<vmem>>
        %gather3A_380 = tpu.memref_squeeze %gather3A_379 : memref<1x128x128xf32, #tpu.memory_space<vmem>> -> memref<128x128xf32, #tpu.memory_space<vmem>>
        %gather3A_381 = tpu.vector_load_idx %gather3A_380[%add3A_293, %add3A_376] : memref<128x128xf32, #tpu.memory_space<vmem>>[vector<16xi32>, vector<16xi32>], vector<16xf32>,
        %mul3A_382 = arith.mulf %gather3A_373, %gather3A_381 : vector<16xf32>
        %add3A_383 = arith.addf %add3A_365, %mul3A_382 : vector<16xf32>
        %scan3A_384 = arith.constant 4 : i32
        %scan3A_385 = arith.addi %scan3A_313, %scan3A_384 : i32
        %broadcast_in_dim3A_386 = vector.broadcast %scan3A_385 : i32 to vector<16xi32>
        %gather3A_387 = arith.constant 0 : i32
        %gather3A_388 = arith.constant 0 : i32
        %gather3A_389 = tpu.memref_slice %arg11[%scan3A_234, %gather3A_387, %gather3A_388] : memref<2x128x128xf32, #tpu.memory_space<vmem>> -> memref<1x128x128xf32, #tpu.memory_space<vmem>>
        %gather3A_390 = tpu.memref_squeeze %gather3A_389 : memref<1x128x128xf32, #tpu.memory_space<vmem>> -> memref<128x128xf32, #tpu.memory_space<vmem>>
        %gather3A_391 = tpu.vector_load_idx %gather3A_390[%add3A_293, %broadcast_in_dim3A_386] : memref<128x128xf32, #tpu.memory_space<vmem>>[vector<16xi32>, vector<16xi32>], vector<16xf32>,
        %add3A_392 = arith.constant 64 : i32
        %add3A_393 = vector.broadcast %add3A_392 : i32 to vector<16xi32>
        %add3A_394 = arith.addi %broadcast_in_dim3A_386, %add3A_393 : vector<16xi32>
        %gather3A_395 = arith.constant 0 : i32
        %gather3A_396 = arith.constant 0 : i32
        %gather3A_397 = tpu.memref_slice %arg12[%scan3A_235, %gather3A_395, %gather3A_396] : memref<2x128x128xf32, #tpu.memory_space<vmem>> -> memref<1x128x128xf32, #tpu.memory_space<vmem>>
        %gather3A_398 = tpu.memref_squeeze %gather3A_397 : memref<1x128x128xf32, #tpu.memory_space<vmem>> -> memref<128x128xf32, #tpu.memory_space<vmem>>
        %gather3A_399 = tpu.vector_load_idx %gather3A_398[%add3A_293, %add3A_394] : memref<128x128xf32, #tpu.memory_space<vmem>>[vector<16xi32>, vector<16xi32>], vector<16xf32>,
        %mul3A_400 = arith.mulf %gather3A_391, %gather3A_399 : vector<16xf32>
        %add3A_401 = arith.addf %add3A_383, %mul3A_400 : vector<16xf32>
        %scan3A_402 = arith.constant 5 : i32
        %scan3A_403 = arith.addi %scan3A_313, %scan3A_402 : i32
        %broadcast_in_dim3A_404 = vector.broadcast %scan3A_403 : i32 to vector<16xi32>
        %gather3A_405 = arith.constant 0 : i32
        %gather3A_406 = arith.constant 0 : i32
        %gather3A_407 = tpu.memref_slice %arg11[%scan3A_234, %gather3A_405, %gather3A_406] : memref<2x128x128xf32, #tpu.memory_space<vmem>> -> memref<1x128x128xf32, #tpu.memory_space<vmem>>
        %gather3A_408 = tpu.memref_squeeze %gather3A_407 : memref<1x128x128xf32, #tpu.memory_space<vmem>> -> memref<128x128xf32, #tpu.memory_space<vmem>>
        %gather3A_409 = tpu.vector_load_idx %gather3A_408[%add3A_293, %broadcast_in_dim3A_404] : memref<128x128xf32, #tpu.memory_space<vmem>>[vector<16xi32>, vector<16xi32>], vector<16xf32>,
        %add3A_410 = arith.constant 64 : i32
        %add3A_411 = vector.broadcast %add3A_410 : i32 to vector<16xi32>
        %add3A_412 = arith.addi %broadcast_in_dim3A_404, %add3A_411 : vector<16xi32>
        %gather3A_413 = arith.constant 0 : i32
        %gather3A_414 = arith.constant 0 : i32
        %gather3A_415 = tpu.memref_slice %arg12[%scan3A_235, %gather3A_413, %gather3A_414] : memref<2x128x128xf32, #tpu.memory_space<vmem>> -> memref<1x128x128xf32, #tpu.memory_space<vmem>>
        %gather3A_416 = tpu.memref_squeeze %gather3A_415 : memref<1x128x128xf32, #tpu.memory_space<vmem>> -> memref<128x128xf32, #tpu.memory_space<vmem>>
        %gather3A_417 = tpu.vector_load_idx %gather3A_416[%add3A_293, %add3A_412] : memref<128x128xf32, #tpu.memory_space<vmem>>[vector<16xi32>, vector<16xi32>], vector<16xf32>,
        %mul3A_418 = arith.mulf %gather3A_409, %gather3A_417 : vector<16xf32>
        %add3A_419 = arith.addf %add3A_401, %mul3A_418 : vector<16xf32>
        %scan3A_420 = arith.constant 6 : i32
        %scan3A_421 = arith.addi %scan3A_313, %scan3A_420 : i32
        %broadcast_in_dim3A_422 = vector.broadcast %scan3A_421 : i32 to vector<16xi32>
        %gather3A_423 = arith.constant 0 : i32
        %gather3A_424 = arith.constant 0 : i32
        %gather3A_425 = tpu.memref_slice %arg11[%scan3A_234, %gather3A_423, %gather3A_424] : memref<2x128x128xf32, #tpu.memory_space<vmem>> -> memref<1x128x128xf32, #tpu.memory_space<vmem>>
        %gather3A_426 = tpu.memref_squeeze %gather3A_425 : memref<1x128x128xf32, #tpu.memory_space<vmem>> -> memref<128x128xf32, #tpu.memory_space<vmem>>
        %gather3A_427 = tpu.vector_load_idx %gather3A_426[%add3A_293, %broadcast_in_dim3A_422] : memref<128x128xf32, #tpu.memory_space<vmem>>[vector<16xi32>, vector<16xi32>], vector<16xf32>,
        %add3A_428 = arith.constant 64 : i32
        %add3A_429 = vector.broadcast %add3A_428 : i32 to vector<16xi32>
        %add3A_430 = arith.addi %broadcast_in_dim3A_422, %add3A_429 : vector<16xi32>
        %gather3A_431 = arith.constant 0 : i32
        %gather3A_432 = arith.constant 0 : i32
        %gather3A_433 = tpu.memref_slice %arg12[%scan3A_235, %gather3A_431, %gather3A_432] : memref<2x128x128xf32, #tpu.memory_space<vmem>> -> memref<1x128x128xf32, #tpu.memory_space<vmem>>
        %gather3A_434 = tpu.memref_squeeze %gather3A_433 : memref<1x128x128xf32, #tpu.memory_space<vmem>> -> memref<128x128xf32, #tpu.memory_space<vmem>>
        %gather3A_435 = tpu.vector_load_idx %gather3A_434[%add3A_293, %add3A_430] : memref<128x128xf32, #tpu.memory_space<vmem>>[vector<16xi32>, vector<16xi32>], vector<16xf32>,
        %mul3A_436 = arith.mulf %gather3A_427, %gather3A_435 : vector<16xf32>
        %add3A_437 = arith.addf %add3A_419, %mul3A_436 : vector<16xf32>
        %scan3A_438 = arith.constant 7 : i32
        %scan3A_439 = arith.addi %scan3A_313, %scan3A_438 : i32
        %broadcast_in_dim3A_440 = vector.broadcast %scan3A_439 : i32 to vector<16xi32>
        %gather3A_441 = arith.constant 0 : i32
        %gather3A_442 = arith.constant 0 : i32
        %gather3A_443 = tpu.memref_slice %arg11[%scan3A_234, %gather3A_441, %gather3A_442] : memref<2x128x128xf32, #tpu.memory_space<vmem>> -> memref<1x128x128xf32, #tpu.memory_space<vmem>>
        %gather3A_444 = tpu.memref_squeeze %gather3A_443 : memref<1x128x128xf32, #tpu.memory_space<vmem>> -> memref<128x128xf32, #tpu.memory_space<vmem>>
        %gather3A_445 = tpu.vector_load_idx %gather3A_444[%add3A_293, %broadcast_in_dim3A_440] : memref<128x128xf32, #tpu.memory_space<vmem>>[vector<16xi32>, vector<16xi32>], vector<16xf32>,
        %add3A_446 = arith.constant 64 : i32
        %add3A_447 = vector.broadcast %add3A_446 : i32 to vector<16xi32>
        %add3A_448 = arith.addi %broadcast_in_dim3A_440, %add3A_447 : vector<16xi32>
        %gather3A_449 = arith.constant 0 : i32
        %gather3A_450 = arith.constant 0 : i32
        %gather3A_451 = tpu.memref_slice %arg12[%scan3A_235, %gather3A_449, %gather3A_450] : memref<2x128x128xf32, #tpu.memory_space<vmem>> -> memref<1x128x128xf32, #tpu.memory_space<vmem>>
        %gather3A_452 = tpu.memref_squeeze %gather3A_451 : memref<1x128x128xf32, #tpu.memory_space<vmem>> -> memref<128x128xf32, #tpu.memory_space<vmem>>
        %gather3A_453 = tpu.vector_load_idx %gather3A_452[%add3A_293, %add3A_448] : memref<128x128xf32, #tpu.memory_space<vmem>>[vector<16xi32>, vector<16xi32>], vector<16xf32>,
        %mul3A_454 = arith.mulf %gather3A_445, %gather3A_453 : vector<16xf32>
        %add3A_455 = arith.addf %add3A_437, %mul3A_454 : vector<16xf32>
        %scan3A_456 = arith.constant 8 : i32
        %scan3A_457 = arith.addi %scan3A_313, %scan3A_456 : i32
        %broadcast_in_dim3A_458 = vector.broadcast %scan3A_457 : i32 to vector<16xi32>
        %gather3A_459 = arith.constant 0 : i32
        %gather3A_460 = arith.constant 0 : i32
        %gather3A_461 = tpu.memref_slice %arg11[%scan3A_234, %gather3A_459, %gather3A_460] : memref<2x128x128xf32, #tpu.memory_space<vmem>> -> memref<1x128x128xf32, #tpu.memory_space<vmem>>
        %gather3A_462 = tpu.memref_squeeze %gather3A_461 : memref<1x128x128xf32, #tpu.memory_space<vmem>> -> memref<128x128xf32, #tpu.memory_space<vmem>>
        %gather3A_463 = tpu.vector_load_idx %gather3A_462[%add3A_293, %broadcast_in_dim3A_458] : memref<128x128xf32, #tpu.memory_space<vmem>>[vector<16xi32>, vector<16xi32>], vector<16xf32>,
        %add3A_464 = arith.constant 64 : i32
        %add3A_465 = vector.broadcast %add3A_464 : i32 to vector<16xi32>
        %add3A_466 = arith.addi %broadcast_in_dim3A_458, %add3A_465 : vector<16xi32>
        %gather3A_467 = arith.constant 0 : i32
        %gather3A_468 = arith.constant 0 : i32
        %gather3A_469 = tpu.memref_slice %arg12[%scan3A_235, %gather3A_467, %gather3A_468] : memref<2x128x128xf32, #tpu.memory_space<vmem>> -> memref<1x128x128xf32, #tpu.memory_space<vmem>>
        %gather3A_470 = tpu.memref_squeeze %gather3A_469 : memref<1x128x128xf32, #tpu.memory_space<vmem>> -> memref<128x128xf32, #tpu.memory_space<vmem>>
        %gather3A_471 = tpu.vector_load_idx %gather3A_470[%add3A_293, %add3A_466] : memref<128x128xf32, #tpu.memory_space<vmem>>[vector<16xi32>, vector<16xi32>], vector<16xf32>,
        %mul3A_472 = arith.mulf %gather3A_463, %gather3A_471 : vector<16xf32>
        %add3A_473 = arith.addf %add3A_455, %mul3A_472 : vector<16xf32>
        %scan3A_474 = arith.constant 9 : i32
        %scan3A_475 = arith.addi %scan3A_313, %scan3A_474 : i32
        %broadcast_in_dim3A_476 = vector.broadcast %scan3A_475 : i32 to vector<16xi32>
        %gather3A_477 = arith.constant 0 : i32
        %gather3A_478 = arith.constant 0 : i32
        %gather3A_479 = tpu.memref_slice %arg11[%scan3A_234, %gather3A_477, %gather3A_478] : memref<2x128x128xf32, #tpu.memory_space<vmem>> -> memref<1x128x128xf32, #tpu.memory_space<vmem>>
        %gather3A_480 = tpu.memref_squeeze %gather3A_479 : memref<1x128x128xf32, #tpu.memory_space<vmem>> -> memref<128x128xf32, #tpu.memory_space<vmem>>
        %gather3A_481 = tpu.vector_load_idx %gather3A_480[%add3A_293, %broadcast_in_dim3A_476] : memref<128x128xf32, #tpu.memory_space<vmem>>[vector<16xi32>, vector<16xi32>], vector<16xf32>,
        %add3A_482 = arith.constant 64 : i32
        %add3A_483 = vector.broadcast %add3A_482 : i32 to vector<16xi32>
        %add3A_484 = arith.addi %broadcast_in_dim3A_476, %add3A_483 : vector<16xi32>
        %gather3A_485 = arith.constant 0 : i32
        %gather3A_486 = arith.constant 0 : i32
        %gather3A_487 = tpu.memref_slice %arg12[%scan3A_235, %gather3A_485, %gather3A_486] : memref<2x128x128xf32, #tpu.memory_space<vmem>> -> memref<1x128x128xf32, #tpu.memory_space<vmem>>
        %gather3A_488 = tpu.memref_squeeze %gather3A_487 : memref<1x128x128xf32, #tpu.memory_space<vmem>> -> memref<128x128xf32, #tpu.memory_space<vmem>>
        %gather3A_489 = tpu.vector_load_idx %gather3A_488[%add3A_293, %add3A_484] : memref<128x128xf32, #tpu.memory_space<vmem>>[vector<16xi32>, vector<16xi32>], vector<16xf32>,
        %mul3A_490 = arith.mulf %gather3A_481, %gather3A_489 : vector<16xf32>
        %add3A_491 = arith.addf %add3A_473, %mul3A_490 : vector<16xf32>
        %scan3A_492 = arith.constant 10 : i32
        %scan3A_493 = arith.addi %scan3A_313, %scan3A_492 : i32
        %broadcast_in_dim3A_494 = vector.broadcast %scan3A_493 : i32 to vector<16xi32>
        %gather3A_495 = arith.constant 0 : i32
        %gather3A_496 = arith.constant 0 : i32
        %gather3A_497 = tpu.memref_slice %arg11[%scan3A_234, %gather3A_495, %gather3A_496] : memref<2x128x128xf32, #tpu.memory_space<vmem>> -> memref<1x128x128xf32, #tpu.memory_space<vmem>>
        %gather3A_498 = tpu.memref_squeeze %gather3A_497 : memref<1x128x128xf32, #tpu.memory_space<vmem>> -> memref<128x128xf32, #tpu.memory_space<vmem>>
        %gather3A_499 = tpu.vector_load_idx %gather3A_498[%add3A_293, %broadcast_in_dim3A_494] : memref<128x128xf32, #tpu.memory_space<vmem>>[vector<16xi32>, vector<16xi32>], vector<16xf32>,
        %add3A_500 = arith.constant 64 : i32
        %add3A_501 = vector.broadcast %add3A_500 : i32 to vector<16xi32>
        %add3A_502 = arith.addi %broadcast_in_dim3A_494, %add3A_501 : vector<16xi32>
        %gather3A_503 = arith.constant 0 : i32
        %gather3A_504 = arith.constant 0 : i32
        %gather3A_505 = tpu.memref_slice %arg12[%scan3A_235, %gather3A_503, %gather3A_504] : memref<2x128x128xf32, #tpu.memory_space<vmem>> -> memref<1x128x128xf32, #tpu.memory_space<vmem>>
        %gather3A_506 = tpu.memref_squeeze %gather3A_505 : memref<1x128x128xf32, #tpu.memory_space<vmem>> -> memref<128x128xf32, #tpu.memory_space<vmem>>
        %gather3A_507 = tpu.vector_load_idx %gather3A_506[%add3A_293, %add3A_502] : memref<128x128xf32, #tpu.memory_space<vmem>>[vector<16xi32>, vector<16xi32>], vector<16xf32>,
        %mul3A_508 = arith.mulf %gather3A_499, %gather3A_507 : vector<16xf32>
        %add3A_509 = arith.addf %add3A_491, %mul3A_508 : vector<16xf32>
        %scan3A_510 = arith.constant 11 : i32
        %scan3A_511 = arith.addi %scan3A_313, %scan3A_510 : i32
        %broadcast_in_dim3A_512 = vector.broadcast %scan3A_511 : i32 to vector<16xi32>
        %gather3A_513 = arith.constant 0 : i32
        %gather3A_514 = arith.constant 0 : i32
        %gather3A_515 = tpu.memref_slice %arg11[%scan3A_234, %gather3A_513, %gather3A_514] : memref<2x128x128xf32, #tpu.memory_space<vmem>> -> memref<1x128x128xf32, #tpu.memory_space<vmem>>
        %gather3A_516 = tpu.memref_squeeze %gather3A_515 : memref<1x128x128xf32, #tpu.memory_space<vmem>> -> memref<128x128xf32, #tpu.memory_space<vmem>>
        %gather3A_517 = tpu.vector_load_idx %gather3A_516[%add3A_293, %broadcast_in_dim3A_512] : memref<128x128xf32, #tpu.memory_space<vmem>>[vector<16xi32>, vector<16xi32>], vector<16xf32>,
        %add3A_518 = arith.constant 64 : i32
        %add3A_519 = vector.broadcast %add3A_518 : i32 to vector<16xi32>
        %add3A_520 = arith.addi %broadcast_in_dim3A_512, %add3A_519 : vector<16xi32>
        %gather3A_521 = arith.constant 0 : i32
        %gather3A_522 = arith.constant 0 : i32
        %gather3A_523 = tpu.memref_slice %arg12[%scan3A_235, %gather3A_521, %gather3A_522] : memref<2x128x128xf32, #tpu.memory_space<vmem>> -> memref<1x128x128xf32, #tpu.memory_space<vmem>>
        %gather3A_524 = tpu.memref_squeeze %gather3A_523 : memref<1x128x128xf32, #tpu.memory_space<vmem>> -> memref<128x128xf32, #tpu.memory_space<vmem>>
        %gather3A_525 = tpu.vector_load_idx %gather3A_524[%add3A_293, %add3A_520] : memref<128x128xf32, #tpu.memory_space<vmem>>[vector<16xi32>, vector<16xi32>], vector<16xf32>,
        %mul3A_526 = arith.mulf %gather3A_517, %gather3A_525 : vector<16xf32>
        %add3A_527 = arith.addf %add3A_509, %mul3A_526 : vector<16xf32>
        %scan3A_528 = arith.constant 12 : i32
        %scan3A_529 = arith.addi %scan3A_313, %scan3A_528 : i32
        %broadcast_in_dim3A_530 = vector.broadcast %scan3A_529 : i32 to vector<16xi32>
        %gather3A_531 = arith.constant 0 : i32
        %gather3A_532 = arith.constant 0 : i32
        %gather3A_533 = tpu.memref_slice %arg11[%scan3A_234, %gather3A_531, %gather3A_532] : memref<2x128x128xf32, #tpu.memory_space<vmem>> -> memref<1x128x128xf32, #tpu.memory_space<vmem>>
        %gather3A_534 = tpu.memref_squeeze %gather3A_533 : memref<1x128x128xf32, #tpu.memory_space<vmem>> -> memref<128x128xf32, #tpu.memory_space<vmem>>
        %gather3A_535 = tpu.vector_load_idx %gather3A_534[%add3A_293, %broadcast_in_dim3A_530] : memref<128x128xf32, #tpu.memory_space<vmem>>[vector<16xi32>, vector<16xi32>], vector<16xf32>,
        %add3A_536 = arith.constant 64 : i32
        %add3A_537 = vector.broadcast %add3A_536 : i32 to vector<16xi32>
        %add3A_538 = arith.addi %broadcast_in_dim3A_530, %add3A_537 : vector<16xi32>
        %gather3A_539 = arith.constant 0 : i32
        %gather3A_540 = arith.constant 0 : i32
        %gather3A_541 = tpu.memref_slice %arg12[%scan3A_235, %gather3A_539, %gather3A_540] : memref<2x128x128xf32, #tpu.memory_space<vmem>> -> memref<1x128x128xf32, #tpu.memory_space<vmem>>
        %gather3A_542 = tpu.memref_squeeze %gather3A_541 : memref<1x128x128xf32, #tpu.memory_space<vmem>> -> memref<128x128xf32, #tpu.memory_space<vmem>>
        %gather3A_543 = tpu.vector_load_idx %gather3A_542[%add3A_293, %add3A_538] : memref<128x128xf32, #tpu.memory_space<vmem>>[vector<16xi32>, vector<16xi32>], vector<16xf32>,
        %mul3A_544 = arith.mulf %gather3A_535, %gather3A_543 : vector<16xf32>
        %add3A_545 = arith.addf %add3A_527, %mul3A_544 : vector<16xf32>
        %scan3A_546 = arith.constant 13 : i32
        %scan3A_547 = arith.addi %scan3A_313, %scan3A_546 : i32
        %broadcast_in_dim3A_548 = vector.broadcast %scan3A_547 : i32 to vector<16xi32>
        %gather3A_549 = arith.constant 0 : i32
        %gather3A_550 = arith.constant 0 : i32
        %gather3A_551 = tpu.memref_slice %arg11[%scan3A_234, %gather3A_549, %gather3A_550] : memref<2x128x128xf32, #tpu.memory_space<vmem>> -> memref<1x128x128xf32, #tpu.memory_space<vmem>>
        %gather3A_552 = tpu.memref_squeeze %gather3A_551 : memref<1x128x128xf32, #tpu.memory_space<vmem>> -> memref<128x128xf32, #tpu.memory_space<vmem>>
        %gather3A_553 = tpu.vector_load_idx %gather3A_552[%add3A_293, %broadcast_in_dim3A_548] : memref<128x128xf32, #tpu.memory_space<vmem>>[vector<16xi32>, vector<16xi32>], vector<16xf32>,
        %add3A_554 = arith.constant 64 : i32
        %add3A_555 = vector.broadcast %add3A_554 : i32 to vector<16xi32>
        %add3A_556 = arith.addi %broadcast_in_dim3A_548, %add3A_555 : vector<16xi32>
        %gather3A_557 = arith.constant 0 : i32
        %gather3A_558 = arith.constant 0 : i32
        %gather3A_559 = tpu.memref_slice %arg12[%scan3A_235, %gather3A_557, %gather3A_558] : memref<2x128x128xf32, #tpu.memory_space<vmem>> -> memref<1x128x128xf32, #tpu.memory_space<vmem>>
        %gather3A_560 = tpu.memref_squeeze %gather3A_559 : memref<1x128x128xf32, #tpu.memory_space<vmem>> -> memref<128x128xf32, #tpu.memory_space<vmem>>
        %gather3A_561 = tpu.vector_load_idx %gather3A_560[%add3A_293, %add3A_556] : memref<128x128xf32, #tpu.memory_space<vmem>>[vector<16xi32>, vector<16xi32>], vector<16xf32>,
        %mul3A_562 = arith.mulf %gather3A_553, %gather3A_561 : vector<16xf32>
        %add3A_563 = arith.addf %add3A_545, %mul3A_562 : vector<16xf32>
        %scan3A_564 = arith.constant 14 : i32
        %scan3A_565 = arith.addi %scan3A_313, %scan3A_564 : i32
        %broadcast_in_dim3A_566 = vector.broadcast %scan3A_565 : i32 to vector<16xi32>
        %gather3A_567 = arith.constant 0 : i32
        %gather3A_568 = arith.constant 0 : i32
        %gather3A_569 = tpu.memref_slice %arg11[%scan3A_234, %gather3A_567, %gather3A_568] : memref<2x128x128xf32, #tpu.memory_space<vmem>> -> memref<1x128x128xf32, #tpu.memory_space<vmem>>
        %gather3A_570 = tpu.memref_squeeze %gather3A_569 : memref<1x128x128xf32, #tpu.memory_space<vmem>> -> memref<128x128xf32, #tpu.memory_space<vmem>>
        %gather3A_571 = tpu.vector_load_idx %gather3A_570[%add3A_293, %broadcast_in_dim3A_566] : memref<128x128xf32, #tpu.memory_space<vmem>>[vector<16xi32>, vector<16xi32>], vector<16xf32>,
        %add3A_572 = arith.constant 64 : i32
        %add3A_573 = vector.broadcast %add3A_572 : i32 to vector<16xi32>
        %add3A_574 = arith.addi %broadcast_in_dim3A_566, %add3A_573 : vector<16xi32>
        %gather3A_575 = arith.constant 0 : i32
        %gather3A_576 = arith.constant 0 : i32
        %gather3A_577 = tpu.memref_slice %arg12[%scan3A_235, %gather3A_575, %gather3A_576] : memref<2x128x128xf32, #tpu.memory_space<vmem>> -> memref<1x128x128xf32, #tpu.memory_space<vmem>>
        %gather3A_578 = tpu.memref_squeeze %gather3A_577 : memref<1x128x128xf32, #tpu.memory_space<vmem>> -> memref<128x128xf32, #tpu.memory_space<vmem>>
        %gather3A_579 = tpu.vector_load_idx %gather3A_578[%add3A_293, %add3A_574] : memref<128x128xf32, #tpu.memory_space<vmem>>[vector<16xi32>, vector<16xi32>], vector<16xf32>,
        %mul3A_580 = arith.mulf %gather3A_571, %gather3A_579 : vector<16xf32>
        %add3A_581 = arith.addf %add3A_563, %mul3A_580 : vector<16xf32>
        %scan3A_582 = arith.constant 15 : i32
        %scan3A_583 = arith.addi %scan3A_313, %scan3A_582 : i32
        %broadcast_in_dim3A_584 = vector.broadcast %scan3A_583 : i32 to vector<16xi32>
        %gather3A_585 = arith.constant 0 : i32
        %gather3A_586 = arith.constant 0 : i32
        %gather3A_587 = tpu.memref_slice %arg11[%scan3A_234, %gather3A_585, %gather3A_586] : memref<2x128x128xf32, #tpu.memory_space<vmem>> -> memref<1x128x128xf32, #tpu.memory_space<vmem>>
        %gather3A_588 = tpu.memref_squeeze %gather3A_587 : memref<1x128x128xf32, #tpu.memory_space<vmem>> -> memref<128x128xf32, #tpu.memory_space<vmem>>
        %gather3A_589 = tpu.vector_load_idx %gather3A_588[%add3A_293, %broadcast_in_dim3A_584] : memref<128x128xf32, #tpu.memory_space<vmem>>[vector<16xi32>, vector<16xi32>], vector<16xf32>,
        %add3A_590 = arith.constant 64 : i32
        %add3A_591 = vector.broadcast %add3A_590 : i32 to vector<16xi32>
        %add3A_592 = arith.addi %broadcast_in_dim3A_584, %add3A_591 : vector<16xi32>
        %gather3A_593 = arith.constant 0 : i32
        %gather3A_594 = arith.constant 0 : i32
        %gather3A_595 = tpu.memref_slice %arg12[%scan3A_235, %gather3A_593, %gather3A_594] : memref<2x128x128xf32, #tpu.memory_space<vmem>> -> memref<1x128x128xf32, #tpu.memory_space<vmem>>
        %gather3A_596 = tpu.memref_squeeze %gather3A_595 : memref<1x128x128xf32, #tpu.memory_space<vmem>> -> memref<128x128xf32, #tpu.memory_space<vmem>>
        %gather3A_597 = tpu.vector_load_idx %gather3A_596[%add3A_293, %add3A_592] : memref<128x128xf32, #tpu.memory_space<vmem>>[vector<16xi32>, vector<16xi32>], vector<16xf32>,
        %mul3A_598 = arith.mulf %gather3A_589, %gather3A_597 : vector<16xf32>
        %add3A_599 = arith.addf %add3A_581, %mul3A_598 : vector<16xf32>
        scf.yield %add3A_599 : vector<16xf32>
      }
      %scan3A_300 = arith.constant 64 : i32
      %mul3A_301 = arith.constant 16 : i32
      %mul3A_302 = arith.muli %scan3A_289, %mul3A_301 : i32
      %add3A_303 = arith.constant 384 : i32
      %add3A_304 = arith.addi %add3A_303, %mul3A_302 : i32
      %get3A_305 = arith.index_cast %add3A_304 : i32 to index
      %get3A_306 = tpu.vector_load %arg13[%get3A_305] {strides = array<i32>} : memref<512xf32, #tpu.memory_space<vmem>>, vector<16xf32>,
      %add3A_307 = arith.addf %scan3A_299, %get3A_306 : vector<16xf32>
      %get3A_308 = arith.index_cast %add3A_304 : i32 to index
      %get3A_309 = tpu.vector_load %arg14[%get3A_308] {strides = array<i32>} : memref<512xf32, #tpu.memory_space<vmem>>, vector<16xf32>,
      %add3A_310 = arith.addf %add3A_307, %get3A_309 : vector<16xf32>
      %add3A_311 = arith.addf %add3A_310, %get3A_50 : vector<16xf32>
      %swap3A = arith.index_cast %add3A_304 : i32 to index
      %swap3A_312 = tpu.vector_load %arg15[%swap3A] {strides = array<i32>} : memref<512xf32, #tpu.memory_space<vmem>>, vector<16xf32>,
      tpu.vector_store %arg15[%swap3A], %add3A_311 {strides = array<i32>} : memref<512xf32, #tpu.memory_space<vmem>>, vector<16xf32>,
    }
    %scan3A_240 = arith.constant 8 : i32
    %dma_wait3A_241 = arith.constant 0 : i32
    %dma_wait3A_242 = tpu.memref_slice %arg13[%dma_wait3A_241] : memref<512xf32, #tpu.memory_space<vmem>> -> memref<128xf32, #tpu.memory_space<vmem>>
    %dma_wait3A_243 = arith.constant 0 : i32
    %dma_wait3A_244 = tpu.memref_slice %arg9[%dma_wait3A_243] : memref<512xi32, #tpu.memory_space<vmem>> -> memref<128xi32, #tpu.memory_space<vmem>>
    %dma_wait3A_245 = arith.constant 0 : i32
    %dma_wait3A_246 = tpu.memref_slice %arg5[%dma_wait3A_245] : memref<100000xf32, #tpu.memory_space<hbm>> -> memref<100000xf32, #tpu.memory_space<hbm>>
    tpu.wait_indirect_dma semaphore(%arg17 : memref<!tpu.dma_semaphore, #tpu.memory_space<semaphore_mem>>) src(%dma_wait3A_246 : memref<100000xf32, #tpu.memory_space<hbm>>) dst(%dma_wait3A_242 : memref<128xf32, #tpu.memory_space<vmem>>)
    %dma_wait3A_247 = arith.constant 0 : i32
    %dma_wait3A_248 = tpu.memref_slice %arg14[%dma_wait3A_247] : memref<512xf32, #tpu.memory_space<vmem>> -> memref<128xf32, #tpu.memory_space<vmem>>
    %dma_wait3A_249 = arith.constant 0 : i32
    %dma_wait3A_250 = tpu.memref_slice %arg10[%dma_wait3A_249] : memref<512xi32, #tpu.memory_space<vmem>> -> memref<128xi32, #tpu.memory_space<vmem>>
    %dma_wait3A_251 = arith.constant 0 : i32
    %dma_wait3A_252 = tpu.memref_slice %arg6[%dma_wait3A_251] : memref<100000xf32, #tpu.memory_space<hbm>> -> memref<100000xf32, #tpu.memory_space<hbm>>
    tpu.wait_indirect_dma semaphore(%arg17 : memref<!tpu.dma_semaphore, #tpu.memory_space<semaphore_mem>>) src(%dma_wait3A_252 : memref<100000xf32, #tpu.memory_space<hbm>>) dst(%dma_wait3A_248 : memref<128xf32, #tpu.memory_space<vmem>>)
    %dma_wait3A_253 = arith.constant 128 : i32
    %dma_wait3A_254 = tpu.memref_slice %arg13[%dma_wait3A_253] : memref<512xf32, #tpu.memory_space<vmem>> -> memref<128xf32, #tpu.memory_space<vmem>>
    %dma_wait3A_255 = arith.constant 128 : i32
    %dma_wait3A_256 = tpu.memref_slice %arg9[%dma_wait3A_255] : memref<512xi32, #tpu.memory_space<vmem>> -> memref<128xi32, #tpu.memory_space<vmem>>
    %dma_wait3A_257 = arith.constant 0 : i32
    %dma_wait3A_258 = tpu.memref_slice %arg5[%dma_wait3A_257] : memref<100000xf32, #tpu.memory_space<hbm>> -> memref<100000xf32, #tpu.memory_space<hbm>>
    tpu.wait_indirect_dma semaphore(%arg17 : memref<!tpu.dma_semaphore, #tpu.memory_space<semaphore_mem>>) src(%dma_wait3A_258 : memref<100000xf32, #tpu.memory_space<hbm>>) dst(%dma_wait3A_254 : memref<128xf32, #tpu.memory_space<vmem>>)
    %dma_wait3A_259 = arith.constant 128 : i32
    %dma_wait3A_260 = tpu.memref_slice %arg14[%dma_wait3A_259] : memref<512xf32, #tpu.memory_space<vmem>> -> memref<128xf32, #tpu.memory_space<vmem>>
    %dma_wait3A_261 = arith.constant 128 : i32
    %dma_wait3A_262 = tpu.memref_slice %arg10[%dma_wait3A_261] : memref<512xi32, #tpu.memory_space<vmem>> -> memref<128xi32, #tpu.memory_space<vmem>>
    %dma_wait3A_263 = arith.constant 0 : i32
    %dma_wait3A_264 = tpu.memref_slice %arg6[%dma_wait3A_263] : memref<100000xf32, #tpu.memory_space<hbm>> -> memref<100000xf32, #tpu.memory_space<hbm>>
    tpu.wait_indirect_dma semaphore(%arg17 : memref<!tpu.dma_semaphore, #tpu.memory_space<semaphore_mem>>) src(%dma_wait3A_264 : memref<100000xf32, #tpu.memory_space<hbm>>) dst(%dma_wait3A_260 : memref<128xf32, #tpu.memory_space<vmem>>)
    %dma_wait3A_265 = arith.constant 256 : i32
    %dma_wait3A_266 = tpu.memref_slice %arg13[%dma_wait3A_265] : memref<512xf32, #tpu.memory_space<vmem>> -> memref<128xf32, #tpu.memory_space<vmem>>
    %dma_wait3A_267 = arith.constant 256 : i32
    %dma_wait3A_268 = tpu.memref_slice %arg9[%dma_wait3A_267] : memref<512xi32, #tpu.memory_space<vmem>> -> memref<128xi32, #tpu.memory_space<vmem>>
    %dma_wait3A_269 = arith.constant 0 : i32
    %dma_wait3A_270 = tpu.memref_slice %arg5[%dma_wait3A_269] : memref<100000xf32, #tpu.memory_space<hbm>> -> memref<100000xf32, #tpu.memory_space<hbm>>
    tpu.wait_indirect_dma semaphore(%arg17 : memref<!tpu.dma_semaphore, #tpu.memory_space<semaphore_mem>>) src(%dma_wait3A_270 : memref<100000xf32, #tpu.memory_space<hbm>>) dst(%dma_wait3A_266 : memref<128xf32, #tpu.memory_space<vmem>>)
    %dma_wait3A_271 = arith.constant 256 : i32
    %dma_wait3A_272 = tpu.memref_slice %arg14[%dma_wait3A_271] : memref<512xf32, #tpu.memory_space<vmem>> -> memref<128xf32, #tpu.memory_space<vmem>>
    %dma_wait3A_273 = arith.constant 256 : i32
    %dma_wait3A_274 = tpu.memref_slice %arg10[%dma_wait3A_273] : memref<512xi32, #tpu.memory_space<vmem>> -> memref<128xi32, #tpu.memory_space<vmem>>
    %dma_wait3A_275 = arith.constant 0 : i32
    %dma_wait3A_276 = tpu.memref_slice %arg6[%dma_wait3A_275] : memref<100000xf32, #tpu.memory_space<hbm>> -> memref<100000xf32, #tpu.memory_space<hbm>>
    tpu.wait_indirect_dma semaphore(%arg17 : memref<!tpu.dma_semaphore, #tpu.memory_space<semaphore_mem>>) src(%dma_wait3A_276 : memref<100000xf32, #tpu.memory_space<hbm>>) dst(%dma_wait3A_272 : memref<128xf32, #tpu.memory_space<vmem>>)
    %dma_wait3A_277 = arith.constant 384 : i32
    %dma_wait3A_278 = tpu.memref_slice %arg13[%dma_wait3A_277] : memref<512xf32, #tpu.memory_space<vmem>> -> memref<128xf32, #tpu.memory_space<vmem>>
    %dma_wait3A_279 = arith.constant 384 : i32
    %dma_wait3A_280 = tpu.memref_slice %arg9[%dma_wait3A_279] : memref<512xi32, #tpu.memory_space<vmem>> -> memref<128xi32, #tpu.memory_space<vmem>>
    %dma_wait3A_281 = arith.constant 0 : i32
    %dma_wait3A_282 = tpu.memref_slice %arg5[%dma_wait3A_281] : memref<100000xf32, #tpu.memory_space<hbm>> -> memref<100000xf32, #tpu.memory_space<hbm>>
    tpu.wait_indirect_dma semaphore(%arg17 : memref<!tpu.dma_semaphore, #tpu.memory_space<semaphore_mem>>) src(%dma_wait3A_282 : memref<100000xf32, #tpu.memory_space<hbm>>) dst(%dma_wait3A_278 : memref<128xf32, #tpu.memory_space<vmem>>)
    %dma_wait3A_283 = arith.constant 384 : i32
    %dma_wait3A_284 = tpu.memref_slice %arg14[%dma_wait3A_283] : memref<512xf32, #tpu.memory_space<vmem>> -> memref<128xf32, #tpu.memory_space<vmem>>
    %dma_wait3A_285 = arith.constant 384 : i32
    %dma_wait3A_286 = tpu.memref_slice %arg10[%dma_wait3A_285] : memref<512xi32, #tpu.memory_space<vmem>> -> memref<128xi32, #tpu.memory_space<vmem>>
    %dma_wait3A_287 = arith.constant 0 : i32
    %dma_wait3A_288 = tpu.memref_slice %arg6[%dma_wait3A_287] : memref<100000xf32, #tpu.memory_space<hbm>> -> memref<100000xf32, #tpu.memory_space<hbm>>
    tpu.wait_indirect_dma semaphore(%arg17 : memref<!tpu.dma_semaphore, #tpu.memory_space<semaphore_mem>>) src(%dma_wait3A_288 : memref<100000xf32, #tpu.memory_space<hbm>>) dst(%dma_wait3A_284 : memref<128xf32, #tpu.memory_space<vmem>>)
    "tpu.region"() ({
      %run_scoped3A = tpu.sem_alloc : memref<!tpu.dma_semaphore, #tpu.memory_space<semaphore_mem>>
      %dma_start3A_289 = tpu.memref_slice %arg8[%mul3A_2] : memref<16384xf32, #tpu.memory_space<hbm>> -> memref<512xf32, #tpu.memory_space<hbm>>
      %dma_start3A_290 = tpu.memref_slice %arg8[%mul3A_2] : memref<16384xf32, #tpu.memory_space<hbm>> -> memref<512xf32, #tpu.memory_space<hbm>>
      tpu.enqueue_dma source(%arg15 : memref<512xf32, #tpu.memory_space<vmem>>) target(%dma_start3A_290 : memref<512xf32, #tpu.memory_space<hbm>>) target_semaphore(%run_scoped3A : memref<!tpu.dma_semaphore, #tpu.memory_space<semaphore_mem>>)
      %dma_wait3A_291 = tpu.memref_slice %arg8[%mul3A_2] : memref<16384xf32, #tpu.memory_space<hbm>> -> memref<512xf32, #tpu.memory_space<hbm>>
      %dma_wait3A_292 = tpu.memref_slice %arg8[%mul3A_2] : memref<16384xf32, #tpu.memory_space<hbm>> -> memref<512xf32, #tpu.memory_space<hbm>>
      tpu.wait_dma2 semaphore(%run_scoped3A : memref<!tpu.dma_semaphore, #tpu.memory_space<semaphore_mem>>) src(%arg15 : memref<512xf32, #tpu.memory_space<vmem>>) dst(%dma_wait3A_292 : memref<512xf32, #tpu.memory_space<hbm>>)
      tpu.yield
    }) : () -> ()
    return
  }
}

</mosaic_0001>

<sc_bundles>
// kernel: kernel.3.cloned.1.call-start
scs
__scs_entry_jumppad:
0x0: {  	(pc) =	sbr.rel $0x88, $3  }
0x1: {  	(tag) =	ssettag $0x0;
	lr =	simm.s32 $0x1  }
0x2: {  	[smem:$0x3F9A] =	sst lr;
	_ =	strace $0xD0000000  }
0x3: {  	_ = 	snop  }
0x4: {  	_ = 	snop  }
0x5: {  	_ = 	snop  }
0x6: {  	_ = 	snop  }
0x7: {  	_ = 	snop  }
__scs_overlays_trampoline_lowered:
0x8: {  	[smem:$0x3FA9] =	sst s0  }
0x9: {  	[smem:$0x3FAA] =	sst s1  }
0xa: {  	[smem:$0x3FAB] =	sst s2  }
0xb: {  	[smem:$0x3FAC] =	sst s3  }
0xc: {  	[smem:$0x3FAD] =	sst s4  }
0xd: {  	[smem:$0x3FAE] =	sst s5  }
0xe: {  	[smem:$0x3FAF] =	sst s6  }
0xf: {  	[smem:$0x3FB0] =	sst s7  }
0x10: {  	[smem:$0x3FB1] =	sst s8  }
0x11: {  	[smem:$0x3FB2] =	sst s9;
	s0 =	simm.s32 @!p0 $0x0  }
0x12: {  	s1 =	sld [smem:$0x3F98];
	s0 =	simm.s32 @p0 $0x1  }
0x13: {  	[smem:$0x3FB3] =	sst s0;
	s0 =	simm.s32 @!p1 $0x0  }
0x14: {  	s2 =	sld [smem:$0x3F97];
	s0 =	simm.s32 @p1 $0x1  }
0x15: {  	[smem:$0x3FB4] =	sst s0;
	s0 =	simm.s32 @!p2 $0x0  }
0x16: {  	s3 =	sld [smem:$0x3FDB];
	s0 =	simm.s32 @p2 $0x1  }
0x17: {  	s4 =	simm.s32 $0x1BF5;
	[smem:$0x3FB6] =	sst s0  }
0x18: {  	s0 =	sld [smem:$0x3F99];
	_ =	swait.ge [sflag:s4], $0x0  }
0x19: {  	s7 =	sld [smem:$0x3F9A]  }
0x1a: {  	s8 =	sadd.s32 $0xFFFFE003, lr  }
0x1b: {  	s9 =	sadd.s32 $0xFFFFFEF7, lr;
	s5 =	simm.s32 $0xFFFFFFFF;
	p2 =	slt.u32 s8, $0xFFFFF086  }
0x1c: {  	p1 =	slt.u32 s9, $0xF7A;
	s5 =	simm.s32 @!p2 $0x0  }
0x1d: {  	s5 =	simm.s32 @p1 $0x1;
	p0 =	seq.s32 s7, s2  }
0x1e: {  	s7 =	smul.u32 @!p0 $0xF7A, s2;
	p2 =	seq.s32 @!p0 s5, $0x0  }
0x1f: {  	s9 =	smul.u32 $0xF7A, s1;
	s8 =	simm.s32 @!p0 $0x1BF5;
	p2 =	por !p2, p0  }
0x20: {  	[sflag:s8] =	ssyncset.s32 @!p0 $0xFFFFF086;
	s6 =	sadd.s32 @!p0 s3, s7;
	s7 =	simm.s32 @!p0 $0x108  }
0x21: {  	s3 =	sadd.s32 s3, s9;
	s6 =	sadd.s32 @!p0 $0x88, s6;
	s7 =	simm.s32 @p2 $0x1082  }
0x22: {  	[simem:s7], [sflag:s8] =	dma.local @!p0 [hbm:s6], $0xF7A  }
0x23: {  	s9 =	sor.u32 $0xD0000000, s2;
	s6 =	simm.s32 $0x108;
	_ =	swait.ge @!p0 [sflag:s8], $0x0  }
0x24: {  	s3 =	sadd.s32 $0x88, s3;
	s6 =	simm.s32 @!p1 $0x1082;
	[sflag:s4] =	ssyncset.s32 $0xFFFFF086  }
0x25: {  	[simem:s6], [sflag:s4] =	dma.local [hbm:s3], $0xF7A  }
0x26: {  	[smem:$0x3F9A] =	sst s1;
	(tag) =	ssettag s2;
	_ =	strace s9  }
0x27: {  	s1 =	sld [smem:$0x3FAA]  }
0x28: {  	s2 =	sld [smem:$0x3FAB]  }
0x29: {  	s4 =	sld [smem:$0x3FAD]  }
0x2a: {  	p0 =	seq.s32 s5, $0x0;
	s5 =	sld [smem:$0x3FAE]  }
0x2b: {  	s6 =	sld [smem:$0x3FAF]  }
0x2c: {  	s7 =	sld [smem:$0x3FB0]  }
0x2d: {  	s3 =	simm.s32 $0x108;
	s8 =	sld [smem:$0x3FB1]  }
0x2e: {  	s3 =	simm.s32 @!p0 $0x1082;
	s9 =	sld [smem:$0x3FB2]  }
0x2f: {  	lr =	sadd.s32 s0, s3;
	s0 =	sld [smem:$0x3FA9]  }
0x30: {  	s3 =	sld [smem:$0x3FAC]  }
0x31: {  	[smem:$0x3FB5] =	sst s10  }
0x32: {  	s10 =	sld [smem:$0x3FB3];
	_ =	sdelay $0x3  }
0x33: {  	p0 =	seq.s32 s10, $0x1;
	s10 =	sld [smem:$0x3FB5];
	_ =	sdelay $0x3  }
0x34: {  	[smem:$0x3FB5] =	sst s10  }
0x35: {  	s10 =	sld [smem:$0x3FB4];
	_ =	sdelay $0x3  }
0x36: {  	p1 =	seq.s32 s10, $0x1;
	s10 =	sld [smem:$0x3FB5];
	_ =	sdelay $0x3  }
0x37: {  	[smem:$0x3FB5] =	sst s10  }
0x38: {  	s10 =	sld [smem:$0x3FB6]  }
0x39: {  	_ = 	snop;
	(pc) =	sbr.ind lr, $3  }
0x3a: {  	_ = 	snop  }
0x3b: {  	_ = 	snop  }
0x3c: {  	p2 =	seq.s32 s10, $0x1;
	s10 =	sld [smem:$0x3FB5]  }
0x3d: {  	_ =	shalt  }
0x3e: {  	_ =	shalt  }
0x3f: {  	_ =	shalt  }
0x40: {  	_ =	shalt  }
0x41: {  	_ =	shalt  }
0x42: {  	_ =	shalt  }
0x43: {  	_ =	shalt  }
0x44: {  	_ =	shalt  }
0x45: {  	_ =	shalt  }
0x46: {  	_ =	shalt  }
0x47: {  	_ =	shalt  }
0x48: {  	_ =	shalt  }
0x49: {  	_ =	shalt  }
0x4a: {  	_ =	shalt  }
0x4b: {  	_ =	shalt  }
0x4c: {  	_ =	shalt  }
0x4d: {  	_ =	shalt  }
0x4e: {  	_ =	shalt  }
0x4f: {  	_ =	shalt  }
0x50: {  	_ =	shalt  }
0x51: {  	_ =	shalt  }
0x52: {  	_ =	shalt  }
0x53: {  	_ =	shalt  }
0x54: {  	_ =	shalt  }
0x55: {  	_ =	shalt  }
0x56: {  	_ =	shalt  }
0x57: {  	_ =	shalt  }
0x58: {  	_ =	shalt  }
0x59: {  	_ =	shalt  }
0x5a: {  	_ =	shalt  }
0x5b: {  	_ =	shalt  }
0x5c: {  	_ =	shalt  }
0x5d: {  	_ =	shalt  }
0x5e: {  	_ =	shalt  }
0x5f: {  	_ =	shalt  }
0x60: {  	_ =	shalt  }
0x61: {  	_ =	shalt  }
0x62: {  	_ =	shalt  }
0x63: {  	_ =	shalt  }
0x64: {  	_ =	shalt  }
0x65: {  	_ =	shalt  }
0x66: {  	_ =	shalt  }
0x67: {  	_ =	shalt  }
0x68: {  	_ =	shalt  }
0x69: {  	_ =	shalt  }
0x6a: {  	_ =	shalt  }
0x6b: {  	_ =	shalt  }
0x6c: {  	_ =	shalt  }
0x6d: {  	_ =	shalt  }
0x6e: {  	_ =	shalt  }
0x6f: {  	_ =	shalt  }
0x70: {  	_ =	shalt  }
0x71: {  	_ =	shalt  }
0x72: {  	_ =	shalt  }
0x73: {  	_ =	shalt  }
0x74: {  	_ =	shalt  }
0x75: {  	_ =	shalt  }
0x76: {  	_ =	shalt  }
0x77: {  	_ =	shalt  }
0x78: {  	_ =	shalt  }
0x79: {  	_ =	shalt  }
0x7a: {  	_ =	shalt  }
0x7b: {  	_ =	shalt  }
0x7c: {  	_ =	shalt  }
0x7d: {  	_ =	shalt  }
0x7e: {  	_ =	shalt  }
0x7f: {  	_ =	shalt  }
0x80: {  	_ =	shalt  }
0x81: {  	_ =	shalt  }
0x82: {  	_ =	shalt  }
0x83: {  	_ =	shalt  }
0x84: {  	_ =	shalt  }
0x85: {  	_ =	shalt  }
0x86: {  	_ =	shalt  }
0x87: {  	_ =	shalt  }
.Lfunc_end0:
.L_simem_size_0:
called_computation_lowered:
.L_overlay_start_0:
0x88: {  	s2 =	sld [smem:$0x3FD9]  }
0x89: {  	s3 =	sld [smem:$0x3FFE];
	_ =	sdelay $0x1  }
0x8a: {  	s1 =	srdreg.scid  }
0x8b: {  	s0 =	sand.u32 $0x1, s1  }
0x8c: {  	s17 =	sshll.u32 s0, $0xA;
	s2 =	sadd.s32 s3, s2  }
0x8d: {  	s2 =	sadd.s32 s2, s17  }
0x8e: {  	[smem:$0x3FC1] =	sst s2  }
0x8f: {  	_ = 	snop  }
0x90: {  	s2 =	sld [smem:$0x3FC9]  }
0x91: {  	s18 =	sld [smem:$0x3FC8]  }
0x92: {  	s4 =	sld [smem:$0x3FD0];
	(tm) =	ssettm $0x1  }
0x93: {  	s5 =	sld [smem:$0x3FFB];
	_ =	sdelay $0x3  }
0x94: {  	_ =	strace s5  }
0x95: {  	s5 =	sld [smem:$0x3FFC];
	_ =	sdelay $0x3  }
0x96: {  	_ =	strace s5  }
0x97: {  	s5 =	sld [smem:$0x3FFD];
	_ =	sdelay $0x3  }
0x98: {  	_ =	strace s5  }
0x99: {  	_ =	strace $0x8FFFFFFF  }
0x9a: {  	s19 =	sld [smem:$0x3FDB];
	_ =	sdelay $0x1  }
0x9b: {  	s6 =	simm.s32 $_scs_section_size  }
0x9c: {  	s7 =	simm.s32 $_size__tile_overlayer_lowered;
	s8 =	simm.s32 $_tile_overlayer_lowered  }
0x9d: {  	s22 =	simm.s32 $0x1BFF;
	s21 =	sshll.u32 s8, $0x1;
	s5 =	sadd.s32 s6, s19  }
0x9e: {  	s9 =	simm.s32 $0x0;
	s20 =	sshll.u32 s7, $0x1;
	s7 =	sadd.s32 s21, s5  }
0x9f: {  	[timem:s9], [sflag:s22] =	dma.local [hbm:s7], s20  }
0xa0: {  	_ =	swait.ge [sflag:s22], s20  }
0xa1: {  	s6 =	ssub.s32 $0x0, s20;
	[sflag:s22] =	ssyncset.done $0x0  }
0xa2: {  	[sflag:s22] =	ssyncadd.s32 s6;
	_ =	sdelay $0x1  }
0xa3: {  	s23 =	simm.s32 $0x1B8B  }
0xa4: {  	_ =	swait.ge [sflag:s23], $0x1  }
0xa5: {  	[sflag:s23] =	ssyncset.done $0x0  }
0xa6: {  	s25 =	simm.s32 $0x1B8E;
	s24 =	sld [smem:$0x3FFE];
	[sflag:s23] =	ssyncadd.s32 $0xFFFFFFFF  }
0xa7: {  	s26 =	simm.s32 $execute0_lowered;
	[smem:$0x3FD2] =	sst s25  }
0xa8: {  	s7 =	sshll.u32 s26, $0x1;
	_ =	strace $0x80000046;
	[dreg:$0x1] =	wrdreg $0xFFFFFFFF  }
0xa9: {  	s28 =	simm.s32 $_size_execute0_lowered;
	s5 =	sadd.s32 s5, s7;
	[dreg:$0x0] =	wrdreg $0x0  }
0xaa: {  	s7 =	sshll.u32 s28, $0x1;
	[dreg:$0x2] =	wrdreg s5  }
0xab: {  	[dreg:$0x3] =	wrdreg s7  }
0xac: {  	[dreg:$0x4] =	wrdreg $0xC0  }
0xad: {  	_ =	task [dreg:s9], $0x5FFFF  }
0xae: {  	[dreg:$0x1] =	wrdreg $0xFFFFFFFF  }
0xaf: {  	[dreg:$0x0] =	wrdreg $0x60  }
0xb0: {  	[dreg:$0x2] =	wrdreg s2  }
0xb1: {  	[dreg:$0x3] =	wrdreg s18  }
0xb2: {  	[dreg:$0x4] =	wrdreg s24  }
0xb3: {  	[dreg:$0x5] =	wrdreg s4  }
0xb4: {  	[dreg:$0x6] =	wrdreg $0x9  }
0xb5: {  	_ =	task.clear_ibuf [dreg:s9], $0x7FFFF;
	_ =	strace $0x90000046  }
0xb6: {  	s29 =	simm.s32 $0x9;
	_ =	strace $0x80000048  }
0xb7: {  	_ =	swait.ge [sflag:s29], $0x1  }
0xb8: {  	[sflag:s29] =	ssyncadd.s32 $0xFFFFFFFF  }
0xb9: {  	_ =	strace $0x90000048  }
0xba: {  	_ =	sfence  }
0xbb: {  	s30 =	sld [smem:$0x0];
	_ =	sdelay $0x2  }
0xbc: {  	s31 =	sshll.u32 s1, $0xD;
	s1 =	sshrl.u32 s1, $0x2  }
0xbd: {  	s3 =	sand.u32 $0x4000, s31;
	s1 =	sadd.s32 s1, s30  }
0xbe: {  	s0 =	sor.u32 s3, s0;
	s1 =	sshll.u32 s1, $0x11  }
0xbf: {  	s0 =	sor.u32 s1, s0  }
0xc0: {  	s0 =	sadd.s32 $0x8F2B, s0  }
0xc1: {  	[sflag:s0] =	ssyncadd.remote.s32 $0x1  }
0xc2: {  	_ =	sfence.sel $0xFFFF  }
0xc3: {  	[dreg:$0x0] =	wrdreg $0xFFFFFFFF;
	(pc) =	sbr.abs _section_cstart, $3  }
0xc4: {  	[dreg:$0x1] =	wrdreg $0xFFFFFFFF  }
0xc5: {  	_ =	task.clear_ibuf [dreg:s9], $0x2FFFF;
	_ =	strace $0x9FFFFFFF  }
0xc6: {  	(tm) =	ssettm $0x7FFFFFFF  }
0xc7: {  	_ =	shalt  }
tec
execute0_lowered:
.L_overlay_start_1:
0x0: {  	(tag) =	ssettag $0x1  }
0x1: {  	s0 =	rddreg [dreg:$0x0]  }
0x2: {  	s2 =	rddreg [dreg:$0x1]  }
0x3: {  	s6 =	rddreg [dreg:$0x2]  }
0x4: {  	s9 =	rddreg [dreg:$0x3]  }
0x5: {  	s1 =	simm.s32 $0x0;
	s5 =	srdreg.scid;
	s11 =	stileid.u32  }
0x6: {  	s12 =	simm.s32 $0x200;
	s14 =	simm.s32 $0x80;
	s18 =	simm.s32 $0x280  }
0x7: {  	s20 =	simm.s32 $0x100;
	s22 =	simm.s32 $0x300;
	s24 =	simm.s32 $0x180  }
0x8: {  	s26 =	simm.s32 $0x380;
	s29 =	simm.s32 $0x400;
	s30 =	simm.s32 $0x8400  }
0x9: {  	s31 =	simm.s32 $0x4400;
	s13 =	simm.s32 $0x3;
	s15 =	simm.s32 $0x1  }
0xa: {  	s17 =	simm.s32 $0x0;
	[smem:$0x7FF] =	sst s1;
	s3 =	sadd.s32 $0x315200, s6  }
0xb: {  	s4 =	sadd.s32 $0x30EE00, s6;
	s7 =	sand.u32 $0x1, s5;
	s5 =	sadd.s32 $0x312000, s6  }
0xc: {  	s11 =	sshll.u32 s11, $0x7;
	s8 =	ssub.s32 $0x2, s7;
	s7 =	sshll.u32 s7, $0x6  }
0xd: {  	s6 =	sadd.s32 $0x1A00, s6;
	s10 =	sshrl.u32 s8, $0x1;
	s11 =	sor.u32 s7, s11  }
0xe: {  	_ =	strace $0x80000047;
	s10 =	ssub.s32 s8, s10;
	s7 =	sadd.s32 s0, s11  }
0xf: {  	v0 =	vlaneseq.u32;
	s8 =	sadd.s32 s2, s11;
	s9 =	sadd.s32 s9, s11;
	s11 =	simm.s32 $0x4  }
0x10: {  	v0 =	vmul.u32 $0x80, v0;
	s0 =	simm.s32 $0xC400;
	s2 =	simm.s32 $0x2;
	s10 =	smax.u32 s10, $0x1  }
.LBB2_1:
0x11: {  	[tilespmem:s1], [sflag:$0x4] =	stream.linear.gather [hbm4b:s7+s1], $0x200, $0x38;
	[tilespmem:$0x10A80] =	vst v63  }
0x12: {  	_ =	swait.ge [sflag:s11], $0x200  }
0x13: {  	[sflag:s11] =	ssyncset.done $0x0  }
0x14: {  	[sflag:s11] =	ssyncadd.s32 $0xFFFFFE00  }
0x15: {  	[tilespmem:s12], [sflag:$0x4] =	stream.linear.gather [hbm4b:s8+s1], $0x200, $0x38;
	[tilespmem:$0x10A80] =	vst v63  }
0x16: {  	_ =	swait.ge [sflag:s11], $0x200  }
0x17: {  	[sflag:s11] =	ssyncset.done $0x0  }
0x18: {  	s16 =	simm.s32 $0x10A00;
	[sflag:s11] =	ssyncadd.s32 $0xFFFFFE00  }
0x19: {  	[tilespmem:s16], [sflag:$0x4] =	stream.linear.gather [hbm4b:s6+s1], $0x80, $0x38;
	[tilespmem:$0x10A80] =	vst v63  }
0x1a: {  	_ =	swait.ge [sflag:s11], $0x80  }
0x1b: {  	[sflag:s11] =	ssyncset.done $0x0  }
0x1c: {  	s23 =	simm.s32 $0x10400;
	[sflag:s11] =	ssyncadd.s32 $0xFFFFFF80  }
0x1d: {  	[tilespmem:s23], [sflag:$0x1] =	stream.indirect.gather [hbm4b:s4+s14], $0x1, s1, s14, $0xb8;
	[tilespmem:$0x10A80] =	vst v63  }
0x1e: {  	s25 =	simm.s32 $0x10600  }
0x1f: {  	[tilespmem:s25], [sflag:$0x1] =	stream.indirect.gather [hbm4b:s5+s14], $0x1, s12, s14, $0xb8;
	[tilespmem:$0x10A80] =	vst v63  }
0x20: {  	s28 =	simm.s32 $0x10480  }
0x21: {  	[tilespmem:s28], [sflag:$0x1] =	stream.indirect.gather [hbm4b:s4+s14], $0x1, s14, s14, $0xb8;
	[tilespmem:$0x10A80] =	vst v63  }
0x22: {  	s19 =	simm.s32 $0x10680  }
0x23: {  	[tilespmem:s19], [sflag:$0x1] =	stream.indirect.gather [hbm4b:s5+s14], $0x1, s18, s14, $0xb8;
	[tilespmem:$0x10A80] =	vst v63  }
0x24: {  	s21 =	simm.s32 $0x10500  }
0x25: {  	[tilespmem:s21], [sflag:$0x1] =	stream.indirect.gather [hbm4b:s4+s14], $0x1, s20, s14, $0xb8;
	[tilespmem:$0x10A80] =	vst v63  }
0x26: {  	s23 =	simm.s32 $0x10700  }
0x27: {  	[tilespmem:s23], [sflag:$0x1] =	stream.indirect.gather [hbm4b:s5+s14], $0x1, s22, s14, $0xb8;
	[tilespmem:$0x10A80] =	vst v63  }
0x28: {  	s25 =	simm.s32 $0x10580  }
0x29: {  	[tilespmem:s25], [sflag:$0x1] =	stream.indirect.gather [hbm4b:s4+s14], $0x1, s24, s14, $0xb8;
	[tilespmem:$0x10A80] =	vst v63  }
0x2a: {  	s28 =	simm.s32 $0x10780  }
0x2b: {  	[tilespmem:s28], [sflag:$0x1] =	stream.indirect.gather [hbm4b:s5+s14], $0x1, s26, s14, $0xb8;
	[tilespmem:$0x10A80] =	vst v63  }
0x2c: {  	_ = 	snop  }
0x2d: {  	v1 =	vld [tilespmem:$0x10A00];
	[tilespmem:s29], [sflag:$0x2] =	stream.indirect.gather [hbm4b:s3+s14], $0x80, s1, s14, $0xb8  }
0x2e: {  	_ = 	snop  }
0x2f: {  	[tilespmem:s30], [sflag:$0x2] =	stream.indirect.gather [hbm4b:s3+s14], $0x80, s12, s14, $0xb8;
	[tilespmem:$0x10A80] =	vst v63  }
0x30: {  	_ = 	snop  }
0x31: {  	[tilespmem:s31], [sflag:$0x3] =	stream.indirect.gather [hbm4b:s3+s14], $0x80, s14, s14, $0xb8;
	[tilespmem:$0x10A80] =	vst v63  }
0x32: {  	_ = 	snop  }
0x33: {  	[tilespmem:s0], [sflag:$0x3] =	stream.indirect.gather [hbm4b:s3+s14], $0x80, s18, s14, $0xb8;
	[tilespmem:$0x10A80] =	vst v63  }
0x34: {  	_ =	swait.ge [sflag:s2], $0x4000  }
0x35: {  	[sflag:s2] =	ssyncset.done $0x0  }
0x36: {  	[sflag:s2] =	ssyncadd.s32 $0xFFFFC000  }
0x37: {  	_ =	swait.ge [sflag:s2], $0x4000  }
0x38: {  	[sflag:s2] =	ssyncset.done $0x0  }
0x39: {  	s19 =	simm.s32 $0x0;
	[sflag:s2] =	ssyncadd.s32 $0xFFFFC000  }
.LBB2_2:
0x3a: {  	s21 =	sshll.u32 s19, $0x4  }
0x3b: {  	v2 =	vmov s21  }
0x3c: {  	v2 =	vshll.u32 v2, $0x7  }
0x3d: {  	s16 =	simm.s32 $0x0;
	v2 =	vor.u32 v0, v2  }
0x3e: {  	s23 =	simm.s32 $0x1;
	v4 =	vor.u32 s16, v2  }
0x3f: {  	v3 =	vor.u32 $0x40, v2;
	v6 =	vor.u32 s23, v2  }
0x40: {  	s25 =	simm.s32 $0x2;
	v5 =	vor.u32 s16, v3  }
0x41: {  	v8 =	vor.u32 s25, v2  }
0x42: {  	v7 =	vor.u32 s23, v3  }
0x43: {  	v9 =	vor.u32 s25, v3;
	s23 =	simm.s32 $0x3;
	v4 =	vld.idx.msk [tilespmem:v4+s29+$0x0], $0xffff  }
0x44: {  	v10 =	vor.u32 s23, v2;
	v6 =	vld.idx.msk [tilespmem:v6+s29+$0x0], $0xffff  }
0x45: {  	s25 =	simm.s32 $0x4;
	v11 =	vor.u32 s23, v3;
	v5 =	vld.idx.msk [tilespmem:v5+s30+$0x0], $0xffff  }
0x46: {  	v12 =	vor.u32 s25, v2;
	s23 =	simm.s32 $0x5;
	v8 =	vld.idx.msk [tilespmem:v8+s29+$0x0], $0xffff  }
0x47: {  	v14 =	vor.u32 s23, v2;
	v7 =	vld.idx.msk [tilespmem:v7+s30+$0x0], $0xffff  }
0x48: {  	v13 =	vor.u32 s25, v3;
	v9 =	vld.idx.msk [tilespmem:v9+s30+$0x0], $0xffff  }
0x49: {  	s25 =	simm.s32 $0x6;
	v15 =	vor.u32 s23, v3;
	v10 =	vld.idx.msk [tilespmem:v10+s29+$0x0], $0xffff  }
0x4a: {  	v16 =	vor.u32 s25, v2;
	v11 =	vld.idx.msk [tilespmem:v11+s30+$0x0], $0xffff;
	v4 =	vmul.f32 v5, v4  }
0x4b: {  	v17 =	vimm.f32 $0.0e+00;
	s23 =	simm.s32 $0x7;
	v5 =	vld.idx.msk [tilespmem:v12+s29+$0x0], $0xffff;
	v12 =	vor.u32 s25, v3  }
0x4c: {  	v6 =	vmul.f32 v7, v6;
	v7 =	vld.idx.msk [tilespmem:v14+s29+$0x0], $0xffff;
	v14 =	vor.u32 s23, v3;
	v4 =	vadd.f32 v4, v17  }
0x4d: {  	v18 =	vor.u32 s23, v2;
	v13 =	vld.idx.msk [tilespmem:v13+s30+$0x0], $0xffff;
	s25 =	simm.s32 $0x8  }
0x4e: {  	v15 =	vld.idx.msk [tilespmem:v15+s30+$0x0], $0xffff;
	v17 =	vor.u32 s25, v2;
	v4 =	vadd.f32 v6, v4;
	v6 =	vmul.f32 v9, v8  }
0x4f: {  	s23 =	simm.s32 $0x9;
	v8 =	vld.idx.msk [tilespmem:v16+s29+$0x0], $0xffff;
	v9 =	vor.u32 s25, v3  }
0x50: {  	v16 =	vor.u32 s23, v2;
	v12 =	vld.idx.msk [tilespmem:v12+s30+$0x0], $0xffff;
	v4 =	vadd.f32 v6, v4;
	v6 =	vmul.f32 v11, v10  }
0x51: {  	s25 =	simm.s32 $0xA;
	v14 =	vld.idx.msk [tilespmem:v14+s30+$0x0], $0xffff;
	v11 =	vor.u32 s23, v3  }
0x52: {  	v5 =	vmul.f32 v13, v5;
	v13 =	vor.u32 s25, v3;
	v10 =	vld.idx.msk [tilespmem:v18+s29+$0x0], $0xffff;
	v4 =	vadd.f32 v6, v4  }
0x53: {  	v18 =	vor.u32 s25, v2;
	s23 =	simm.s32 $0xB;
	v6 =	vld.idx.msk [tilespmem:v17+s29+$0x0], $0xffff  }
0x54: {  	v17 =	vld.idx.msk [tilespmem:v9+s30+$0x0], $0xffff;
	v9 =	vor.u32 s23, v2;
	v4 =	vadd.f32 v5, v4;
	v5 =	vmul.f32 v15, v7  }
0x55: {  	s25 =	simm.s32 $0xC;
	v7 =	vld.idx.msk [tilespmem:v16+s29+$0x0], $0xffff;
	v15 =	vor.u32 s23, v3  }
0x56: {  	v16 =	vld.idx.msk [tilespmem:v11+s30+$0x0], $0xffff;
	v11 =	vor.u32 s25, v2;
	v4 =	vadd.f32 v5, v4;
	v5 =	vmul.f32 v12, v8  }
0x57: {  	s23 =	simm.s32 $0xD;
	v19 =	vld.idx.msk [tilespmem:v13+s30+$0x0], $0xffff;
	v8 =	vor.u32 s25, v3  }
0x58: {  	v18 =	vld.idx.msk [tilespmem:v18+s29+$0x0], $0xffff;
	v10 =	vmul.f32 v14, v10;
	v12 =	vor.u32 s23, v2;
	v5 =	vadd.f32 v5, v4  }
0x59: {  	v14 =	vor.u32 s23, v3;
	s25 =	simm.s32 $0xE;
	v4 =	vld.idx.msk [tilespmem:v9+s29+$0x0], $0xffff  }
0x5a: {  	v20 =	vor.u32 s25, v2;
	v6 =	vmul.f32 v17, v6;
	v9 =	vld.idx.msk [tilespmem:v15+s30+$0x0], $0xffff;
	v10 =	vadd.f32 v10, v5  }
0x5b: {  	v5 =	vld.idx.msk [tilespmem:v11+s29+$0x0], $0xffff;
	v11 =	vor.u32 s25, v3;
	s25 =	simm.s32 $0xF  }
0x5c: {  	v7 =	vmul.f32 v16, v7;
	v8 =	vld.idx.msk [tilespmem:v8+s30+$0x0], $0xffff;
	v15 =	vor.u32 s25, v2;
	v17 =	vadd.f32 v6, v10  }
0x5d: {  	s23 =	simm.s32 $0x10;
	v6 =	vld.idx.msk [tilespmem:v12+s29+$0x0], $0xffff;
	v12 =	vor.u32 s25, v3  }
0x5e: {  	v13 =	vor.u32 s23, v2;
	v10 =	vld.idx.msk [tilespmem:v14+s30+$0x0], $0xffff;
	v16 =	vadd.f32 v7, v17;
	v17 =	vmul.f32 v19, v18  }
0x5f: {  	s28 =	simm.s32 $0x11;
	v14 =	vor.u32 s23, v3;
	s25 =	simm.s32 $0x20;
	v7 =	vld.idx.msk [tilespmem:v20+s29+$0x0], $0xffff  }
.LBB2_3:
0x60: {  	p0 =	slt.u32 s25, $0x30;
	v18 =	vor.u32 s28, v2;
	v16 =	vadd.f32 v17, v16;
	v4 =	vmul.f32 v9, v4;
	v9 =	vld.idx.msk [tilespmem:v11+s30+$0x0], $0xffff  }
0x61: {  	v11 =	vor.u32 s28, v3;
	s16 =	sadd.s32 $0x2, s23;
	v15 =	vld.idx.msk [tilespmem:v15+s29+$0x0], $0xffff  }
0x62: {  	v17 =	vor.u32 s16, v2;
	v5 =	vmul.f32 v8, v5;
	v4 =	vadd.f32 v4, v16;
	v8 =	vld.idx.msk [tilespmem:v12+s30+$0x0], $0xffff  }
0x63: {  	v12 =	vld.idx.msk [tilespmem:v13+s29+$0x0], $0xffff;
	v13 =	vor.u32 s16, v3;
	s16 =	sadd.s32 $0x3, s23  }
0x64: {  	v14 =	vld.idx.msk [tilespmem:v14+s30+$0x0], $0xffff;
	v16 =	vor.u32 s16, v2;
	v4 =	vadd.f32 v5, v4;
	v5 =	vmul.f32 v10, v6  }
0x65: {  	v10 =	vor.u32 s16, v3;
	s16 =	sadd.s32 $0x4, s23;
	v6 =	vld.idx.msk [tilespmem:v18+s29+$0x0], $0xffff  }
0x66: {  	v18 =	vor.u32 s16, v2;
	v11 =	vld.idx.msk [tilespmem:v11+s30+$0x0], $0xffff;
	v4 =	vadd.f32 v5, v4;
	v5 =	vmul.f32 v9, v7  }
0x67: {  	v9 =	vor.u32 s16, v3;
	s16 =	sadd.s32 $0x5, s23;
	v7 =	vld.idx.msk [tilespmem:v17+s29+$0x0], $0xffff  }
0x68: {  	v17 =	vor.u32 s16, v2;
	v13 =	vld.idx.msk [tilespmem:v13+s30+$0x0], $0xffff;
	v4 =	vadd.f32 v5, v4;
	v5 =	vmul.f32 v8, v15  }
0x69: {  	v15 =	vor.u32 s16, v3;
	s16 =	sadd.s32 $0x6, s23;
	v8 =	vld.idx.msk [tilespmem:v16+s29+$0x0], $0xffff  }
0x6a: {  	v12 =	vmul.f32 v14, v12;
	v14 =	vor.u32 s16, v2;
	v10 =	vld.idx.msk [tilespmem:v10+s30+$0x0], $0xffff;
	v4 =	vadd.f32 v5, v4  }
0x6b: {  	v16 =	vor.u32 s16, v3;
	s16 =	sadd.s32 $0x7, s23;
	v5 =	vld.idx.msk [tilespmem:v18+s29+$0x0], $0xffff  }
0x6c: {  	v6 =	vmul.f32 v11, v6;
	v11 =	vor.u32 s16, v2;
	v4 =	vadd.f32 v12, v4;
	v9 =	vld.idx.msk [tilespmem:v9+s30+$0x0], $0xffff  }
0x6d: {  	v12 =	vld.idx.msk [tilespmem:v17+s29+$0x0], $0xffff;
	v17 =	vor.u32 s16, v3;
	s16 =	sadd.s32 $0x8, s23  }
0x6e: {  	v4 =	vadd.f32 v6, v4;
	v6 =	vmul.f32 v13, v7;
	v7 =	vld.idx.msk [tilespmem:v15+s30+$0x0], $0xffff;
	v13 =	vor.u32 s16, v2  }
0x6f: {  	v15 =	vor.u32 s16, v3;
	s16 =	sadd.s32 $0x9, s23;
	v14 =	vld.idx.msk [tilespmem:v14+s29+$0x0], $0xffff  }
0x70: {  	v4 =	vadd.f32 v6, v4;
	v6 =	vmul.f32 v10, v8;
	v8 =	vld.idx.msk [tilespmem:v16+s30+$0x0], $0xffff;
	v10 =	vor.u32 s16, v2  }
0x71: {  	v16 =	vor.u32 s16, v3;
	s16 =	sadd.s32 $0xA, s23;
	v11 =	vld.idx.msk [tilespmem:v11+s29+$0x0], $0xffff  }
0x72: {  	v5 =	vmul.f32 v9, v5;
	v9 =	vor.u32 s16, v2;
	v4 =	vadd.f32 v6, v4;
	v6 =	vld.idx.msk [tilespmem:v17+s30+$0x0], $0xffff  }
0x73: {  	v17 =	vor.u32 s16, v3;
	s16 =	sadd.s32 $0xB, s23;
	v13 =	vld.idx.msk [tilespmem:v13+s29+$0x0], $0xffff  }
0x74: {  	v4 =	vadd.f32 v5, v4;
	v5 =	vmul.f32 v7, v12;
	v7 =	vld.idx.msk [tilespmem:v15+s30+$0x0], $0xffff;
	v12 =	vor.u32 s16, v2  }
0x75: {  	v15 =	vor.u32 s16, v3;
	s16 =	sadd.s32 $0xC, s23;
	v10 =	vld.idx.msk [tilespmem:v10+s29+$0x0], $0xffff  }
0x76: {  	v4 =	vadd.f32 v5, v4;
	v5 =	vmul.f32 v8, v14;
	v8 =	vld.idx.msk [tilespmem:v16+s30+$0x0], $0xffff;
	v14 =	vor.u32 s16, v2  }
0x77: {  	v16 =	vor.u32 s16, v3;
	s16 =	sadd.s32 $0xD, s23;
	v18 =	vld.idx.msk [tilespmem:v9+s29+$0x0], $0xffff  }
0x78: {  	v6 =	vmul.f32 v6, v11;
	v19 =	vor.u32 s16, v2;
	v5 =	vadd.f32 v5, v4;
	v17 =	vld.idx.msk [tilespmem:v17+s30+$0x0], $0xffff  }
0x79: {  	v20 =	vor.u32 s16, v3;
	s16 =	sadd.s32 $0xE, s23;
	v4 =	vld.idx.msk [tilespmem:v12+s29+$0x0], $0xffff  }
0x7a: {  	v21 =	vor.u32 s16, v2;
	v7 =	vmul.f32 v7, v13;
	v6 =	vadd.f32 v6, v5;
	v9 =	vld.idx.msk [tilespmem:v15+s30+$0x0], $0xffff  }
.Ltmp0:
0x7b: {  	v11 =	vor.u32 s16, v3;
	s16 =	sadd.s32 $0xF, s23;
	s23 =	smov.u32 s25;
	v5 =	vld.idx.msk [tilespmem:v14+s29+$0x0], $0xffff;
	(pc) =	sbr.rel @p0 .LBB2_3-.Ltmp0, $4  }
0x7c: {  	v15 =	vor.u32 s16, v2;
	v10 =	vmul.f32 v8, v10;
	v7 =	vadd.f32 v7, v6;
	v8 =	vld.idx.msk [tilespmem:v16+s30+$0x0], $0xffff  }
0x7d: {  	v12 =	vor.u32 s16, v3;
	v6 =	vld.idx.msk [tilespmem:v19+s29+$0x0], $0xffff  }
0x7e: {  	v13 =	vor.u32 s25, v2;
	v17 =	vmul.f32 v17, v18;
	v16 =	vadd.f32 v10, v7;
	v10 =	vld.idx.msk [tilespmem:v20+s30+$0x0], $0xffff  }
0x7f: {  	s28 =	sadd.s32 $0x1, s23;
	s25 =	sadd.s32 $0x10, s25;
	v14 =	vor.u32 s23, v3;
	v7 =	vld.idx.msk [tilespmem:v21+s29+$0x0], $0xffff  }
0x80: {  	_ =	sdelay $0x2  }
0x81: {  	v16 =	vadd.f32 v17, v16;
	v4 =	vmul.f32 v9, v4  }
0x82: {  	v47 =	vor.u32 s28, v2;
	v11 =	vld.idx.msk [tilespmem:v11+s30+$0x0], $0xffff  }
0x83: {  	v48 =	vor.u32 s28, v3;
	s16 =	sadd.s32 $0x2, s23;
	v15 =	vld.idx.msk [tilespmem:v15+s29+$0x0], $0xffff;
	v5 =	vmul.f32 v8, v5;
	v4 =	vadd.f32 v4, v16  }
0x84: {  	v12 =	vld.idx.msk [tilespmem:v12+s30+$0x0], $0xffff;
	v49 =	vor.u32 s16, v2  }
0x85: {  	v13 =	vld.idx.msk [tilespmem:v13+s29+$0x0], $0xffff;
	s28 =	sadd.s32 $0x3, s23;
	v50 =	vor.u32 s16, v3;
	v51 =	vmul.f32 v10, v6;
	v4 =	vadd.f32 v5, v4  }
0x86: {  	v52 =	vld.idx.msk [tilespmem:v14+s30+$0x0], $0xffff;
	v53 =	vor.u32 s28, v2  }
0x87: {  	s25 =	sadd.s32 $0x4, s23;
	v54 =	vor.u32 s28, v3;
	v9 =	vld.idx.msk [tilespmem:v47+s29+$0x0], $0xffff;
	v55 =	vmul.f32 v11, v7;
	v4 =	vadd.f32 v51, v4  }
0x88: {  	v57 =	vor.u32 s25, v2;
	v56 =	vld.idx.msk [tilespmem:v48+s30+$0x0], $0xffff  }
0x89: {  	v58 =	vor.u32 s25, v3;
	s28 =	sadd.s32 $0x5, s23;
	v59 =	vmul.f32 v12, v15;
	v8 =	vld.idx.msk [tilespmem:v49+s29+$0x0], $0xffff;
	v4 =	vadd.f32 v55, v4  }
0x8a: {  	v61 =	vor.u32 s28, v2;
	v60 =	vld.idx.msk [tilespmem:v50+s30+$0x0], $0xffff  }
0x8b: {  	s25 =	sadd.s32 $0x6, s23;
	v62 =	vor.u32 s28, v3;
	v6 =	vmul.f32 v52, v13;
	v10 =	vld.idx.msk [tilespmem:v53+s29+$0x0], $0xffff;
	v4 =	vadd.f32 v59, v4  }
0x8c: {  	v20 =	vor.u32 s25, v2;
	v63 =	vld.idx.msk [tilespmem:v54+s30+$0x0], $0xffff  }
0x8d: {  	v21 =	vor.u32 s25, v3;
	s28 =	sadd.s32 $0x7, s23;
	v11 =	vld.idx.msk [tilespmem:v57+s29+$0x0], $0xffff;
	v22 =	vmul.f32 v56, v9;
	v4 =	vadd.f32 v6, v4  }
0x8e: {  	v25 =	vor.u32 s28, v3;
	v23 =	vld.idx.msk [tilespmem:v58+s30+$0x0], $0xffff  }
0x8f: {  	s25 =	sadd.s32 $0x8, s23;
	v24 =	vor.u32 s28, v2;
	v15 =	vld.idx.msk [tilespmem:v61+s29+$0x0], $0xffff;
	v26 =	vmul.f32 v60, v8;
	v4 =	vadd.f32 v22, v4  }
0x90: {  	v28 =	vor.u32 s25, v2;
	v27 =	vld.idx.msk [tilespmem:v62+s30+$0x0], $0xffff  }
0x91: {  	v29 =	vor.u32 s25, v3;
	s28 =	sadd.s32 $0x9, s23;
	v13 =	vld.idx.msk [tilespmem:v20+s29+$0x0], $0xffff;
	v5 =	vmul.f32 v63, v10;
	v4 =	vadd.f32 v26, v4  }
0x92: {  	v32 =	vor.u32 s28, v3;
	v30 =	vld.idx.msk [tilespmem:v21+s30+$0x0], $0xffff  }
0x93: {  	s25 =	sadd.s32 $0xA, s23;
	v31 =	vor.u32 s28, v2;
	v34 =	vld.idx.msk [tilespmem:v25+s30+$0x0], $0xffff;
	v33 =	vmul.f32 v23, v11;
	v4 =	vadd.f32 v5, v4  }
0x94: {  	v36 =	vor.u32 s25, v3;
	v9 =	vld.idx.msk [tilespmem:v24+s29+$0x0], $0xffff  }
0x95: {  	v35 =	vor.u32 s25, v2;
	s28 =	sadd.s32 $0xB, s23;
	v12 =	vld.idx.msk [tilespmem:v28+s29+$0x0], $0xffff;
	v37 =	vmul.f32 v27, v15;
	v4 =	vadd.f32 v33, v4  }
0x96: {  	v40 =	vor.u32 s28, v3;
	v38 =	vld.idx.msk [tilespmem:v29+s30+$0x0], $0xffff  }
0x97: {  	s25 =	sadd.s32 $0xC, s23;
	v39 =	vor.u32 s28, v2;
	v42 =	vld.idx.msk [tilespmem:v32+s30+$0x0], $0xffff;
	v41 =	vmul.f32 v30, v13;
	v4 =	vadd.f32 v37, v4  }
0x98: {  	v44 =	vor.u32 s25, v3;
	v10 =	vld.idx.msk [tilespmem:v31+s29+$0x0], $0xffff  }
0x99: {  	v43 =	vor.u32 s25, v2;
	s28 =	sadd.s32 $0xD, s23;
	v46 =	vld.idx.msk [tilespmem:v36+s30+$0x0], $0xffff;
	v45 =	vmul.f32 v34, v9;
	v4 =	vadd.f32 v41, v4  }
0x9a: {  	v48 =	vor.u32 s28, v3;
	v11 =	vld.idx.msk [tilespmem:v35+s29+$0x0], $0xffff  }
0x9b: {  	s25 =	sadd.s32 $0xE, s23;
	v47 =	vor.u32 s28, v2;
	v50 =	vld.idx.msk [tilespmem:v40+s30+$0x0], $0xffff;
	v49 =	vmul.f32 v38, v12;
	v4 =	vadd.f32 v45, v4  }
0x9c: {  	v51 =	vor.u32 s25, v2;
	v15 =	vld.idx.msk [tilespmem:v39+s29+$0x0], $0xffff  }
0x9d: {  	v52 =	vor.u32 s25, v3;
	s28 =	sadd.s32 $0xF, s23;
	v54 =	vld.idx.msk [tilespmem:v44+s30+$0x0], $0xffff;
	v53 =	vmul.f32 v42, v10;
	v4 =	vadd.f32 v49, v4  }
0x9e: {  	v2 =	vor.u32 s28, v2;
	v13 =	vld.idx.msk [tilespmem:v43+s29+$0x0], $0xffff  }
0x9f: {  	v3 =	vor.u32 s28, v3;
	v56 =	vld.idx.msk [tilespmem:v48+s30+$0x0], $0xffff;
	v55 =	vmul.f32 v46, v11;
	v4 =	vadd.f32 v53, v4  }
0xa0: {  	v9 =	vld.idx.msk [tilespmem:v47+s29+$0x0], $0xffff  }
0xa1: {  	v57 =	vld.idx.msk [tilespmem:v51+s29+$0x0], $0xffff;
	v58 =	vmul.f32 v50, v15;
	v4 =	vadd.f32 v55, v4  }
0xa2: {  	v59 =	vld.idx.msk [tilespmem:v52+s30+$0x0], $0xffff  }
0xa3: {  	v2 =	vld.idx.msk [tilespmem:v2+s29+$0x0], $0xffff;
	v60 =	vmul.f32 v54, v13;
	v4 =	vadd.f32 v58, v4  }
0xa4: {  	v3 =	vld.idx.msk [tilespmem:v3+s30+$0x0], $0xffff  }
0xa5: {  	v61 =	vmul.f32 v56, v9;
	v4 =	vadd.f32 v60, v4;
	_ =	sdelay $0x1  }
0xa6: {  	v62 =	vmul.f32 v59, v57;
	v4 =	vadd.f32 v61, v4  }
0xa7: {  	v63 =	vld [tilespmem:s21+$0x10400]  }
0xa8: {  	v2 =	vmul.f32 v3, v2;
	v4 =	vadd.f32 v62, v4  }
0xa9: {  	v3 =	vld [tilespmem:s21+$0x10600]  }
0xaa: {  	v2 =	vadd.f32 v2, v4;
	_ =	sdelay $0x1  }
0xab: {  	s19 =	sadd.s32 $0x1, s19;
	v2 =	vadd.f32 v63, v2  }
0xac: {  	p0 =	sne.s32 s19, $0x8  }
.Ltmp1:
0xad: {  	v2 =	vadd.f32 v3, v2;
	(pc) =	sbr.rel @p0 .LBB2_2-.Ltmp1, $3  }
0xae: {  	_ = 	snop  }
0xaf: {  	v2 =	vadd.f32 v2, v1;
	_ =	sdelay $0x1  }
0xb0: {  	[tilespmem:s21+$0x10800] =	vst v2  }
0xb1: {  	[tilespmem:s29], [sflag:$0x2] =	stream.indirect.gather [hbm4b:s3+s14], $0x80, s20, s14, $0xb8;
	[tilespmem:$0x10A80] =	vst v63  }
0xb2: {  	_ = 	snop  }
0xb3: {  	[tilespmem:s30], [sflag:$0x2] =	stream.indirect.gather [hbm4b:s3+s14], $0x80, s22, s14, $0xb8;
	[tilespmem:$0x10A80] =	vst v63  }
0xb4: {  	_ =	swait.ge [sflag:s13], $0x4000  }
0xb5: {  	[sflag:s13] =	ssyncset.done $0x0  }
0xb6: {  	[sflag:s13] =	ssyncadd.s32 $0xFFFFC000  }
0xb7: {  	_ =	swait.ge [sflag:s13], $0x4000  }
0xb8: {  	[sflag:s13] =	ssyncset.done $0x0  }
0xb9: {  	s19 =	simm.s32 $0x0;
	s21 =	simm.s32 $0x0;
	[sflag:s13] =	ssyncadd.s32 $0xFFFFC000  }
.LBB2_6:
0xba: {  	s23 =	sshll.u32 s21, $0x4  }
0xbb: {  	v2 =	vmov s23  }
0xbc: {  	v2 =	vshll.u32 v2, $0x7  }
0xbd: {  	v3 =	vor.u32 v0, v2  }
0xbe: {  	s16 =	simm.s32 $0x1;
	v4 =	vor.u32 s19, v3  }
0xbf: {  	v2 =	vor.u32 $0x40, v3;
	v6 =	vor.u32 s16, v3  }
0xc0: {  	s25 =	simm.s32 $0x2;
	v5 =	vor.u32 s19, v2  }
0xc1: {  	v8 =	vor.u32 s25, v3  }
0xc2: {  	v7 =	vor.u32 s16, v2  }
0xc3: {  	v9 =	vor.u32 s25, v2;
	s25 =	simm.s32 $0x3;
	v4 =	vld.idx.msk [tilespmem:v4+s31+$0x0], $0xffff  }
0xc4: {  	v10 =	vor.u32 s25, v3;
	v6 =	vld.idx.msk [tilespmem:v6+s31+$0x0], $0xffff  }
0xc5: {  	v11 =	vor.u32 s25, v2;
	s25 =	simm.s32 $0x4;
	v5 =	vld.idx.msk [tilespmem:v5+s0+$0x0], $0xffff  }
0xc6: {  	v12 =	vor.u32 s25, v3;
	v8 =	vld.idx.msk [tilespmem:v8+s31+$0x0], $0xffff  }
0xc7: {  	v13 =	vor.u32 s25, v2;
	s25 =	simm.s32 $0x5;
	v7 =	vld.idx.msk [tilespmem:v7+s0+$0x0], $0xffff  }
0xc8: {  	v14 =	vor.u32 s25, v3;
	v9 =	vld.idx.msk [tilespmem:v9+s0+$0x0], $0xffff  }
0xc9: {  	v15 =	vor.u32 s25, v2;
	s25 =	simm.s32 $0x6;
	v10 =	vld.idx.msk [tilespmem:v10+s31+$0x0], $0xffff  }
0xca: {  	v16 =	vor.u32 s25, v3;
	v11 =	vld.idx.msk [tilespmem:v11+s0+$0x0], $0xffff;
	v4 =	vmul.f32 v5, v4  }
0xcb: {  	v17 =	vimm.f32 $0.0e+00;
	v5 =	vld.idx.msk [tilespmem:v12+s31+$0x0], $0xffff;
	v12 =	vor.u32 s25, v2;
	s25 =	simm.s32 $0x7  }
0xcc: {  	v13 =	vld.idx.msk [tilespmem:v13+s0+$0x0], $0xffff;
	v6 =	vmul.f32 v7, v6;
	v18 =	vor.u32 s25, v3;
	v4 =	vadd.f32 v4, v17  }
0xcd: {  	v7 =	vld.idx.msk [tilespmem:v14+s31+$0x0], $0xffff;
	v14 =	vor.u32 s25, v2;
	s25 =	simm.s32 $0x8  }
0xce: {  	v15 =	vld.idx.msk [tilespmem:v15+s0+$0x0], $0xffff;
	v17 =	vor.u32 s25, v3;
	v4 =	vadd.f32 v6, v4;
	v6 =	vmul.f32 v9, v8  }
0xcf: {  	v8 =	vld.idx.msk [tilespmem:v16+s31+$0x0], $0xffff;
	v9 =	vor.u32 s25, v2;
	s25 =	simm.s32 $0x9  }
0xd0: {  	v12 =	vld.idx.msk [tilespmem:v12+s0+$0x0], $0xffff;
	v16 =	vor.u32 s25, v3;
	v4 =	vadd.f32 v6, v4;
	v6 =	vmul.f32 v11, v10  }
0xd1: {  	v10 =	vld.idx.msk [tilespmem:v18+s31+$0x0], $0xffff;
	v11 =	vor.u32 s25, v2;
	s25 =	simm.s32 $0xA  }
0xd2: {  	v5 =	vmul.f32 v13, v5;
	v14 =	vld.idx.msk [tilespmem:v14+s0+$0x0], $0xffff;
	v18 =	vor.u32 s25, v3;
	v4 =	vadd.f32 v6, v4  }
0xd3: {  	v13 =	vor.u32 s25, v2;
	s25 =	simm.s32 $0xB;
	v6 =	vld.idx.msk [tilespmem:v17+s31+$0x0], $0xffff  }
0xd4: {  	v17 =	vld.idx.msk [tilespmem:v9+s0+$0x0], $0xffff;
	v9 =	vor.u32 s25, v3;
	v4 =	vadd.f32 v5, v4;
	v5 =	vmul.f32 v15, v7  }
0xd5: {  	v7 =	vld.idx.msk [tilespmem:v16+s31+$0x0], $0xffff;
	v15 =	vor.u32 s25, v2;
	s25 =	simm.s32 $0xC  }
0xd6: {  	v16 =	vld.idx.msk [tilespmem:v11+s0+$0x0], $0xffff;
	v11 =	vor.u32 s25, v3;
	v4 =	vadd.f32 v5, v4;
	v5 =	vmul.f32 v12, v8  }
0xd7: {  	v18 =	vld.idx.msk [tilespmem:v18+s31+$0x0], $0xffff;
	v8 =	vor.u32 s25, v2;
	s25 =	simm.s32 $0xD  }
0xd8: {  	v10 =	vmul.f32 v14, v10;
	v19 =	vld.idx.msk [tilespmem:v13+s0+$0x0], $0xffff;
	v12 =	vor.u32 s25, v3;
	v5 =	vadd.f32 v5, v4  }
0xd9: {  	s16 =	simm.s32 $0xE;
	v14 =	vor.u32 s25, v2;
	v4 =	vld.idx.msk [tilespmem:v9+s31+$0x0], $0xffff  }
0xda: {  	v20 =	vor.u32 s16, v3;
	v6 =	vmul.f32 v17, v6;
	v9 =	vld.idx.msk [tilespmem:v15+s0+$0x0], $0xffff;
	v10 =	vadd.f32 v10, v5  }
0xdb: {  	v5 =	vld.idx.msk [tilespmem:v11+s31+$0x0], $0xffff;
	v11 =	vor.u32 s16, v2;
	s16 =	simm.s32 $0xF  }
0xdc: {  	v7 =	vmul.f32 v16, v7;
	v8 =	vld.idx.msk [tilespmem:v8+s0+$0x0], $0xffff;
	v15 =	vor.u32 s16, v3;
	v17 =	vadd.f32 v6, v10  }
0xdd: {  	s25 =	simm.s32 $0x10;
	v6 =	vld.idx.msk [tilespmem:v12+s31+$0x0], $0xffff;
	v12 =	vor.u32 s16, v2  }
0xde: {  	v13 =	vor.u32 s25, v3;
	v10 =	vld.idx.msk [tilespmem:v14+s0+$0x0], $0xffff;
	v16 =	vadd.f32 v7, v17;
	v17 =	vmul.f32 v19, v18  }
0xdf: {  	s28 =	simm.s32 $0x20;
	v14 =	vor.u32 s25, v2;
	s16 =	simm.s32 $0x11;
	v7 =	vld.idx.msk [tilespmem:v20+s31+$0x0], $0xffff  }
.LBB2_7:
0xe0: {  	p0 =	slt.u32 s28, $0x30;
	v18 =	vor.u32 s16, v3;
	v16 =	vadd.f32 v17, v16;
	v4 =	vmul.f32 v9, v4;
	v9 =	vld.idx.msk [tilespmem:v11+s0+$0x0], $0xffff  }
0xe1: {  	v11 =	vor.u32 s16, v2;
	s16 =	sadd.s32 $0x2, s25;
	v15 =	vld.idx.msk [tilespmem:v15+s31+$0x0], $0xffff  }
0xe2: {  	v17 =	vor.u32 s16, v3;
	v5 =	vmul.f32 v8, v5;
	v4 =	vadd.f32 v4, v16;
	v8 =	vld.idx.msk [tilespmem:v12+s0+$0x0], $0xffff  }
0xe3: {  	v12 =	vld.idx.msk [tilespmem:v13+s31+$0x0], $0xffff;
	v13 =	vor.u32 s16, v2;
	s16 =	sadd.s32 $0x3, s25  }
0xe4: {  	v14 =	vld.idx.msk [tilespmem:v14+s0+$0x0], $0xffff;
	v16 =	vor.u32 s16, v3;
	v4 =	vadd.f32 v5, v4;
	v5 =	vmul.f32 v10, v6  }
0xe5: {  	v10 =	vor.u32 s16, v2;
	s16 =	sadd.s32 $0x4, s25;
	v6 =	vld.idx.msk [tilespmem:v18+s31+$0x0], $0xffff  }
0xe6: {  	v18 =	vor.u32 s16, v3;
	v11 =	vld.idx.msk [tilespmem:v11+s0+$0x0], $0xffff;
	v4 =	vadd.f32 v5, v4;
	v5 =	vmul.f32 v9, v7  }
0xe7: {  	v9 =	vor.u32 s16, v2;
	s16 =	sadd.s32 $0x5, s25;
	v7 =	vld.idx.msk [tilespmem:v17+s31+$0x0], $0xffff  }
0xe8: {  	v17 =	vor.u32 s16, v3;
	v13 =	vld.idx.msk [tilespmem:v13+s0+$0x0], $0xffff;
	v4 =	vadd.f32 v5, v4;
	v5 =	vmul.f32 v8, v15  }
0xe9: {  	v15 =	vor.u32 s16, v2;
	s16 =	sadd.s32 $0x6, s25;
	v8 =	vld.idx.msk [tilespmem:v16+s31+$0x0], $0xffff  }
0xea: {  	v12 =	vmul.f32 v14, v12;
	v14 =	vor.u32 s16, v3;
	v10 =	vld.idx.msk [tilespmem:v10+s0+$0x0], $0xffff;
	v4 =	vadd.f32 v5, v4  }
0xeb: {  	v16 =	vor.u32 s16, v2;
	s16 =	sadd.s32 $0x7, s25;
	v5 =	vld.idx.msk [tilespmem:v18+s31+$0x0], $0xffff  }
0xec: {  	v6 =	vmul.f32 v11, v6;
	v11 =	vor.u32 s16, v3;
	v4 =	vadd.f32 v12, v4;
	v9 =	vld.idx.msk [tilespmem:v9+s0+$0x0], $0xffff  }
0xed: {  	v12 =	vld.idx.msk [tilespmem:v17+s31+$0x0], $0xffff;
	v17 =	vor.u32 s16, v2;
	s16 =	sadd.s32 $0x8, s25  }
0xee: {  	v4 =	vadd.f32 v6, v4;
	v6 =	vmul.f32 v13, v7;
	v7 =	vld.idx.msk [tilespmem:v15+s0+$0x0], $0xffff;
	v13 =	vor.u32 s16, v3  }
0xef: {  	v15 =	vor.u32 s16, v2;
	s16 =	sadd.s32 $0x9, s25;
	v14 =	vld.idx.msk [tilespmem:v14+s31+$0x0], $0xffff  }
0xf0: {  	v4 =	vadd.f32 v6, v4;
	v6 =	vmul.f32 v10, v8;
	v8 =	vld.idx.msk [tilespmem:v16+s0+$0x0], $0xffff;
	v10 =	vor.u32 s16, v3  }
0xf1: {  	v16 =	vor.u32 s16, v2;
	s16 =	sadd.s32 $0xA, s25;
	v11 =	vld.idx.msk [tilespmem:v11+s31+$0x0], $0xffff  }
0xf2: {  	v5 =	vmul.f32 v9, v5;
	v9 =	vor.u32 s16, v3;
	v4 =	vadd.f32 v6, v4;
	v6 =	vld.idx.msk [tilespmem:v17+s0+$0x0], $0xffff  }
0xf3: {  	v17 =	vor.u32 s16, v2;
	s16 =	sadd.s32 $0xB, s25;
	v13 =	vld.idx.msk [tilespmem:v13+s31+$0x0], $0xffff  }
0xf4: {  	v4 =	vadd.f32 v5, v4;
	v5 =	vmul.f32 v7, v12;
	v7 =	vld.idx.msk [tilespmem:v15+s0+$0x0], $0xffff;
	v12 =	vor.u32 s16, v3  }
0xf5: {  	v15 =	vor.u32 s16, v2;
	s16 =	sadd.s32 $0xC, s25;
	v10 =	vld.idx.msk [tilespmem:v10+s31+$0x0], $0xffff  }
0xf6: {  	v4 =	vadd.f32 v5, v4;
	v5 =	vmul.f32 v8, v14;
	v8 =	vld.idx.msk [tilespmem:v16+s0+$0x0], $0xffff;
	v14 =	vor.u32 s16, v3  }
0xf7: {  	v16 =	vor.u32 s16, v2;
	s16 =	sadd.s32 $0xD, s25;
	v18 =	vld.idx.msk [tilespmem:v9+s31+$0x0], $0xffff  }
0xf8: {  	v6 =	vmul.f32 v6, v11;
	v19 =	vor.u32 s16, v3;
	v5 =	vadd.f32 v5, v4;
	v17 =	vld.idx.msk [tilespmem:v17+s0+$0x0], $0xffff  }
0xf9: {  	v20 =	vor.u32 s16, v2;
	s16 =	sadd.s32 $0xE, s25;
	v4 =	vld.idx.msk [tilespmem:v12+s31+$0x0], $0xffff  }
0xfa: {  	v21 =	vor.u32 s16, v3;
	v7 =	vmul.f32 v7, v13;
	v6 =	vadd.f32 v6, v5;
	v9 =	vld.idx.msk [tilespmem:v15+s0+$0x0], $0xffff  }
.Ltmp2:
0xfb: {  	v11 =	vor.u32 s16, v2;
	s16 =	sadd.s32 $0xF, s25;
	s25 =	smov.u32 s28;
	v5 =	vld.idx.msk [tilespmem:v14+s31+$0x0], $0xffff;
	(pc) =	sbr.rel @p0 .LBB2_7-.Ltmp2, $4  }
0xfc: {  	v15 =	vor.u32 s16, v3;
	v10 =	vmul.f32 v8, v10;
	v7 =	vadd.f32 v7, v6;
	v8 =	vld.idx.msk [tilespmem:v16+s0+$0x0], $0xffff  }
0xfd: {  	v12 =	vor.u32 s16, v2;
	v6 =	vld.idx.msk [tilespmem:v19+s31+$0x0], $0xffff  }
0xfe: {  	v13 =	vor.u32 s28, v3;
	v17 =	vmul.f32 v17, v18;
	v16 =	vadd.f32 v10, v7;
	v10 =	vld.idx.msk [tilespmem:v20+s0+$0x0], $0xffff  }
0xff: {  	s28 =	sadd.s32 $0x10, s28;
	s16 =	sadd.s32 $0x1, s25;
	v14 =	vor.u32 s25, v2;
	v7 =	vld.idx.msk [tilespmem:v21+s31+$0x0], $0xffff  }
0x100: {  	_ =	sdelay $0x2  }
0x101: {  	v16 =	vadd.f32 v17, v16;
	v4 =	vmul.f32 v9, v4  }
0x102: {  	v47 =	vor.u32 s16, v3;
	v11 =	vld.idx.msk [tilespmem:v11+s0+$0x0], $0xffff  }
0x103: {  	v48 =	vor.u32 s16, v2;
	s28 =	sadd.s32 $0x2, s25;
	v15 =	vld.idx.msk [tilespmem:v15+s31+$0x0], $0xffff;
	v5 =	vmul.f32 v8, v5;
	v4 =	vadd.f32 v4, v16  }
0x104: {  	v12 =	vld.idx.msk [tilespmem:v12+s0+$0x0], $0xffff;
	v49 =	vor.u32 s28, v3  }
0x105: {  	v13 =	vld.idx.msk [tilespmem:v13+s31+$0x0], $0xffff;
	v50 =	vor.u32 s28, v2;
	s28 =	sadd.s32 $0x3, s25;
	v51 =	vmul.f32 v10, v6;
	v4 =	vadd.f32 v5, v4  }
0x106: {  	v52 =	vld.idx.msk [tilespmem:v14+s0+$0x0], $0xffff;
	v53 =	vor.u32 s28, v3  }
0x107: {  	v54 =	vor.u32 s28, v2;
	s28 =	sadd.s32 $0x4, s25;
	v9 =	vld.idx.msk [tilespmem:v47+s31+$0x0], $0xffff;
	v55 =	vmul.f32 v11, v7;
	v4 =	vadd.f32 v51, v4  }
0x108: {  	v57 =	vor.u32 s28, v3;
	v56 =	vld.idx.msk [tilespmem:v48+s0+$0x0], $0xffff  }
0x109: {  	v58 =	vor.u32 s28, v2;
	s28 =	sadd.s32 $0x5, s25;
	v59 =	vmul.f32 v12, v15;
	v8 =	vld.idx.msk [tilespmem:v49+s31+$0x0], $0xffff;
	v4 =	vadd.f32 v55, v4  }
0x10a: {  	v61 =	vor.u32 s28, v3;
	v60 =	vld.idx.msk [tilespmem:v50+s0+$0x0], $0xffff  }
0x10b: {  	v62 =	vor.u32 s28, v2;
	s28 =	sadd.s32 $0x6, s25;
	v6 =	vmul.f32 v52, v13;
	v10 =	vld.idx.msk [tilespmem:v53+s31+$0x0], $0xffff;
	v4 =	vadd.f32 v59, v4  }
0x10c: {  	v20 =	vor.u32 s28, v3;
	v63 =	vld.idx.msk [tilespmem:v54+s0+$0x0], $0xffff  }
0x10d: {  	v21 =	vor.u32 s28, v2;
	s28 =	sadd.s32 $0x7, s25;
	v11 =	vld.idx.msk [tilespmem:v57+s31+$0x0], $0xffff;
	v22 =	vmul.f32 v56, v9;
	v4 =	vadd.f32 v6, v4  }
0x10e: {  	v24 =	vor.u32 s28, v3;
	v23 =	vld.idx.msk [tilespmem:v58+s0+$0x0], $0xffff  }
0x10f: {  	v25 =	vor.u32 s28, v2;
	s28 =	sadd.s32 $0x8, s25;
	v15 =	vld.idx.msk [tilespmem:v61+s31+$0x0], $0xffff;
	v26 =	vmul.f32 v60, v8;
	v4 =	vadd.f32 v22, v4  }
0x110: {  	v28 =	vor.u32 s28, v3;
	v27 =	vld.idx.msk [tilespmem:v62+s0+$0x0], $0xffff  }
0x111: {  	v29 =	vor.u32 s28, v2;
	s28 =	sadd.s32 $0x9, s25;
	v13 =	vld.idx.msk [tilespmem:v20+s31+$0x0], $0xffff;
	v5 =	vmul.f32 v63, v10;
	v4 =	vadd.f32 v26, v4  }
0x112: {  	v31 =	vor.u32 s28, v3;
	v30 =	vld.idx.msk [tilespmem:v21+s0+$0x0], $0xffff  }
0x113: {  	v32 =	vor.u32 s28, v2;
	s28 =	sadd.s32 $0xA, s25;
	v9 =	vld.idx.msk [tilespmem:v24+s31+$0x0], $0xffff;
	v33 =	vmul.f32 v23, v11;
	v4 =	vadd.f32 v5, v4  }
0x114: {  	v35 =	vor.u32 s28, v3;
	v34 =	vld.idx.msk [tilespmem:v25+s0+$0x0], $0xffff  }
0x115: {  	v36 =	vor.u32 s28, v2;
	s28 =	sadd.s32 $0xB, s25;
	v12 =	vld.idx.msk [tilespmem:v28+s31+$0x0], $0xffff;
	v37 =	vmul.f32 v27, v15;
	v4 =	vadd.f32 v33, v4  }
0x116: {  	v39 =	vor.u32 s28, v3;
	v38 =	vld.idx.msk [tilespmem:v29+s0+$0x0], $0xffff  }
0x117: {  	v40 =	vor.u32 s28, v2;
	s28 =	sadd.s32 $0xC, s25;
	v10 =	vld.idx.msk [tilespmem:v31+s31+$0x0], $0xffff;
	v41 =	vmul.f32 v30, v13;
	v4 =	vadd.f32 v37, v4  }
0x118: {  	v43 =	vor.u32 s28, v3;
	v42 =	vld.idx.msk [tilespmem:v32+s0+$0x0], $0xffff  }
0x119: {  	v44 =	vor.u32 s28, v2;
	s28 =	sadd.s32 $0xD, s25;
	v11 =	vld.idx.msk [tilespmem:v35+s31+$0x0], $0xffff;
	v45 =	vmul.f32 v34, v9;
	v4 =	vadd.f32 v41, v4  }
0x11a: {  	v47 =	vor.u32 s28, v3;
	v46 =	vld.idx.msk [tilespmem:v36+s0+$0x0], $0xffff  }
0x11b: {  	v48 =	vor.u32 s28, v2;
	s28 =	sadd.s32 $0xE, s25;
	v15 =	vld.idx.msk [tilespmem:v39+s31+$0x0], $0xffff;
	v49 =	vmul.f32 v38, v12;
	v4 =	vadd.f32 v45, v4  }
0x11c: {  	v51 =	vor.u32 s28, v3;
	v50 =	vld.idx.msk [tilespmem:v40+s0+$0x0], $0xffff  }
0x11d: {  	v52 =	vor.u32 s28, v2;
	s28 =	sadd.s32 $0xF, s25;
	v13 =	vld.idx.msk [tilespmem:v43+s31+$0x0], $0xffff;
	v53 =	vmul.f32 v42, v10;
	v4 =	vadd.f32 v49, v4  }
0x11e: {  	v3 =	vor.u32 s28, v3;
	v54 =	vld.idx.msk [tilespmem:v44+s0+$0x0], $0xffff  }
0x11f: {  	v2 =	vor.u32 s28, v2;
	v9 =	vld.idx.msk [tilespmem:v47+s31+$0x0], $0xffff;
	v55 =	vmul.f32 v46, v11;
	v4 =	vadd.f32 v53, v4  }
0x120: {  	v56 =	vld.idx.msk [tilespmem:v48+s0+$0x0], $0xffff  }
0x121: {  	v57 =	vld.idx.msk [tilespmem:v51+s31+$0x0], $0xffff;
	v58 =	vmul.f32 v50, v15;
	v4 =	vadd.f32 v55, v4  }
0x122: {  	v59 =	vld.idx.msk [tilespmem:v52+s0+$0x0], $0xffff  }
0x123: {  	v3 =	vld.idx.msk [tilespmem:v3+s31+$0x0], $0xffff;
	v60 =	vmul.f32 v54, v13;
	v4 =	vadd.f32 v58, v4  }
0x124: {  	v2 =	vld.idx.msk [tilespmem:v2+s0+$0x0], $0xffff  }
0x125: {  	v61 =	vmul.f32 v56, v9;
	v4 =	vadd.f32 v60, v4;
	_ =	sdelay $0x1  }
0x126: {  	v62 =	vmul.f32 v59, v57;
	v4 =	vadd.f32 v61, v4  }
0x127: {  	v63 =	vld [tilespmem:s23+$0x10480]  }
0x128: {  	v2 =	vmul.f32 v2, v3;
	v4 =	vadd.f32 v62, v4  }
0x129: {  	v3 =	vld [tilespmem:s23+$0x10680]  }
0x12a: {  	v2 =	vadd.f32 v2, v4;
	_ =	sdelay $0x1  }
0x12b: {  	s21 =	sadd.s32 $0x1, s21;
	v2 =	vadd.f32 v63, v2  }
0x12c: {  	p0 =	sne.s32 s21, $0x8  }
.Ltmp3:
0x12d: {  	v2 =	vadd.f32 v3, v2;
	(pc) =	sbr.rel @p0 .LBB2_6-.Ltmp3, $3  }
0x12e: {  	_ = 	snop  }
0x12f: {  	v2 =	vadd.f32 v2, v1;
	_ =	sdelay $0x1  }
0x130: {  	[tilespmem:s23+$0x10880] =	vst v2  }
0x131: {  	[tilespmem:s31], [sflag:$0x3] =	stream.indirect.gather [hbm4b:s3+s14], $0x80, s24, s14, $0xb8;
	[tilespmem:$0x10A80] =	vst v63  }
0x132: {  	_ = 	snop  }
0x133: {  	[tilespmem:s0], [sflag:$0x3] =	stream.indirect.gather [hbm4b:s3+s14], $0x80, s26, s14, $0xb8;
	[tilespmem:$0x10A80] =	vst v63  }
0x134: {  	_ =	swait.ge [sflag:s2], $0x4000  }
0x135: {  	[sflag:s2] =	ssyncset.done $0x0  }
0x136: {  	[sflag:s2] =	ssyncadd.s32 $0xFFFFC000  }
0x137: {  	_ =	swait.ge [sflag:s2], $0x4000  }
0x138: {  	[sflag:s2] =	ssyncset.done $0x0  }
0x139: {  	s19 =	simm.s32 $0x0;
	s21 =	simm.s32 $0x0;
	[sflag:s2] =	ssyncadd.s32 $0xFFFFC000  }
.LBB2_10:
0x13a: {  	s23 =	sshll.u32 s21, $0x4  }
0x13b: {  	v2 =	vmov s23  }
0x13c: {  	v2 =	vshll.u32 v2, $0x7  }
0x13d: {  	v3 =	vor.u32 v0, v2  }
0x13e: {  	s16 =	simm.s32 $0x1;
	v4 =	vor.u32 s19, v3  }
0x13f: {  	v2 =	vor.u32 $0x40, v3;
	v6 =	vor.u32 s16, v3  }
0x140: {  	s25 =	simm.s32 $0x2;
	v5 =	vor.u32 s19, v2  }
0x141: {  	v8 =	vor.u32 s25, v3  }
0x142: {  	v7 =	vor.u32 s16, v2  }
0x143: {  	v9 =	vor.u32 s25, v2;
	s25 =	simm.s32 $0x3;
	v4 =	vld.idx.msk [tilespmem:v4+s29+$0x0], $0xffff  }
0x144: {  	v10 =	vor.u32 s25, v3;
	v6 =	vld.idx.msk [tilespmem:v6+s29+$0x0], $0xffff  }
0x145: {  	v11 =	vor.u32 s25, v2;
	s25 =	simm.s32 $0x4;
	v5 =	vld.idx.msk [tilespmem:v5+s30+$0x0], $0xffff  }
0x146: {  	v12 =	vor.u32 s25, v3;
	v8 =	vld.idx.msk [tilespmem:v8+s29+$0x0], $0xffff  }
0x147: {  	v13 =	vor.u32 s25, v2;
	s25 =	simm.s32 $0x5;
	v7 =	vld.idx.msk [tilespmem:v7+s30+$0x0], $0xffff  }
0x148: {  	v14 =	vor.u32 s25, v3;
	v9 =	vld.idx.msk [tilespmem:v9+s30+$0x0], $0xffff  }
0x149: {  	v15 =	vor.u32 s25, v2;
	s25 =	simm.s32 $0x6;
	v10 =	vld.idx.msk [tilespmem:v10+s29+$0x0], $0xffff  }
0x14a: {  	v16 =	vor.u32 s25, v3;
	v11 =	vld.idx.msk [tilespmem:v11+s30+$0x0], $0xffff;
	v4 =	vmul.f32 v5, v4  }
0x14b: {  	v17 =	vimm.f32 $0.0e+00;
	v5 =	vld.idx.msk [tilespmem:v12+s29+$0x0], $0xffff;
	v12 =	vor.u32 s25, v2;
	s25 =	simm.s32 $0x7  }
0x14c: {  	v13 =	vld.idx.msk [tilespmem:v13+s30+$0x0], $0xffff;
	v6 =	vmul.f32 v7, v6;
	v18 =	vor.u32 s25, v3;
	v4 =	vadd.f32 v4, v17  }
0x14d: {  	v7 =	vld.idx.msk [tilespmem:v14+s29+$0x0], $0xffff;
	v14 =	vor.u32 s25, v2;
	s25 =	simm.s32 $0x8  }
0x14e: {  	v15 =	vld.idx.msk [tilespmem:v15+s30+$0x0], $0xffff;
	v17 =	vor.u32 s25, v3;
	v4 =	vadd.f32 v6, v4;
	v6 =	vmul.f32 v9, v8  }
0x14f: {  	v8 =	vld.idx.msk [tilespmem:v16+s29+$0x0], $0xffff;
	v9 =	vor.u32 s25, v2;
	s25 =	simm.s32 $0x9  }
0x150: {  	v12 =	vld.idx.msk [tilespmem:v12+s30+$0x0], $0xffff;
	v16 =	vor.u32 s25, v3;
	v4 =	vadd.f32 v6, v4;
	v6 =	vmul.f32 v11, v10  }
0x151: {  	v10 =	vld.idx.msk [tilespmem:v18+s29+$0x0], $0xffff;
	v11 =	vor.u32 s25, v2;
	s25 =	simm.s32 $0xA  }
0x152: {  	v5 =	vmul.f32 v13, v5;
	v14 =	vld.idx.msk [tilespmem:v14+s30+$0x0], $0xffff;
	v18 =	vor.u32 s25, v3;
	v4 =	vadd.f32 v6, v4  }
0x153: {  	v13 =	vor.u32 s25, v2;
	s25 =	simm.s32 $0xB;
	v6 =	vld.idx.msk [tilespmem:v17+s29+$0x0], $0xffff  }
0x154: {  	v17 =	vld.idx.msk [tilespmem:v9+s30+$0x0], $0xffff;
	v9 =	vor.u32 s25, v3;
	v4 =	vadd.f32 v5, v4;
	v5 =	vmul.f32 v15, v7  }
0x155: {  	v7 =	vld.idx.msk [tilespmem:v16+s29+$0x0], $0xffff;
	v15 =	vor.u32 s25, v2;
	s25 =	simm.s32 $0xC  }
0x156: {  	v16 =	vld.idx.msk [tilespmem:v11+s30+$0x0], $0xffff;
	v11 =	vor.u32 s25, v3;
	v4 =	vadd.f32 v5, v4;
	v5 =	vmul.f32 v12, v8  }
0x157: {  	v18 =	vld.idx.msk [tilespmem:v18+s29+$0x0], $0xffff;
	v8 =	vor.u32 s25, v2;
	s25 =	simm.s32 $0xD  }
0x158: {  	v10 =	vmul.f32 v14, v10;
	v19 =	vld.idx.msk [tilespmem:v13+s30+$0x0], $0xffff;
	v12 =	vor.u32 s25, v3;
	v5 =	vadd.f32 v5, v4  }
0x159: {  	s16 =	simm.s32 $0xE;
	v14 =	vor.u32 s25, v2;
	v4 =	vld.idx.msk [tilespmem:v9+s29+$0x0], $0xffff  }
0x15a: {  	v20 =	vor.u32 s16, v3;
	v6 =	vmul.f32 v17, v6;
	v9 =	vld.idx.msk [tilespmem:v15+s30+$0x0], $0xffff;
	v10 =	vadd.f32 v10, v5  }
0x15b: {  	v5 =	vld.idx.msk [tilespmem:v11+s29+$0x0], $0xffff;
	v11 =	vor.u32 s16, v2;
	s16 =	simm.s32 $0xF  }
0x15c: {  	v7 =	vmul.f32 v16, v7;
	v8 =	vld.idx.msk [tilespmem:v8+s30+$0x0], $0xffff;
	v15 =	vor.u32 s16, v3;
	v17 =	vadd.f32 v6, v10  }
0x15d: {  	s25 =	simm.s32 $0x10;
	v6 =	vld.idx.msk [tilespmem:v12+s29+$0x0], $0xffff;
	v12 =	vor.u32 s16, v2  }
0x15e: {  	v13 =	vor.u32 s25, v3;
	v10 =	vld.idx.msk [tilespmem:v14+s30+$0x0], $0xffff;
	v16 =	vadd.f32 v7, v17;
	v17 =	vmul.f32 v19, v18  }
0x15f: {  	s28 =	simm.s32 $0x20;
	v14 =	vor.u32 s25, v2;
	s16 =	simm.s32 $0x11;
	v7 =	vld.idx.msk [tilespmem:v20+s29+$0x0], $0xffff  }
.LBB2_11:
0x160: {  	p0 =	slt.u32 s28, $0x30;
	v18 =	vor.u32 s16, v3;
	v16 =	vadd.f32 v17, v16;
	v4 =	vmul.f32 v9, v4;
	v9 =	vld.idx.msk [tilespmem:v11+s30+$0x0], $0xffff  }
0x161: {  	v11 =	vor.u32 s16, v2;
	s16 =	sadd.s32 $0x2, s25;
	v15 =	vld.idx.msk [tilespmem:v15+s29+$0x0], $0xffff  }
0x162: {  	v17 =	vor.u32 s16, v3;
	v5 =	vmul.f32 v8, v5;
	v4 =	vadd.f32 v4, v16;
	v8 =	vld.idx.msk [tilespmem:v12+s30+$0x0], $0xffff  }
0x163: {  	v12 =	vld.idx.msk [tilespmem:v13+s29+$0x0], $0xffff;
	v13 =	vor.u32 s16, v2;
	s16 =	sadd.s32 $0x3, s25  }
0x164: {  	v14 =	vld.idx.msk [tilespmem:v14+s30+$0x0], $0xffff;
	v16 =	vor.u32 s16, v3;
	v4 =	vadd.f32 v5, v4;
	v5 =	vmul.f32 v10, v6  }
0x165: {  	v10 =	vor.u32 s16, v2;
	s16 =	sadd.s32 $0x4, s25;
	v6 =	vld.idx.msk [tilespmem:v18+s29+$0x0], $0xffff  }
0x166: {  	v18 =	vor.u32 s16, v3;
	v11 =	vld.idx.msk [tilespmem:v11+s30+$0x0], $0xffff;
	v4 =	vadd.f32 v5, v4;
	v5 =	vmul.f32 v9, v7  }
0x167: {  	v9 =	vor.u32 s16, v2;
	s16 =	sadd.s32 $0x5, s25;
	v7 =	vld.idx.msk [tilespmem:v17+s29+$0x0], $0xffff  }
0x168: {  	v17 =	vor.u32 s16, v3;
	v13 =	vld.idx.msk [tilespmem:v13+s30+$0x0], $0xffff;
	v4 =	vadd.f32 v5, v4;
	v5 =	vmul.f32 v8, v15  }
0x169: {  	v15 =	vor.u32 s16, v2;
	s16 =	sadd.s32 $0x6, s25;
	v8 =	vld.idx.msk [tilespmem:v16+s29+$0x0], $0xffff  }
0x16a: {  	v12 =	vmul.f32 v14, v12;
	v14 =	vor.u32 s16, v3;
	v10 =	vld.idx.msk [tilespmem:v10+s30+$0x0], $0xffff;
	v4 =	vadd.f32 v5, v4  }
0x16b: {  	v16 =	vor.u32 s16, v2;
	s16 =	sadd.s32 $0x7, s25;
	v5 =	vld.idx.msk [tilespmem:v18+s29+$0x0], $0xffff  }
0x16c: {  	v6 =	vmul.f32 v11, v6;
	v11 =	vor.u32 s16, v3;
	v4 =	vadd.f32 v12, v4;
	v9 =	vld.idx.msk [tilespmem:v9+s30+$0x0], $0xffff  }
0x16d: {  	v12 =	vld.idx.msk [tilespmem:v17+s29+$0x0], $0xffff;
	v17 =	vor.u32 s16, v2;
	s16 =	sadd.s32 $0x8, s25  }
0x16e: {  	v4 =	vadd.f32 v6, v4;
	v6 =	vmul.f32 v13, v7;
	v7 =	vld.idx.msk [tilespmem:v15+s30+$0x0], $0xffff;
	v13 =	vor.u32 s16, v3  }
0x16f: {  	v15 =	vor.u32 s16, v2;
	s16 =	sadd.s32 $0x9, s25;
	v14 =	vld.idx.msk [tilespmem:v14+s29+$0x0], $0xffff  }
0x170: {  	v4 =	vadd.f32 v6, v4;
	v6 =	vmul.f32 v10, v8;
	v8 =	vld.idx.msk [tilespmem:v16+s30+$0x0], $0xffff;
	v10 =	vor.u32 s16, v3  }
0x171: {  	v16 =	vor.u32 s16, v2;
	s16 =	sadd.s32 $0xA, s25;
	v11 =	vld.idx.msk [tilespmem:v11+s29+$0x0], $0xffff  }
0x172: {  	v5 =	vmul.f32 v9, v5;
	v9 =	vor.u32 s16, v3;
	v4 =	vadd.f32 v6, v4;
	v6 =	vld.idx.msk [tilespmem:v17+s30+$0x0], $0xffff  }
0x173: {  	v17 =	vor.u32 s16, v2;
	s16 =	sadd.s32 $0xB, s25;
	v13 =	vld.idx.msk [tilespmem:v13+s29+$0x0], $0xffff  }
0x174: {  	v4 =	vadd.f32 v5, v4;
	v5 =	vmul.f32 v7, v12;
	v7 =	vld.idx.msk [tilespmem:v15+s30+$0x0], $0xffff;
	v12 =	vor.u32 s16, v3  }
0x175: {  	v15 =	vor.u32 s16, v2;
	s16 =	sadd.s32 $0xC, s25;
	v10 =	vld.idx.msk [tilespmem:v10+s29+$0x0], $0xffff  }
0x176: {  	v4 =	vadd.f32 v5, v4;
	v5 =	vmul.f32 v8, v14;
	v8 =	vld.idx.msk [tilespmem:v16+s30+$0x0], $0xffff;
	v14 =	vor.u32 s16, v3  }
0x177: {  	v16 =	vor.u32 s16, v2;
	s16 =	sadd.s32 $0xD, s25;
	v18 =	vld.idx.msk [tilespmem:v9+s29+$0x0], $0xffff  }
0x178: {  	v6 =	vmul.f32 v6, v11;
	v19 =	vor.u32 s16, v3;
	v5 =	vadd.f32 v5, v4;
	v17 =	vld.idx.msk [tilespmem:v17+s30+$0x0], $0xffff  }
0x179: {  	v20 =	vor.u32 s16, v2;
	s16 =	sadd.s32 $0xE, s25;
	v4 =	vld.idx.msk [tilespmem:v12+s29+$0x0], $0xffff  }
0x17a: {  	v21 =	vor.u32 s16, v3;
	v7 =	vmul.f32 v7, v13;
	v6 =	vadd.f32 v6, v5;
	v9 =	vld.idx.msk [tilespmem:v15+s30+$0x0], $0xffff  }
.Ltmp4:
0x17b: {  	v11 =	vor.u32 s16, v2;
	s16 =	sadd.s32 $0xF, s25;
	s25 =	smov.u32 s28;
	v5 =	vld.idx.msk [tilespmem:v14+s29+$0x0], $0xffff;
	(pc) =	sbr.rel @p0 .LBB2_11-.Ltmp4, $4  }
0x17c: {  	v15 =	vor.u32 s16, v3;
	v10 =	vmul.f32 v8, v10;
	v7 =	vadd.f32 v7, v6;
	v8 =	vld.idx.msk [tilespmem:v16+s30+$0x0], $0xffff  }
0x17d: {  	v12 =	vor.u32 s16, v2;
	v6 =	vld.idx.msk [tilespmem:v19+s29+$0x0], $0xffff  }
0x17e: {  	v13 =	vor.u32 s28, v3;
	v17 =	vmul.f32 v17, v18;
	v16 =	vadd.f32 v10, v7;
	v10 =	vld.idx.msk [tilespmem:v20+s30+$0x0], $0xffff  }
0x17f: {  	s28 =	sadd.s32 $0x10, s28;
	s16 =	sadd.s32 $0x1, s25;
	v14 =	vor.u32 s25, v2;
	v7 =	vld.idx.msk [tilespmem:v21+s29+$0x0], $0xffff  }
0x180: {  	_ =	sdelay $0x2  }
0x181: {  	v16 =	vadd.f32 v17, v16;
	v4 =	vmul.f32 v9, v4  }
0x182: {  	v47 =	vor.u32 s16, v3;
	v11 =	vld.idx.msk [tilespmem:v11+s30+$0x0], $0xffff  }
0x183: {  	v48 =	vor.u32 s16, v2;
	s28 =	sadd.s32 $0x2, s25;
	v15 =	vld.idx.msk [tilespmem:v15+s29+$0x0], $0xffff;
	v5 =	vmul.f32 v8, v5;
	v4 =	vadd.f32 v4, v16  }
0x184: {  	v12 =	vld.idx.msk [tilespmem:v12+s30+$0x0], $0xffff;
	v49 =	vor.u32 s28, v3  }
0x185: {  	v13 =	vld.idx.msk [tilespmem:v13+s29+$0x0], $0xffff;
	v50 =	vor.u32 s28, v2;
	s28 =	sadd.s32 $0x3, s25;
	v51 =	vmul.f32 v10, v6;
	v4 =	vadd.f32 v5, v4  }
0x186: {  	v52 =	vld.idx.msk [tilespmem:v14+s30+$0x0], $0xffff;
	v53 =	vor.u32 s28, v3  }
0x187: {  	v54 =	vor.u32 s28, v2;
	s28 =	sadd.s32 $0x4, s25;
	v9 =	vld.idx.msk [tilespmem:v47+s29+$0x0], $0xffff;
	v55 =	vmul.f32 v11, v7;
	v4 =	vadd.f32 v51, v4  }
0x188: {  	v57 =	vor.u32 s28, v3;
	v56 =	vld.idx.msk [tilespmem:v48+s30+$0x0], $0xffff  }
0x189: {  	v58 =	vor.u32 s28, v2;
	s28 =	sadd.s32 $0x5, s25;
	v59 =	vmul.f32 v12, v15;
	v8 =	vld.idx.msk [tilespmem:v49+s29+$0x0], $0xffff;
	v4 =	vadd.f32 v55, v4  }
0x18a: {  	v61 =	vor.u32 s28, v3;
	v60 =	vld.idx.msk [tilespmem:v50+s30+$0x0], $0xffff  }
0x18b: {  	v62 =	vor.u32 s28, v2;
	s28 =	sadd.s32 $0x6, s25;
	v6 =	vmul.f32 v52, v13;
	v10 =	vld.idx.msk [tilespmem:v53+s29+$0x0], $0xffff;
	v4 =	vadd.f32 v59, v4  }
0x18c: {  	v20 =	vor.u32 s28, v3;
	v63 =	vld.idx.msk [tilespmem:v54+s30+$0x0], $0xffff  }
0x18d: {  	v21 =	vor.u32 s28, v2;
	s28 =	sadd.s32 $0x7, s25;
	v11 =	vld.idx.msk [tilespmem:v57+s29+$0x0], $0xffff;
	v22 =	vmul.f32 v56, v9;
	v4 =	vadd.f32 v6, v4  }
0x18e: {  	v24 =	vor.u32 s28, v3;
	v23 =	vld.idx.msk [tilespmem:v58+s30+$0x0], $0xffff  }
0x18f: {  	v25 =	vor.u32 s28, v2;
	s28 =	sadd.s32 $0x8, s25;
	v15 =	vld.idx.msk [tilespmem:v61+s29+$0x0], $0xffff;
	v26 =	vmul.f32 v60, v8;
	v4 =	vadd.f32 v22, v4  }
0x190: {  	v28 =	vor.u32 s28, v3;
	v27 =	vld.idx.msk [tilespmem:v62+s30+$0x0], $0xffff  }
0x191: {  	v29 =	vor.u32 s28, v2;
	s28 =	sadd.s32 $0x9, s25;
	v13 =	vld.idx.msk [tilespmem:v20+s29+$0x0], $0xffff;
	v5 =	vmul.f32 v63, v10;
	v4 =	vadd.f32 v26, v4  }
0x192: {  	v31 =	vor.u32 s28, v3;
	v30 =	vld.idx.msk [tilespmem:v21+s30+$0x0], $0xffff  }
0x193: {  	v32 =	vor.u32 s28, v2;
	s28 =	sadd.s32 $0xA, s25;
	v9 =	vld.idx.msk [tilespmem:v24+s29+$0x0], $0xffff;
	v33 =	vmul.f32 v23, v11;
	v4 =	vadd.f32 v5, v4  }
0x194: {  	v35 =	vor.u32 s28, v3;
	v34 =	vld.idx.msk [tilespmem:v25+s30+$0x0], $0xffff  }
0x195: {  	v36 =	vor.u32 s28, v2;
	s28 =	sadd.s32 $0xB, s25;
	v12 =	vld.idx.msk [tilespmem:v28+s29+$0x0], $0xffff;
	v37 =	vmul.f32 v27, v15;
	v4 =	vadd.f32 v33, v4  }
0x196: {  	v39 =	vor.u32 s28, v3;
	v38 =	vld.idx.msk [tilespmem:v29+s30+$0x0], $0xffff  }
0x197: {  	v40 =	vor.u32 s28, v2;
	s28 =	sadd.s32 $0xC, s25;
	v10 =	vld.idx.msk [tilespmem:v31+s29+$0x0], $0xffff;
	v41 =	vmul.f32 v30, v13;
	v4 =	vadd.f32 v37, v4  }
0x198: {  	v43 =	vor.u32 s28, v3;
	v42 =	vld.idx.msk [tilespmem:v32+s30+$0x0], $0xffff  }
0x199: {  	v44 =	vor.u32 s28, v2;
	s28 =	sadd.s32 $0xD, s25;
	v11 =	vld.idx.msk [tilespmem:v35+s29+$0x0], $0xffff;
	v45 =	vmul.f32 v34, v9;
	v4 =	vadd.f32 v41, v4  }
0x19a: {  	v47 =	vor.u32 s28, v3;
	v46 =	vld.idx.msk [tilespmem:v36+s30+$0x0], $0xffff  }
0x19b: {  	v48 =	vor.u32 s28, v2;
	s28 =	sadd.s32 $0xE, s25;
	v15 =	vld.idx.msk [tilespmem:v39+s29+$0x0], $0xffff;
	v49 =	vmul.f32 v38, v12;
	v4 =	vadd.f32 v45, v4  }
0x19c: {  	v51 =	vor.u32 s28, v3;
	v50 =	vld.idx.msk [tilespmem:v40+s30+$0x0], $0xffff  }
0x19d: {  	v52 =	vor.u32 s28, v2;
	s28 =	sadd.s32 $0xF, s25;
	v13 =	vld.idx.msk [tilespmem:v43+s29+$0x0], $0xffff;
	v53 =	vmul.f32 v42, v10;
	v4 =	vadd.f32 v49, v4  }
0x19e: {  	v3 =	vor.u32 s28, v3;
	v54 =	vld.idx.msk [tilespmem:v44+s30+$0x0], $0xffff  }
0x19f: {  	v2 =	vor.u32 s28, v2;
	v9 =	vld.idx.msk [tilespmem:v47+s29+$0x0], $0xffff;
	v55 =	vmul.f32 v46, v11;
	v4 =	vadd.f32 v53, v4  }
0x1a0: {  	v56 =	vld.idx.msk [tilespmem:v48+s30+$0x0], $0xffff  }
0x1a1: {  	v57 =	vld.idx.msk [tilespmem:v51+s29+$0x0], $0xffff;
	v58 =	vmul.f32 v50, v15;
	v4 =	vadd.f32 v55, v4  }
0x1a2: {  	v59 =	vld.idx.msk [tilespmem:v52+s30+$0x0], $0xffff  }
0x1a3: {  	v3 =	vld.idx.msk [tilespmem:v3+s29+$0x0], $0xffff;
	v60 =	vmul.f32 v54, v13;
	v4 =	vadd.f32 v58, v4  }
0x1a4: {  	v2 =	vld.idx.msk [tilespmem:v2+s30+$0x0], $0xffff  }
0x1a5: {  	v61 =	vmul.f32 v56, v9;
	v4 =	vadd.f32 v60, v4;
	_ =	sdelay $0x1  }
0x1a6: {  	v62 =	vmul.f32 v59, v57;
	v4 =	vadd.f32 v61, v4  }
0x1a7: {  	v63 =	vld [tilespmem:s23+$0x10500]  }
0x1a8: {  	v2 =	vmul.f32 v2, v3;
	v4 =	vadd.f32 v62, v4  }
0x1a9: {  	v3 =	vld [tilespmem:s23+$0x10700]  }
0x1aa: {  	v2 =	vadd.f32 v2, v4;
	_ =	sdelay $0x1  }
0x1ab: {  	s21 =	sadd.s32 $0x1, s21;
	v2 =	vadd.f32 v63, v2  }
0x1ac: {  	p0 =	sne.s32 s21, $0x8  }
.Ltmp5:
0x1ad: {  	v2 =	vadd.f32 v3, v2;
	(pc) =	sbr.rel @p0 .LBB2_10-.Ltmp5, $3  }
0x1ae: {  	_ = 	snop  }
0x1af: {  	v2 =	vadd.f32 v2, v1;
	_ =	sdelay $0x1  }
0x1b0: {  	[tilespmem:s23+$0x10900] =	vst v2  }
0x1b1: {  	_ =	swait.ge [sflag:s13], $0x4000  }
0x1b2: {  	[sflag:s13] =	ssyncset.done $0x0  }
0x1b3: {  	[sflag:s13] =	ssyncadd.s32 $0xFFFFC000  }
0x1b4: {  	_ =	swait.ge [sflag:s13], $0x4000  }
0x1b5: {  	[sflag:s13] =	ssyncset.done $0x0  }
0x1b6: {  	s19 =	simm.s32 $0x0;
	s21 =	simm.s32 $0x0;
	[sflag:s13] =	ssyncadd.s32 $0xFFFFC000  }
.LBB2_14:
0x1b7: {  	s23 =	sshll.u32 s21, $0x4  }
0x1b8: {  	v2 =	vmov s23  }
0x1b9: {  	v2 =	vshll.u32 v2, $0x7  }
0x1ba: {  	v3 =	vor.u32 v0, v2  }
0x1bb: {  	s16 =	simm.s32 $0x1;
	v4 =	vor.u32 s19, v3  }
0x1bc: {  	v2 =	vor.u32 $0x40, v3;
	v6 =	vor.u32 s16, v3  }
0x1bd: {  	s25 =	simm.s32 $0x2;
	v5 =	vor.u32 s19, v2  }
0x1be: {  	v8 =	vor.u32 s25, v3  }
0x1bf: {  	v7 =	vor.u32 s16, v2  }
0x1c0: {  	v9 =	vor.u32 s25, v2;
	s25 =	simm.s32 $0x3;
	v4 =	vld.idx.msk [tilespmem:v4+s31+$0x0], $0xffff  }
0x1c1: {  	v10 =	vor.u32 s25, v3;
	v6 =	vld.idx.msk [tilespmem:v6+s31+$0x0], $0xffff  }
0x1c2: {  	v11 =	vor.u32 s25, v2;
	s25 =	simm.s32 $0x4;
	v5 =	vld.idx.msk [tilespmem:v5+s0+$0x0], $0xffff  }
0x1c3: {  	v12 =	vor.u32 s25, v3;
	v8 =	vld.idx.msk [tilespmem:v8+s31+$0x0], $0xffff  }
0x1c4: {  	v13 =	vor.u32 s25, v2;
	s25 =	simm.s32 $0x5;
	v7 =	vld.idx.msk [tilespmem:v7+s0+$0x0], $0xffff  }
0x1c5: {  	v14 =	vor.u32 s25, v3;
	v9 =	vld.idx.msk [tilespmem:v9+s0+$0x0], $0xffff  }
0x1c6: {  	v15 =	vor.u32 s25, v2;
	s25 =	simm.s32 $0x6;
	v10 =	vld.idx.msk [tilespmem:v10+s31+$0x0], $0xffff  }
0x1c7: {  	v16 =	vor.u32 s25, v3;
	v11 =	vld.idx.msk [tilespmem:v11+s0+$0x0], $0xffff;
	v4 =	vmul.f32 v5, v4  }
0x1c8: {  	v17 =	vimm.f32 $0.0e+00;
	v5 =	vld.idx.msk [tilespmem:v12+s31+$0x0], $0xffff;
	v12 =	vor.u32 s25, v2;
	s25 =	simm.s32 $0x7  }
0x1c9: {  	v13 =	vld.idx.msk [tilespmem:v13+s0+$0x0], $0xffff;
	v6 =	vmul.f32 v7, v6;
	v18 =	vor.u32 s25, v3;
	v4 =	vadd.f32 v4, v17  }
0x1ca: {  	v7 =	vld.idx.msk [tilespmem:v14+s31+$0x0], $0xffff;
	v14 =	vor.u32 s25, v2;
	s25 =	simm.s32 $0x8  }
0x1cb: {  	v15 =	vld.idx.msk [tilespmem:v15+s0+$0x0], $0xffff;
	v17 =	vor.u32 s25, v3;
	v4 =	vadd.f32 v6, v4;
	v6 =	vmul.f32 v9, v8  }
0x1cc: {  	v8 =	vld.idx.msk [tilespmem:v16+s31+$0x0], $0xffff;
	v9 =	vor.u32 s25, v2;
	s25 =	simm.s32 $0x9  }
0x1cd: {  	v12 =	vld.idx.msk [tilespmem:v12+s0+$0x0], $0xffff;
	v16 =	vor.u32 s25, v3;
	v4 =	vadd.f32 v6, v4;
	v6 =	vmul.f32 v11, v10  }
0x1ce: {  	v10 =	vld.idx.msk [tilespmem:v18+s31+$0x0], $0xffff;
	v11 =	vor.u32 s25, v2;
	s25 =	simm.s32 $0xA  }
0x1cf: {  	v5 =	vmul.f32 v13, v5;
	v14 =	vld.idx.msk [tilespmem:v14+s0+$0x0], $0xffff;
	v18 =	vor.u32 s25, v3;
	v4 =	vadd.f32 v6, v4  }
0x1d0: {  	v13 =	vor.u32 s25, v2;
	s25 =	simm.s32 $0xB;
	v6 =	vld.idx.msk [tilespmem:v17+s31+$0x0], $0xffff  }
0x1d1: {  	v17 =	vld.idx.msk [tilespmem:v9+s0+$0x0], $0xffff;
	v9 =	vor.u32 s25, v3;
	v4 =	vadd.f32 v5, v4;
	v5 =	vmul.f32 v15, v7  }
0x1d2: {  	v7 =	vld.idx.msk [tilespmem:v16+s31+$0x0], $0xffff;
	v15 =	vor.u32 s25, v2;
	s25 =	simm.s32 $0xC  }
0x1d3: {  	v16 =	vld.idx.msk [tilespmem:v11+s0+$0x0], $0xffff;
	v11 =	vor.u32 s25, v3;
	v4 =	vadd.f32 v5, v4;
	v5 =	vmul.f32 v12, v8  }
0x1d4: {  	v18 =	vld.idx.msk [tilespmem:v18+s31+$0x0], $0xffff;
	v8 =	vor.u32 s25, v2;
	s25 =	simm.s32 $0xD  }
0x1d5: {  	v10 =	vmul.f32 v14, v10;
	v19 =	vld.idx.msk [tilespmem:v13+s0+$0x0], $0xffff;
	v12 =	vor.u32 s25, v3;
	v5 =	vadd.f32 v5, v4  }
0x1d6: {  	s16 =	simm.s32 $0xE;
	v14 =	vor.u32 s25, v2;
	v4 =	vld.idx.msk [tilespmem:v9+s31+$0x0], $0xffff  }
0x1d7: {  	v20 =	vor.u32 s16, v3;
	v6 =	vmul.f32 v17, v6;
	v9 =	vld.idx.msk [tilespmem:v15+s0+$0x0], $0xffff;
	v10 =	vadd.f32 v10, v5  }
0x1d8: {  	v5 =	vld.idx.msk [tilespmem:v11+s31+$0x0], $0xffff;
	v11 =	vor.u32 s16, v2;
	s16 =	simm.s32 $0xF  }
0x1d9: {  	v7 =	vmul.f32 v16, v7;
	v8 =	vld.idx.msk [tilespmem:v8+s0+$0x0], $0xffff;
	v15 =	vor.u32 s16, v3;
	v17 =	vadd.f32 v6, v10  }
0x1da: {  	s25 =	simm.s32 $0x10;
	v6 =	vld.idx.msk [tilespmem:v12+s31+$0x0], $0xffff;
	v12 =	vor.u32 s16, v2  }
0x1db: {  	v13 =	vor.u32 s25, v3;
	v10 =	vld.idx.msk [tilespmem:v14+s0+$0x0], $0xffff;
	v16 =	vadd.f32 v7, v17;
	v17 =	vmul.f32 v19, v18  }
0x1dc: {  	s28 =	simm.s32 $0x20;
	v14 =	vor.u32 s25, v2;
	s16 =	simm.s32 $0x11;
	v7 =	vld.idx.msk [tilespmem:v20+s31+$0x0], $0xffff  }
.LBB2_15:
0x1dd: {  	p0 =	slt.u32 s28, $0x30;
	v18 =	vor.u32 s16, v3;
	v16 =	vadd.f32 v17, v16;
	v4 =	vmul.f32 v9, v4;
	v9 =	vld.idx.msk [tilespmem:v11+s0+$0x0], $0xffff  }
0x1de: {  	v11 =	vor.u32 s16, v2;
	s16 =	sadd.s32 $0x2, s25;
	v15 =	vld.idx.msk [tilespmem:v15+s31+$0x0], $0xffff  }
0x1df: {  	v17 =	vor.u32 s16, v3;
	v5 =	vmul.f32 v8, v5;
	v4 =	vadd.f32 v4, v16;
	v8 =	vld.idx.msk [tilespmem:v12+s0+$0x0], $0xffff  }
0x1e0: {  	v12 =	vld.idx.msk [tilespmem:v13+s31+$0x0], $0xffff;
	v13 =	vor.u32 s16, v2;
	s16 =	sadd.s32 $0x3, s25  }
0x1e1: {  	v14 =	vld.idx.msk [tilespmem:v14+s0+$0x0], $0xffff;
	v16 =	vor.u32 s16, v3;
	v4 =	vadd.f32 v5, v4;
	v5 =	vmul.f32 v10, v6  }
0x1e2: {  	v10 =	vor.u32 s16, v2;
	s16 =	sadd.s32 $0x4, s25;
	v6 =	vld.idx.msk [tilespmem:v18+s31+$0x0], $0xffff  }
0x1e3: {  	v18 =	vor.u32 s16, v3;
	v11 =	vld.idx.msk [tilespmem:v11+s0+$0x0], $0xffff;
	v4 =	vadd.f32 v5, v4;
	v5 =	vmul.f32 v9, v7  }
0x1e4: {  	v9 =	vor.u32 s16, v2;
	s16 =	sadd.s32 $0x5, s25;
	v7 =	vld.idx.msk [tilespmem:v17+s31+$0x0], $0xffff  }
0x1e5: {  	v17 =	vor.u32 s16, v3;
	v13 =	vld.idx.msk [tilespmem:v13+s0+$0x0], $0xffff;
	v4 =	vadd.f32 v5, v4;
	v5 =	vmul.f32 v8, v15  }
0x1e6: {  	v15 =	vor.u32 s16, v2;
	s16 =	sadd.s32 $0x6, s25;
	v8 =	vld.idx.msk [tilespmem:v16+s31+$0x0], $0xffff  }
0x1e7: {  	v12 =	vmul.f32 v14, v12;
	v14 =	vor.u32 s16, v3;
	v10 =	vld.idx.msk [tilespmem:v10+s0+$0x0], $0xffff;
	v4 =	vadd.f32 v5, v4  }
0x1e8: {  	v16 =	vor.u32 s16, v2;
	s16 =	sadd.s32 $0x7, s25;
	v5 =	vld.idx.msk [tilespmem:v18+s31+$0x0], $0xffff  }
0x1e9: {  	v6 =	vmul.f32 v11, v6;
	v11 =	vor.u32 s16, v3;
	v4 =	vadd.f32 v12, v4;
	v9 =	vld.idx.msk [tilespmem:v9+s0+$0x0], $0xffff  }
0x1ea: {  	v12 =	vld.idx.msk [tilespmem:v17+s31+$0x0], $0xffff;
	v17 =	vor.u32 s16, v2;
	s16 =	sadd.s32 $0x8, s25  }
0x1eb: {  	v4 =	vadd.f32 v6, v4;
	v6 =	vmul.f32 v13, v7;
	v7 =	vld.idx.msk [tilespmem:v15+s0+$0x0], $0xffff;
	v13 =	vor.u32 s16, v3  }
0x1ec: {  	v15 =	vor.u32 s16, v2;
	s16 =	sadd.s32 $0x9, s25;
	v14 =	vld.idx.msk [tilespmem:v14+s31+$0x0], $0xffff  }
0x1ed: {  	v4 =	vadd.f32 v6, v4;
	v6 =	vmul.f32 v10, v8;
	v8 =	vld.idx.msk [tilespmem:v16+s0+$0x0], $0xffff;
	v10 =	vor.u32 s16, v3  }
0x1ee: {  	v16 =	vor.u32 s16, v2;
	s16 =	sadd.s32 $0xA, s25;
	v11 =	vld.idx.msk [tilespmem:v11+s31+$0x0], $0xffff  }
0x1ef: {  	v5 =	vmul.f32 v9, v5;
	v9 =	vor.u32 s16, v3;
	v4 =	vadd.f32 v6, v4;
	v6 =	vld.idx.msk [tilespmem:v17+s0+$0x0], $0xffff  }
0x1f0: {  	v17 =	vor.u32 s16, v2;
	s16 =	sadd.s32 $0xB, s25;
	v13 =	vld.idx.msk [tilespmem:v13+s31+$0x0], $0xffff  }
0x1f1: {  	v4 =	vadd.f32 v5, v4;
	v5 =	vmul.f32 v7, v12;
	v7 =	vld.idx.msk [tilespmem:v15+s0+$0x0], $0xffff;
	v12 =	vor.u32 s16, v3  }
0x1f2: {  	v15 =	vor.u32 s16, v2;
	s16 =	sadd.s32 $0xC, s25;
	v10 =	vld.idx.msk [tilespmem:v10+s31+$0x0], $0xffff  }
0x1f3: {  	v4 =	vadd.f32 v5, v4;
	v5 =	vmul.f32 v8, v14;
	v8 =	vld.idx.msk [tilespmem:v16+s0+$0x0], $0xffff;
	v14 =	vor.u32 s16, v3  }
0x1f4: {  	v16 =	vor.u32 s16, v2;
	s16 =	sadd.s32 $0xD, s25;
	v18 =	vld.idx.msk [tilespmem:v9+s31+$0x0], $0xffff  }
0x1f5: {  	v6 =	vmul.f32 v6, v11;
	v19 =	vor.u32 s16, v3;
	v5 =	vadd.f32 v5, v4;
	v17 =	vld.idx.msk [tilespmem:v17+s0+$0x0], $0xffff  }
0x1f6: {  	v20 =	vor.u32 s16, v2;
	s16 =	sadd.s32 $0xE, s25;
	v4 =	vld.idx.msk [tilespmem:v12+s31+$0x0], $0xffff  }
0x1f7: {  	v21 =	vor.u32 s16, v3;
	v7 =	vmul.f32 v7, v13;
	v6 =	vadd.f32 v6, v5;
	v9 =	vld.idx.msk [tilespmem:v15+s0+$0x0], $0xffff  }
.Ltmp6:
0x1f8: {  	v11 =	vor.u32 s16, v2;
	s16 =	sadd.s32 $0xF, s25;
	s25 =	smov.u32 s28;
	v5 =	vld.idx.msk [tilespmem:v14+s31+$0x0], $0xffff;
	(pc) =	sbr.rel @p0 .LBB2_15-.Ltmp6, $4  }
0x1f9: {  	v15 =	vor.u32 s16, v3;
	v10 =	vmul.f32 v8, v10;
	v7 =	vadd.f32 v7, v6;
	v8 =	vld.idx.msk [tilespmem:v16+s0+$0x0], $0xffff  }
0x1fa: {  	v12 =	vor.u32 s16, v2;
	v6 =	vld.idx.msk [tilespmem:v19+s31+$0x0], $0xffff  }
0x1fb: {  	v13 =	vor.u32 s28, v3;
	v17 =	vmul.f32 v17, v18;
	v16 =	vadd.f32 v10, v7;
	v10 =	vld.idx.msk [tilespmem:v20+s0+$0x0], $0xffff  }
0x1fc: {  	s28 =	sadd.s32 $0x10, s28;
	s16 =	sadd.s32 $0x1, s25;
	v14 =	vor.u32 s25, v2;
	v7 =	vld.idx.msk [tilespmem:v21+s31+$0x0], $0xffff  }
0x1fd: {  	_ =	sdelay $0x2  }
0x1fe: {  	v16 =	vadd.f32 v17, v16;
	v4 =	vmul.f32 v9, v4  }
0x1ff: {  	v47 =	vor.u32 s16, v3;
	v11 =	vld.idx.msk [tilespmem:v11+s0+$0x0], $0xffff  }
0x200: {  	v48 =	vor.u32 s16, v2;
	s28 =	sadd.s32 $0x2, s25;
	v15 =	vld.idx.msk [tilespmem:v15+s31+$0x0], $0xffff;
	v5 =	vmul.f32 v8, v5;
	v4 =	vadd.f32 v4, v16  }
0x201: {  	v12 =	vld.idx.msk [tilespmem:v12+s0+$0x0], $0xffff;
	v49 =	vor.u32 s28, v3  }
0x202: {  	v13 =	vld.idx.msk [tilespmem:v13+s31+$0x0], $0xffff;
	v50 =	vor.u32 s28, v2;
	s28 =	sadd.s32 $0x3, s25;
	v51 =	vmul.f32 v10, v6;
	v4 =	vadd.f32 v5, v4  }
0x203: {  	v52 =	vld.idx.msk [tilespmem:v14+s0+$0x0], $0xffff;
	v53 =	vor.u32 s28, v3  }
0x204: {  	v54 =	vor.u32 s28, v2;
	s28 =	sadd.s32 $0x4, s25;
	v9 =	vld.idx.msk [tilespmem:v47+s31+$0x0], $0xffff;
	v55 =	vmul.f32 v11, v7;
	v4 =	vadd.f32 v51, v4  }
0x205: {  	v57 =	vor.u32 s28, v3;
	v56 =	vld.idx.msk [tilespmem:v48+s0+$0x0], $0xffff  }
0x206: {  	v58 =	vor.u32 s28, v2;
	s28 =	sadd.s32 $0x5, s25;
	v59 =	vmul.f32 v12, v15;
	v8 =	vld.idx.msk [tilespmem:v49+s31+$0x0], $0xffff;
	v4 =	vadd.f32 v55, v4  }
0x207: {  	v61 =	vor.u32 s28, v3;
	v60 =	vld.idx.msk [tilespmem:v50+s0+$0x0], $0xffff  }
0x208: {  	v62 =	vor.u32 s28, v2;
	s28 =	sadd.s32 $0x6, s25;
	v6 =	vmul.f32 v52, v13;
	v10 =	vld.idx.msk [tilespmem:v53+s31+$0x0], $0xffff;
	v4 =	vadd.f32 v59, v4  }
0x209: {  	v20 =	vor.u32 s28, v3;
	v63 =	vld.idx.msk [tilespmem:v54+s0+$0x0], $0xffff  }
0x20a: {  	v21 =	vor.u32 s28, v2;
	s28 =	sadd.s32 $0x7, s25;
	v11 =	vld.idx.msk [tilespmem:v57+s31+$0x0], $0xffff;
	v22 =	vmul.f32 v56, v9;
	v4 =	vadd.f32 v6, v4  }
0x20b: {  	v24 =	vor.u32 s28, v3;
	v23 =	vld.idx.msk [tilespmem:v58+s0+$0x0], $0xffff  }
0x20c: {  	v25 =	vor.u32 s28, v2;
	s28 =	sadd.s32 $0x8, s25;
	v15 =	vld.idx.msk [tilespmem:v61+s31+$0x0], $0xffff;
	v26 =	vmul.f32 v60, v8;
	v4 =	vadd.f32 v22, v4  }
0x20d: {  	v28 =	vor.u32 s28, v3;
	v27 =	vld.idx.msk [tilespmem:v62+s0+$0x0], $0xffff  }
0x20e: {  	v29 =	vor.u32 s28, v2;
	s28 =	sadd.s32 $0x9, s25;
	v13 =	vld.idx.msk [tilespmem:v20+s31+$0x0], $0xffff;
	v5 =	vmul.f32 v63, v10;
	v4 =	vadd.f32 v26, v4  }
0x20f: {  	v31 =	vor.u32 s28, v3;
	v30 =	vld.idx.msk [tilespmem:v21+s0+$0x0], $0xffff  }
0x210: {  	v32 =	vor.u32 s28, v2;
	s28 =	sadd.s32 $0xA, s25;
	v9 =	vld.idx.msk [tilespmem:v24+s31+$0x0], $0xffff;
	v33 =	vmul.f32 v23, v11;
	v4 =	vadd.f32 v5, v4  }
0x211: {  	v35 =	vor.u32 s28, v3;
	v34 =	vld.idx.msk [tilespmem:v25+s0+$0x0], $0xffff  }
0x212: {  	v36 =	vor.u32 s28, v2;
	s28 =	sadd.s32 $0xB, s25;
	v12 =	vld.idx.msk [tilespmem:v28+s31+$0x0], $0xffff;
	v37 =	vmul.f32 v27, v15;
	v4 =	vadd.f32 v33, v4  }
0x213: {  	v39 =	vor.u32 s28, v3;
	v38 =	vld.idx.msk [tilespmem:v29+s0+$0x0], $0xffff  }
0x214: {  	v40 =	vor.u32 s28, v2;
	s28 =	sadd.s32 $0xC, s25;
	v10 =	vld.idx.msk [tilespmem:v31+s31+$0x0], $0xffff;
	v41 =	vmul.f32 v30, v13;
	v4 =	vadd.f32 v37, v4  }
0x215: {  	v43 =	vor.u32 s28, v3;
	v42 =	vld.idx.msk [tilespmem:v32+s0+$0x0], $0xffff  }
0x216: {  	v44 =	vor.u32 s28, v2;
	s28 =	sadd.s32 $0xD, s25;
	v11 =	vld.idx.msk [tilespmem:v35+s31+$0x0], $0xffff;
	v45 =	vmul.f32 v34, v9;
	v4 =	vadd.f32 v41, v4  }
0x217: {  	v47 =	vor.u32 s28, v3;
	v46 =	vld.idx.msk [tilespmem:v36+s0+$0x0], $0xffff  }
0x218: {  	v48 =	vor.u32 s28, v2;
	s28 =	sadd.s32 $0xE, s25;
	v15 =	vld.idx.msk [tilespmem:v39+s31+$0x0], $0xffff;
	v49 =	vmul.f32 v38, v12;
	v4 =	vadd.f32 v45, v4  }
0x219: {  	v51 =	vor.u32 s28, v3;
	v50 =	vld.idx.msk [tilespmem:v40+s0+$0x0], $0xffff  }
0x21a: {  	v52 =	vor.u32 s28, v2;
	s28 =	sadd.s32 $0xF, s25;
	v13 =	vld.idx.msk [tilespmem:v43+s31+$0x0], $0xffff;
	v53 =	vmul.f32 v42, v10;
	v4 =	vadd.f32 v49, v4  }
0x21b: {  	v3 =	vor.u32 s28, v3;
	v54 =	vld.idx.msk [tilespmem:v44+s0+$0x0], $0xffff  }
0x21c: {  	v2 =	vor.u32 s28, v2;
	v9 =	vld.idx.msk [tilespmem:v47+s31+$0x0], $0xffff;
	v55 =	vmul.f32 v46, v11;
	v4 =	vadd.f32 v53, v4  }
0x21d: {  	v56 =	vld.idx.msk [tilespmem:v48+s0+$0x0], $0xffff  }
0x21e: {  	v57 =	vld.idx.msk [tilespmem:v51+s31+$0x0], $0xffff;
	v58 =	vmul.f32 v50, v15;
	v4 =	vadd.f32 v55, v4  }
0x21f: {  	v59 =	vld.idx.msk [tilespmem:v52+s0+$0x0], $0xffff  }
0x220: {  	v3 =	vld.idx.msk [tilespmem:v3+s31+$0x0], $0xffff;
	v60 =	vmul.f32 v54, v13;
	v4 =	vadd.f32 v58, v4  }
0x221: {  	v2 =	vld.idx.msk [tilespmem:v2+s0+$0x0], $0xffff  }
0x222: {  	v61 =	vmul.f32 v56, v9;
	v4 =	vadd.f32 v60, v4;
	_ =	sdelay $0x1  }
0x223: {  	v62 =	vmul.f32 v59, v57;
	v4 =	vadd.f32 v61, v4  }
0x224: {  	v63 =	vld [tilespmem:s23+$0x10580]  }
0x225: {  	v2 =	vmul.f32 v2, v3;
	v4 =	vadd.f32 v62, v4  }
0x226: {  	v3 =	vld [tilespmem:s23+$0x10780]  }
0x227: {  	v2 =	vadd.f32 v2, v4;
	_ =	sdelay $0x1  }
0x228: {  	s21 =	sadd.s32 $0x1, s21;
	v2 =	vadd.f32 v63, v2  }
0x229: {  	p0 =	sne.s32 s21, $0x8  }
.Ltmp7:
0x22a: {  	v2 =	vadd.f32 v3, v2;
	(pc) =	sbr.rel @p0 .LBB2_14-.Ltmp7, $3  }
0x22b: {  	_ = 	snop  }
0x22c: {  	v2 =	vadd.f32 v2, v1;
	_ =	sdelay $0x1  }
0x22d: {  	[tilespmem:s23+$0x10980] =	vst v2  }
0x22e: {  	_ =	swait.ge [sflag:s15], $0x80  }
0x22f: {  	[sflag:s15] =	ssyncset.done $0x0  }
0x230: {  	[sflag:s15] =	ssyncadd.s32 $0xFFFFFF80  }
0x231: {  	_ =	swait.ge [sflag:s15], $0x80  }
0x232: {  	[sflag:s15] =	ssyncset.done $0x0  }
0x233: {  	[sflag:s15] =	ssyncadd.s32 $0xFFFFFF80  }
0x234: {  	_ =	swait.ge [sflag:s15], $0x80  }
0x235: {  	[sflag:s15] =	ssyncset.done $0x0  }
0x236: {  	[sflag:s15] =	ssyncadd.s32 $0xFFFFFF80  }
0x237: {  	_ =	swait.ge [sflag:s15], $0x80  }
0x238: {  	[sflag:s15] =	ssyncset.done $0x0  }
0x239: {  	[sflag:s15] =	ssyncadd.s32 $0xFFFFFF80  }
0x23a: {  	_ =	swait.ge [sflag:s15], $0x80  }
0x23b: {  	[sflag:s15] =	ssyncset.done $0x0  }
0x23c: {  	[sflag:s15] =	ssyncadd.s32 $0xFFFFFF80  }
0x23d: {  	_ =	swait.ge [sflag:s15], $0x80  }
0x23e: {  	[sflag:s15] =	ssyncset.done $0x0  }
0x23f: {  	[sflag:s15] =	ssyncadd.s32 $0xFFFFFF80  }
0x240: {  	_ =	swait.ge [sflag:s15], $0x80  }
0x241: {  	[sflag:s15] =	ssyncset.done $0x0  }
0x242: {  	[sflag:s15] =	ssyncadd.s32 $0xFFFFFF80  }
0x243: {  	s17 =	sadd.s32 $0x1, s17;
	_ =	swait.ge [sflag:s15], $0x80  }
0x244: {  	p0 =	sne.s32 s17, s10;
	[sflag:s15] =	ssyncset.done $0x0  }
.Ltmp8:
0x245: {  	s16 =	simm.s32 $0x10800;
	[sflag:s15] =	ssyncadd.s32 $0xFFFFFF80;
	(pc) =	sbr.rel @p0 .LBB2_1-.Ltmp8, $4  }
0x246: {  	[hbm4b:s9+s1] =	stream.linear.scatter [tilespmem:s16], [sflag:$0x4], $0x200, $0x38;
	[tilespmem:$0x10A80] =	vst v63  }
0x247: {  	_ =	swait.ge [sflag:s11], $0x200  }
0x248: {  	[sflag:s11] =	ssyncset.done $0x0  }
0x249: {  	[sflag:s11] =	ssyncadd.s32 $0xFFFFFE00  }
0x24a: {  	_ =	sfence.sel $0x180000  }
0x24b: {  	[bflag:$0x0] =	sbarrier.arrive $0xFFFF  }
0x24c: {  	_ =	strace $0x90000047  }
0x24d: {  	s0 =	stileid.u32;
	[bflag:$0x2] =	sbarrier.arrive $0xFFFF  }
0x24e: {  	p0 =	sne.s32 s0, $0x0;
	s0 =	rddreg [dreg:$0x4]  }
0x24f: {  	s0 =	sadd.s32 @!p0 $0x100000, s0  }
0x250: {  	[sflag:s0] =	ssyncadd.tile.s32 @!p0 $0x1;
	_ =	shalt  }
.Lfunc_end2:
_tile_overlayer_lowered:
.L_overlay_start_2:
0x251: {  	(tag) =	ssettag $0x2  }
0x252: {  	s0 =	rddreg [dreg:$0x0];
	s2 =	stileid.u32  }
0x253: {  	s1 =	rddreg [dreg:$0x1];
	p0 =	sne.s32 s2, $0x0  }
0x254: {  	s3 =	rddreg [dreg:$0x2];
	[bflag:$0x3] =	sbarrier.arrive $0xFFFF;
	s2 =	simm.s32 @!p0 $0x1C04  }
0x255: {  	[timem:s3], [sflag:s2] =	dma.local @!p0 [hbm:s0], s1  }
0x256: {  	s0 =	simm.s32 @!p0 $0x4  }
0x257: {  	_ =	swait.ge @!p0 [sflag:s0], s1  }
0x258: {  	s1 =	ssub.s32 @!p0 $0x0, s1;
	[sflag:s0] =	ssyncset.done @!p0 $0x0  }
0x259: {  	[sflag:s0] =	ssyncadd.s32 @!p0 s1  }
0x25a: {  	[bflag:$0x3] =	sbarrier.arrive $0xFFFF  }
0x25b: {  	_ =	shalt  }

</sc_bundles>
